<compile_context>
chip_gen: v7x
topology: tpu7x:2x2x1
jax: 0.10.2.dev20260603
libtpu: 0.0.44.dev20260713+nightly
codegen_flags: <defaults>
</compile_context>

<pallas_src>
import functools

import jax
import jax.numpy as jnp
from jax import lax
from jax.experimental import pallas as pl
from jax.experimental.pallas import tpu as pltpu
from jax.experimental.pallas import tpu_sc as plsc

N = 160000
D = 256
H = 256
M = 10000
OUT = 128
DH = 128

NC = 2
NS = 16
CH = 80
SEG_BLK = 2000
SEG_TILES = M // SEG_BLK

PHI_BLK = 3200
RHO_BLK = 1000

STAGE_SIZES = (57600, 51200, 51200)
assert sum(STAGE_SIZES) == N



def _phi_body(x_ref, w1_ref, b1_ref, w2_ref, b2_ref, out_ref):
    x = x_ref[...].astype(jnp.bfloat16)
    h = jnp.maximum(
        jnp.dot(x, w1_ref[...], preferred_element_type=jnp.float32)
        + b1_ref[...], 0.0)
    y = jnp.dot(h.astype(jnp.bfloat16), w2_ref[...],
                preferred_element_type=jnp.float32) + b2_ref[...]
    out_ref[0] = y[:, :DH]
    out_ref[1] = y[:, DH:]


def _phi_stage(x, w1, b1, w2, b2, row0, count):
    blk0 = row0 // PHI_BLK
    return pl.pallas_call(
        _phi_body,
        grid=(count // PHI_BLK,),
        in_specs=[
            pl.BlockSpec((PHI_BLK, D), lambda i: (blk0 + i, 0)),
            pl.BlockSpec((D, H), lambda i: (0, 0)),
            pl.BlockSpec((1, H), lambda i: (0, 0)),
            pl.BlockSpec((H, D), lambda i: (0, 0)),
            pl.BlockSpec((1, D), lambda i: (0, 0)),
        ],
        out_specs=pl.BlockSpec((NC, PHI_BLK, DH), lambda i: (0, i, 0)),
        out_shape=jax.ShapeDtypeStruct((NC, count, DH), jnp.float32),
        compiler_params=pltpu.CompilerParams(
            dimension_semantics=("arbitrary",)),
    )(x, w1, b1, w2, b2)



NBUF = 4
RDEPTH = 2


def _make_seg_body(ids_row0, rows_per_tile):
    nch = rows_per_tile // CH

    def _seg_body(phi_ref, ids_ref, zeros_ref, out_ref,
                  acc, buf, ibuf, *sems):
        c = lax.axis_index("c")
        s = lax.axis_index("s")
        row0 = s * rows_per_tile
        srd = sems[:NBUF]
        ssc = sems[NBUF:]

        def rd_descs(k, b):
            base = row0 + k * CH
            dr = pltpu.make_async_copy(
                phi_ref.at[c, pl.ds(base, CH)], buf.at[b], srd[b])
            di = pltpu.make_async_copy(
                ids_ref.at[pl.ds(ids_row0 + base, CH)], ibuf.at[b], srd[b])
            return dr, di

        def sc_start(b):
            pltpu.async_copy(buf.at[b], acc.at[ibuf.at[b]], ssc[b], add=True)

        def sc_wait(b):
            pltpu.make_async_copy(
                buf.at[b], acc.at[ibuf.at[b]], ssc[b]).wait()

        @pl.when(s < SEG_TILES)
        def _():
            pltpu.sync_copy(zeros_ref, acc.at[pl.ds(s * SEG_BLK, SEG_BLK)])
        plsc.subcore_barrier()

        for b in range(RDEPTH):
            dr, di = rd_descs(b, b)
            dr.start()
            di.start()

        def step(k, b):
            dr, di = rd_descs(k, b)
            dr.wait()
            di.wait()
            sc_start(b)
            bj = (b + RDEPTH) % NBUF

            @pl.when(k - (NBUF - RDEPTH) >= 0)
            def _():
                sc_wait(bj)

            @pl.when(k + RDEPTH < nch)
            def _():
                dr2, di2 = rd_descs(k + RDEPTH, bj)
                dr2.start()
                di2.start()

        main = (nch // NBUF) * NBUF

        @pl.loop(0, main, step=NBUF)
        def _(k0):
            for i in range(NBUF):
                step(k0 + i, i)

        for k in range(main, nch):
            step(k, k % NBUF)
        for k in range(nch - (NBUF - RDEPTH), nch):
            sc_wait(k % NBUF)

        plsc.subcore_barrier()

        @pl.when(s < SEG_TILES)
        def _():
            pltpu.sync_copy(acc.at[pl.ds(s * SEG_BLK, SEG_BLK)],
                            out_ref.at[c, pl.ds(s * SEG_BLK, SEG_BLK)])

    return _seg_body


def _segment_sum_stage(phi_halves, ids, zeros, row0, count):
    fn = pl.kernel(
        _make_seg_body(row0, count // NS),
        out_type=jax.ShapeDtypeStruct((NC, M, DH), jnp.float32),
        mesh=plsc.VectorSubcoreMesh(
            core_axis_name="c", subcore_axis_name="s",
            num_cores=NC, num_subcores=NS),
        scratch_types=[
            pltpu.VMEM_SHARED((M, DH), jnp.float32),
            pltpu.VMEM((NBUF, CH, DH), jnp.float32),
            pltpu.VMEM((NBUF, CH), jnp.int32),
        ] + [pltpu.SemaphoreType.DMA] * (2 * NBUF),
    )
    return fn(phi_halves, ids, zeros)



def _rho_body(*refs):
    nstage = len(STAGE_SIZES)
    parts = refs[:nstage]
    w1_ref, b1_ref, w2_ref, b2_ref, out_ref = refs[nstage:]
    xlo = parts[0][0]
    xhi = parts[0][1]
    for p in parts[1:]:
        xlo = xlo + p[0]
        xhi = xhi + p[1]
    g = jnp.maximum(
        jnp.dot(xlo, w1_ref[:DH, :], preferred_element_type=jnp.float32)
        + jnp.dot(xhi, w1_ref[DH:, :], preferred_element_type=jnp.float32)
        + b1_ref[...], 0.0)
    out_ref[...] = jnp.dot(
        g, w2_ref[...], preferred_element_type=jnp.float32) + b2_ref[...]


def _rho(partials, w1, b1, w2, b2):
    grid = (M // RHO_BLK,)
    part_spec = pl.BlockSpec((NC, RHO_BLK, DH), lambda i: (0, i, 0))
    return pl.pallas_call(
        _rho_body,
        grid=grid,
        in_specs=[part_spec] * len(partials) + [
            pl.BlockSpec((D, H), lambda i: (0, 0)),
            pl.BlockSpec((1, H), lambda i: (0, 0)),
            pl.BlockSpec((H, OUT), lambda i: (0, 0)),
            pl.BlockSpec((1, OUT), lambda i: (0, 0)),
        ],
        out_specs=pl.BlockSpec((RHO_BLK, OUT), lambda i: (i, 0)),
        out_shape=jax.ShapeDtypeStruct((M, OUT), jnp.float32),
        compiler_params=pltpu.CompilerParams(
            dimension_semantics=("arbitrary",)),
    )(*partials, w1, b1.reshape(1, H), w2, b2.reshape(1, OUT))



@jax.jit
def kernel(f_subgraphs, phi_w1, phi_b1, phi_w2, phi_b2,
           rho_w1, rho_b1, rho_w2, rho_b2, segment_ids):
    ids = segment_ids.astype(jnp.int32)
    zeros = jnp.zeros((SEG_BLK, DH), jnp.float32)
    w1 = phi_w1.astype(jnp.bfloat16)
    w2 = phi_w2.astype(jnp.bfloat16)
    b1 = phi_b1.reshape(1, H)
    b2 = phi_b2.reshape(1, D)

    partials = []
    row0 = 0
    for count in STAGE_SIZES:
        ph = _phi_stage(f_subgraphs, w1, b1, w2, b2, row0, count)
        partials.append(_segment_sum_stage(ph, ids, zeros, row0, count))
        row0 += count
    return _rho(partials, rho_w1, rho_b1, rho_w2, rho_b2)

# --- scband reference (transcript-rebuilt; emitter-appended) ---
"""Pipeline reference for scband-deep-set-invariant-model-83880711291234 (READ-ONLY COPY).

The authoritative reference and input builder live on the scoring server;
editing this copy changes nothing except your own understanding.
"""

import jax, jax.numpy as jnp
import numpy as np

N = 160000   # total subgraph rows
D = 256      # feature dim (phi preserves dim so sum matches f_subgraphs.shape[1])
H = 256      # hidden dim
M = 10000    # number of molecules (segments)
OUT = 128    # rho output dim


def setup_inputs(seed: int = 0) -> dict:
    key = jax.random.key(seed)
    ks = jax.random.split(key, 8)
    f_subgraphs = jax.random.normal(ks[0], (N, D), dtype=jnp.float32)
    segment_ids = jnp.sort(jax.random.randint(ks[1], (N,), 0, M, dtype=jnp.int64))
    # phi: Linear(D,H) -> ReLU -> Linear(H,D)
    phi_w1 = jax.random.normal(ks[2], (D, H), dtype=jnp.float32) * 0.05
    phi_b1 = jnp.zeros((H,), dtype=jnp.float32)
    phi_w2 = jax.random.normal(ks[3], (H, D), dtype=jnp.float32) * 0.05
    phi_b2 = jnp.zeros((D,), dtype=jnp.float32)
    # rho: Linear(D,H) -> ReLU -> Linear(H,OUT)
    rho_w1 = jax.random.normal(ks[4], (D, H), dtype=jnp.float32) * 0.05
    rho_b1 = jnp.zeros((H,), dtype=jnp.float32)
    rho_w2 = jax.random.normal(ks[5], (H, OUT), dtype=jnp.float32) * 0.05
    rho_b2 = jnp.zeros((OUT,), dtype=jnp.float32)
    return {
        "f_subgraphs": f_subgraphs,
        "phi_w1": phi_w1, "phi_b1": phi_b1, "phi_w2": phi_w2, "phi_b2": phi_b2,
        "rho_w1": rho_w1, "rho_b1": rho_b1, "rho_w2": rho_w2, "rho_b2": rho_b2,
        "segment_ids": segment_ids,
    }


def reference(f_subgraphs, phi_w1, phi_b1, phi_w2, phi_b2,
              rho_w1, rho_b1, rho_w2, rho_b2, segment_ids):
    # phi applied per-subgraph
    h = jnp.maximum(f_subgraphs @ phi_w1 + phi_b1, 0.0)
    phi_subgraphs = h @ phi_w2 + phi_b2
    # per-molecule sum over subgraph scopes == segment_sum over segment_ids
    phi_mols = jax.ops.segment_sum(phi_subgraphs, segment_ids, num_segments=M)
    # rho applied per-molecule
    g = jnp.maximum(phi_mols @ rho_w1 + rho_b1, 0.0)
    out = g @ rho_w2 + rho_b2
    return out

if __name__ == "__main__":
    import jax
    _d = setup_inputs()
    print(jax.jit(kernel)(*tuple(_d.values())))

</pallas_src>

<mosaic_0001>
#map = affine_map<(d0, d1) -> (0, 0, 0)>
#map1 = affine_map<(d0, d1) -> (0)>
#map2 = affine_map<(d0, d1) -> (0, 0)>
module attributes {stable_mosaic.version = 14 : i64} {
  func.func @_seg_body(%arg0: i32, %arg1: i32, %arg2: memref<2x57600x128xf32, #tpu.memory_space<hbm>>, %arg3: memref<160000xi32, #tpu.memory_space<hbm>>, %arg4: memref<2000x128xf32, #tpu.memory_space<hbm>>, %arg5: memref<2x10000x128xf32, #tpu.memory_space<hbm>>, %arg6: memref<10000x128xf32, #tpu.memory_space<vmem_shared>>, %arg7: memref<4x80x128xf32, #tpu.memory_space<vmem>>, %arg8: memref<4x80xi32, #tpu.memory_space<vmem>>, %arg9: memref<!tpu.dma_semaphore, #tpu.memory_space<semaphore_mem>>, %arg10: memref<!tpu.dma_semaphore, #tpu.memory_space<semaphore_mem>>, %arg11: memref<!tpu.dma_semaphore, #tpu.memory_space<semaphore_mem>>, %arg12: memref<!tpu.dma_semaphore, #tpu.memory_space<semaphore_mem>>, %arg13: memref<!tpu.dma_semaphore, #tpu.memory_space<semaphore_mem>>, %arg14: memref<!tpu.dma_semaphore, #tpu.memory_space<semaphore_mem>>, %arg15: memref<!tpu.dma_semaphore, #tpu.memory_space<semaphore_mem>>, %arg16: memref<!tpu.dma_semaphore, #tpu.memory_space<semaphore_mem>>) attributes {dimension_semantics = [#tpu.dimension_semantics<core_parallel>, #tpu.dimension_semantics<subcore_parallel>], iteration_bounds = array<i64: 2, 16>, scalar_prefetch = 0 : i64, scratch_operands = 11 : i64, tpu.core_type = #tpu.core_type<sc_vector_subcore>, window_params = [{transform_indices = #map}, {transform_indices = #map1}, {transform_indices = #map2}, {transform_indices = #map}]} {
    %mul3A = arith.constant 3600 : i32
    %mul3A_0 = arith.muli %arg1, %mul3A : i32
    %lt3A = arith.constant 5 : i32
    %lt3A_1 = arith.cmpi slt, %arg1, %lt3A : i32
    %convert_element_type3A = arith.extui %lt3A_1 : i1 to i32
    %cond3A = arith.constant 0 : i32
    %cond3A_2 = arith.cmpi ne, %convert_element_type3A, %cond3A : i32
    scf.if %cond3A_2 {
      %mul3A_142 = arith.constant 2000 : i32
      %mul3A_143 = arith.muli %arg1, %mul3A_142 : i32
      "tpu.region"() ({
        %run_scoped3A = tpu.sem_alloc : memref<!tpu.dma_semaphore, #tpu.memory_space<semaphore_mem>>
        %dma_start3A_144 = arith.constant 0 : i32
        %dma_start3A_145 = tpu.memref_slice %arg6[%mul3A_143, %dma_start3A_144] : memref<10000x128xf32, #tpu.memory_space<vmem_shared>> -> memref<2000x128xf32, #tpu.memory_space<vmem_shared>>
        tpu.enqueue_dma source(%arg4 : memref<2000x128xf32, #tpu.memory_space<hbm>>) target(%dma_start3A_145 : memref<2000x128xf32, #tpu.memory_space<vmem_shared>>) target_semaphore(%run_scoped3A : memref<!tpu.dma_semaphore, #tpu.memory_space<semaphore_mem>>)
        %dma_wait3A_146 = arith.constant 0 : i32
        %dma_wait3A_147 = tpu.memref_slice %arg6[%mul3A_143, %dma_wait3A_146] : memref<10000x128xf32, #tpu.memory_space<vmem_shared>> -> memref<2000x128xf32, #tpu.memory_space<vmem_shared>>
        tpu.wait_dma2 semaphore(%run_scoped3A : memref<!tpu.dma_semaphore, #tpu.memory_space<semaphore_mem>>) src(%arg4 : memref<2000x128xf32, #tpu.memory_space<hbm>>) dst(%dma_wait3A_147 : memref<2000x128xf32, #tpu.memory_space<vmem_shared>>)
        tpu.yield
      }) : () -> ()
    } else {
    }
    %barrier3A = arith.constant 0 : index
    tpu.barrier barrier_id(%barrier3A)
    %add3A = arith.constant 0 : i32
    %add3A_3 = arith.addi %mul3A_0, %add3A : i32
    %add3A_4 = arith.constant 0 : i32
    %add3A_5 = arith.addi %add3A_4, %add3A_3 : i32
    %dma_start3A = arith.constant 0 : i32
    %dma_start3A_6 = arith.constant 0 : i32
    %dma_start3A_7 = arith.constant 0 : i32
    %dma_start3A_8 = tpu.memref_slice %arg7[%dma_start3A, %dma_start3A_6, %dma_start3A_7] : memref<4x80x128xf32, #tpu.memory_space<vmem>> -> memref<1x80x128xf32, #tpu.memory_space<vmem>>
    %dma_start3A_9 = tpu.memref_squeeze %dma_start3A_8 : memref<1x80x128xf32, #tpu.memory_space<vmem>> -> memref<80x128xf32, #tpu.memory_space<vmem>>
    %dma_start3A_10 = arith.constant 0 : i32
    %dma_start3A_11 = tpu.memref_slice %arg2[%arg0, %add3A_3, %dma_start3A_10] : memref<2x57600x128xf32, #tpu.memory_space<hbm>> -> memref<1x80x128xf32, #tpu.memory_space<hbm>>
    %dma_start3A_12 = tpu.memref_squeeze %dma_start3A_11 : memref<1x80x128xf32, #tpu.memory_space<hbm>> -> memref<80x128xf32, #tpu.memory_space<hbm>>
    %dma_start3A_13 = arith.constant 0 : i32
    %dma_start3A_14 = arith.constant 0 : i32
    %dma_start3A_15 = tpu.memref_slice %arg7[%dma_start3A, %dma_start3A_13, %dma_start3A_14] : memref<4x80x128xf32, #tpu.memory_space<vmem>> -> memref<1x80x128xf32, #tpu.memory_space<vmem>>
    %dma_start3A_16 = tpu.memref_squeeze %dma_start3A_15 : memref<1x80x128xf32, #tpu.memory_space<vmem>> -> memref<80x128xf32, #tpu.memory_space<vmem>>
    %dma_start3A_17 = arith.constant 0 : i32
    %dma_start3A_18 = tpu.memref_slice %arg2[%arg0, %add3A_3, %dma_start3A_17] : memref<2x57600x128xf32, #tpu.memory_space<hbm>> -> memref<1x80x128xf32, #tpu.memory_space<hbm>>
    %dma_start3A_19 = tpu.memref_squeeze %dma_start3A_18 : memref<1x80x128xf32, #tpu.memory_space<hbm>> -> memref<80x128xf32, #tpu.memory_space<hbm>>
    tpu.enqueue_dma source(%dma_start3A_19 : memref<80x128xf32, #tpu.memory_space<hbm>>) target(%dma_start3A_16 : memref<80x128xf32, #tpu.memory_space<vmem>>) target_semaphore(%arg9 : memref<!tpu.dma_semaphore, #tpu.memory_space<semaphore_mem>>)
    %dma_start3A_20 = arith.constant 0 : i32
    %dma_start3A_21 = arith.constant 0 : i32
    %dma_start3A_22 = tpu.memref_slice %arg8[%dma_start3A_20, %dma_start3A_21] : memref<4x80xi32, #tpu.memory_space<vmem>> -> memref<1x80xi32, #tpu.memory_space<vmem>>
    %dma_start3A_23 = tpu.memref_squeeze %dma_start3A_22 : memref<1x80xi32, #tpu.memory_space<vmem>> -> memref<80xi32, #tpu.memory_space<vmem>>
    %dma_start3A_24 = tpu.memref_slice %arg3[%add3A_5] : memref<160000xi32, #tpu.memory_space<hbm>> -> memref<80xi32, #tpu.memory_space<hbm>>
    %dma_start3A_25 = arith.constant 0 : i32
    %dma_start3A_26 = tpu.memref_slice %arg8[%dma_start3A_20, %dma_start3A_25] : memref<4x80xi32, #tpu.memory_space<vmem>> -> memref<1x80xi32, #tpu.memory_space<vmem>>
    %dma_start3A_27 = tpu.memref_squeeze %dma_start3A_26 : memref<1x80xi32, #tpu.memory_space<vmem>> -> memref<80xi32, #tpu.memory_space<vmem>>
    %dma_start3A_28 = tpu.memref_slice %arg3[%add3A_5] : memref<160000xi32, #tpu.memory_space<hbm>> -> memref<80xi32, #tpu.memory_space<hbm>>
    tpu.enqueue_dma source(%dma_start3A_28 : memref<80xi32, #tpu.memory_space<hbm>>) target(%dma_start3A_27 : memref<80xi32, #tpu.memory_space<vmem>>) target_semaphore(%arg9 : memref<!tpu.dma_semaphore, #tpu.memory_space<semaphore_mem>>)
    %add3A_29 = arith.constant 80 : i32
    %add3A_30 = arith.addi %mul3A_0, %add3A_29 : i32
    %add3A_31 = arith.constant 0 : i32
    %add3A_32 = arith.addi %add3A_31, %add3A_30 : i32
    %dma_start3A_33 = arith.constant 1 : i32
    %dma_start3A_34 = arith.constant 0 : i32
    %dma_start3A_35 = arith.constant 0 : i32
    %dma_start3A_36 = tpu.memref_slice %arg7[%dma_start3A_33, %dma_start3A_34, %dma_start3A_35] : memref<4x80x128xf32, #tpu.memory_space<vmem>> -> memref<1x80x128xf32, #tpu.memory_space<vmem>>
    %dma_start3A_37 = tpu.memref_squeeze %dma_start3A_36 : memref<1x80x128xf32, #tpu.memory_space<vmem>> -> memref<80x128xf32, #tpu.memory_space<vmem>>
    %dma_start3A_38 = arith.constant 0 : i32
    %dma_start3A_39 = tpu.memref_slice %arg2[%arg0, %add3A_30, %dma_start3A_38] : memref<2x57600x128xf32, #tpu.memory_space<hbm>> -> memref<1x80x128xf32, #tpu.memory_space<hbm>>
    %dma_start3A_40 = tpu.memref_squeeze %dma_start3A_39 : memref<1x80x128xf32, #tpu.memory_space<hbm>> -> memref<80x128xf32, #tpu.memory_space<hbm>>
    %dma_start3A_41 = arith.constant 0 : i32
    %dma_start3A_42 = arith.constant 0 : i32
    %dma_start3A_43 = tpu.memref_slice %arg7[%dma_start3A_33, %dma_start3A_41, %dma_start3A_42] : memref<4x80x128xf32, #tpu.memory_space<vmem>> -> memref<1x80x128xf32, #tpu.memory_space<vmem>>
    %dma_start3A_44 = tpu.memref_squeeze %dma_start3A_43 : memref<1x80x128xf32, #tpu.memory_space<vmem>> -> memref<80x128xf32, #tpu.memory_space<vmem>>
    %dma_start3A_45 = arith.constant 0 : i32
    %dma_start3A_46 = tpu.memref_slice %arg2[%arg0, %add3A_30, %dma_start3A_45] : memref<2x57600x128xf32, #tpu.memory_space<hbm>> -> memref<1x80x128xf32, #tpu.memory_space<hbm>>
    %dma_start3A_47 = tpu.memref_squeeze %dma_start3A_46 : memref<1x80x128xf32, #tpu.memory_space<hbm>> -> memref<80x128xf32, #tpu.memory_space<hbm>>
    tpu.enqueue_dma source(%dma_start3A_47 : memref<80x128xf32, #tpu.memory_space<hbm>>) target(%dma_start3A_44 : memref<80x128xf32, #tpu.memory_space<vmem>>) target_semaphore(%arg10 : memref<!tpu.dma_semaphore, #tpu.memory_space<semaphore_mem>>)
    %dma_start3A_48 = arith.constant 1 : i32
    %dma_start3A_49 = arith.constant 0 : i32
    %dma_start3A_50 = tpu.memref_slice %arg8[%dma_start3A_48, %dma_start3A_49] : memref<4x80xi32, #tpu.memory_space<vmem>> -> memref<1x80xi32, #tpu.memory_space<vmem>>
    %dma_start3A_51 = tpu.memref_squeeze %dma_start3A_50 : memref<1x80xi32, #tpu.memory_space<vmem>> -> memref<80xi32, #tpu.memory_space<vmem>>
    %dma_start3A_52 = tpu.memref_slice %arg3[%add3A_32] : memref<160000xi32, #tpu.memory_space<hbm>> -> memref<80xi32, #tpu.memory_space<hbm>>
    %dma_start3A_53 = arith.constant 0 : i32
    %dma_start3A_54 = tpu.memref_slice %arg8[%dma_start3A_48, %dma_start3A_53] : memref<4x80xi32, #tpu.memory_space<vmem>> -> memref<1x80xi32, #tpu.memory_space<vmem>>
    %dma_start3A_55 = tpu.memref_squeeze %dma_start3A_54 : memref<1x80xi32, #tpu.memory_space<vmem>> -> memref<80xi32, #tpu.memory_space<vmem>>
    %dma_start3A_56 = tpu.memref_slice %arg3[%add3A_32] : memref<160000xi32, #tpu.memory_space<hbm>> -> memref<80xi32, #tpu.memory_space<hbm>>
    tpu.enqueue_dma source(%dma_start3A_56 : memref<80xi32, #tpu.memory_space<hbm>>) target(%dma_start3A_55 : memref<80xi32, #tpu.memory_space<vmem>>) target_semaphore(%arg10 : memref<!tpu.dma_semaphore, #tpu.memory_space<semaphore_mem>>)
    %scan3A = arith.constant 0 : i32
    %scan3A_57 = arith.constant 11 : i32
    %scan3A_58 = arith.addi %scan3A, %scan3A_57 : i32
    %scan3A_59 = arith.constant 1 : i32
    scf.for %scan3A_142 = %scan3A to %scan3A_58 step %scan3A_59  : i32 {
      %mul3A_143 = arith.constant 4 : i32
      %mul3A_144 = arith.muli %scan3A_142, %mul3A_143 : i32
      %add3A_145 = arith.constant 0 : i32
      %add3A_146 = arith.addi %add3A_145, %mul3A_144 : i32
      %add3A_147 = arith.constant 0 : i32
      %add3A_148 = arith.addi %add3A_146, %add3A_147 : i32
      %mul3A_149 = arith.constant 80 : i32
      %mul3A_150 = arith.muli %add3A_148, %mul3A_149 : i32
      %add3A_151 = arith.addi %mul3A_0, %mul3A_150 : i32
      %add3A_152 = arith.constant 0 : i32
      %add3A_153 = arith.addi %add3A_152, %add3A_151 : i32
      %dma_wait3A_154 = arith.constant 0 : i32
      %dma_wait3A_155 = arith.constant 0 : i32
      %dma_wait3A_156 = arith.constant 0 : i32
      %dma_wait3A_157 = tpu.memref_slice %arg7[%dma_wait3A_154, %dma_wait3A_155, %dma_wait3A_156] : memref<4x80x128xf32, #tpu.memory_space<vmem>> -> memref<1x80x128xf32, #tpu.memory_space<vmem>>
      %dma_wait3A_158 = tpu.memref_squeeze %dma_wait3A_157 : memref<1x80x128xf32, #tpu.memory_space<vmem>> -> memref<80x128xf32, #tpu.memory_space<vmem>>
      %dma_wait3A_159 = arith.constant 0 : i32
      %dma_wait3A_160 = tpu.memref_slice %arg2[%arg0, %add3A_151, %dma_wait3A_159] : memref<2x57600x128xf32, #tpu.memory_space<hbm>> -> memref<1x80x128xf32, #tpu.memory_space<hbm>>
      %dma_wait3A_161 = tpu.memref_squeeze %dma_wait3A_160 : memref<1x80x128xf32, #tpu.memory_space<hbm>> -> memref<80x128xf32, #tpu.memory_space<hbm>>
      %dma_wait3A_162 = arith.constant 0 : i32
      %dma_wait3A_163 = arith.constant 0 : i32
      %dma_wait3A_164 = tpu.memref_slice %arg7[%dma_wait3A_154, %dma_wait3A_162, %dma_wait3A_163] : memref<4x80x128xf32, #tpu.memory_space<vmem>> -> memref<1x80x128xf32, #tpu.memory_space<vmem>>
      %dma_wait3A_165 = tpu.memref_squeeze %dma_wait3A_164 : memref<1x80x128xf32, #tpu.memory_space<vmem>> -> memref<80x128xf32, #tpu.memory_space<vmem>>
      %dma_wait3A_166 = arith.constant 0 : i32
      %dma_wait3A_167 = tpu.memref_slice %arg2[%arg0, %add3A_151, %dma_wait3A_166] : memref<2x57600x128xf32, #tpu.memory_space<hbm>> -> memref<1x80x128xf32, #tpu.memory_space<hbm>>
      %dma_wait3A_168 = tpu.memref_squeeze %dma_wait3A_167 : memref<1x80x128xf32, #tpu.memory_space<hbm>> -> memref<80x128xf32, #tpu.memory_space<hbm>>
      tpu.wait_dma2 semaphore(%arg9 : memref<!tpu.dma_semaphore, #tpu.memory_space<semaphore_mem>>) src(%dma_wait3A_168 : memref<80x128xf32, #tpu.memory_space<hbm>>) dst(%dma_wait3A_165 : memref<80x128xf32, #tpu.memory_space<vmem>>)
      %dma_wait3A_169 = arith.constant 0 : i32
      %dma_wait3A_170 = arith.constant 0 : i32
      %dma_wait3A_171 = tpu.memref_slice %arg8[%dma_wait3A_169, %dma_wait3A_170] : memref<4x80xi32, #tpu.memory_space<vmem>> -> memref<1x80xi32, #tpu.memory_space<vmem>>
      %dma_wait3A_172 = tpu.memref_squeeze %dma_wait3A_171 : memref<1x80xi32, #tpu.memory_space<vmem>> -> memref<80xi32, #tpu.memory_space<vmem>>
      %dma_wait3A_173 = tpu.memref_slice %arg3[%add3A_153] : memref<160000xi32, #tpu.memory_space<hbm>> -> memref<80xi32, #tpu.memory_space<hbm>>
      %dma_wait3A_174 = arith.constant 0 : i32
      %dma_wait3A_175 = tpu.memref_slice %arg8[%dma_wait3A_169, %dma_wait3A_174] : memref<4x80xi32, #tpu.memory_space<vmem>> -> memref<1x80xi32, #tpu.memory_space<vmem>>
      %dma_wait3A_176 = tpu.memref_squeeze %dma_wait3A_175 : memref<1x80xi32, #tpu.memory_space<vmem>> -> memref<80xi32, #tpu.memory_space<vmem>>
      %dma_wait3A_177 = tpu.memref_slice %arg3[%add3A_153] : memref<160000xi32, #tpu.memory_space<hbm>> -> memref<80xi32, #tpu.memory_space<hbm>>
      tpu.wait_dma2 semaphore(%arg9 : memref<!tpu.dma_semaphore, #tpu.memory_space<semaphore_mem>>) src(%dma_wait3A_177 : memref<80xi32, #tpu.memory_space<hbm>>) dst(%dma_wait3A_176 : memref<80xi32, #tpu.memory_space<vmem>>)
      %dma_start3A_178 = arith.constant 0 : i32
      %dma_start3A_179 = arith.constant 0 : i32
      %dma_start3A_180 = arith.constant 0 : i32
      %dma_start3A_181 = arith.constant 0 : i32
      %dma_start3A_182 = tpu.memref_slice %arg7[%dma_start3A_178, %dma_start3A_180, %dma_start3A_181] : memref<4x80x128xf32, #tpu.memory_space<vmem>> -> memref<1x80x128xf32, #tpu.memory_space<vmem>>
      %dma_start3A_183 = tpu.memref_squeeze %dma_start3A_182 : memref<1x80x128xf32, #tpu.memory_space<vmem>> -> memref<80x128xf32, #tpu.memory_space<vmem>>
      %dma_start3A_184 = arith.constant 0 : i32
      %dma_start3A_185 = tpu.memref_slice %arg8[%dma_start3A_179, %dma_start3A_184] : memref<4x80xi32, #tpu.memory_space<vmem>> -> memref<1x80xi32, #tpu.memory_space<vmem>>
      %dma_start3A_186 = tpu.memref_squeeze %dma_start3A_185 : memref<1x80xi32, #tpu.memory_space<vmem>> -> memref<80xi32, #tpu.memory_space<vmem>>
      %dma_start3A_187 = arith.constant 0 : i32
      %dma_start3A_188 = arith.constant 0 : i32
      %dma_start3A_189 = tpu.memref_slice %arg6[%dma_start3A_187, %dma_start3A_188] : memref<10000x128xf32, #tpu.memory_space<vmem_shared>> -> memref<10000x128xf32, #tpu.memory_space<vmem_shared>>
      tpu.enqueue_indirect_dma source(%dma_start3A_183 : memref<80x128xf32, #tpu.memory_space<vmem>>) target(%dma_start3A_189 : memref<10000x128xf32, #tpu.memory_space<vmem_shared>>) offsets(%dma_start3A_186 : memref<80xi32, #tpu.memory_space<vmem>>) semaphore(%arg13 : memref<!tpu.dma_semaphore, #tpu.memory_space<semaphore_mem>>) {add = true}
      %sub3A = arith.constant 2 : i32
      %sub3A_190 = arith.subi %add3A_148, %sub3A : i32
      %ge3A = arith.constant 0 : i32
      %ge3A_191 = arith.cmpi sge, %sub3A_190, %ge3A : i32
      %convert_element_type3A_192 = arith.extui %ge3A_191 : i1 to i32
      %cond3A_193 = arith.constant 0 : i32
      %cond3A_194 = arith.cmpi ne, %convert_element_type3A_192, %cond3A_193 : i32
      scf.if %cond3A_194 {
        %dma_wait3A_373 = arith.constant 2 : i32
        %dma_wait3A_374 = arith.constant 2 : i32
        %dma_wait3A_375 = arith.constant 0 : i32
        %dma_wait3A_376 = arith.constant 0 : i32
        %dma_wait3A_377 = tpu.memref_slice %arg7[%dma_wait3A_373, %dma_wait3A_375, %dma_wait3A_376] : memref<4x80x128xf32, #tpu.memory_space<vmem>> -> memref<1x80x128xf32, #tpu.memory_space<vmem>>
        %dma_wait3A_378 = tpu.memref_squeeze %dma_wait3A_377 : memref<1x80x128xf32, #tpu.memory_space<vmem>> -> memref<80x128xf32, #tpu.memory_space<vmem>>
        %dma_wait3A_379 = arith.constant 0 : i32
        %dma_wait3A_380 = tpu.memref_slice %arg8[%dma_wait3A_374, %dma_wait3A_379] : memref<4x80xi32, #tpu.memory_space<vmem>> -> memref<1x80xi32, #tpu.memory_space<vmem>>
        %dma_wait3A_381 = tpu.memref_squeeze %dma_wait3A_380 : memref<1x80xi32, #tpu.memory_space<vmem>> -> memref<80xi32, #tpu.memory_space<vmem>>
        %dma_wait3A_382 = arith.constant 0 : i32
        %dma_wait3A_383 = arith.constant 0 : i32
        %dma_wait3A_384 = tpu.memref_slice %arg6[%dma_wait3A_382, %dma_wait3A_383] : memref<10000x128xf32, #tpu.memory_space<vmem_shared>> -> memref<10000x128xf32, #tpu.memory_space<vmem_shared>>
        tpu.wait_indirect_dma semaphore(%arg15 : memref<!tpu.dma_semaphore, #tpu.memory_space<semaphore_mem>>) src(%dma_wait3A_378 : memref<80x128xf32, #tpu.memory_space<vmem>>) dst(%dma_wait3A_384 : memref<10000x128xf32, #tpu.memory_space<vmem_shared>>)
      } else {
      }
      %add3A_195 = arith.constant 2 : i32
      %add3A_196 = arith.addi %add3A_148, %add3A_195 : i32
      %lt3A_197 = arith.constant 45 : i32
      %lt3A_198 = arith.cmpi slt, %add3A_196, %lt3A_197 : i32
      %convert_element_type3A_199 = arith.extui %lt3A_198 : i1 to i32
      %cond3A_200 = arith.constant 0 : i32
      %cond3A_201 = arith.cmpi ne, %convert_element_type3A_199, %cond3A_200 : i32
      scf.if %cond3A_201 {
        %add3A_373 = arith.constant 2 : i32
        %add3A_374 = arith.addi %add3A_148, %add3A_373 : i32
        %mul3A_375 = arith.constant 80 : i32
        %mul3A_376 = arith.muli %add3A_374, %mul3A_375 : i32
        %add3A_377 = arith.addi %mul3A_0, %mul3A_376 : i32
        %add3A_378 = arith.constant 0 : i32
        %add3A_379 = arith.addi %add3A_378, %add3A_377 : i32
        %dma_start3A_380 = arith.constant 2 : i32
        %dma_start3A_381 = arith.constant 0 : i32
        %dma_start3A_382 = arith.constant 0 : i32
        %dma_start3A_383 = tpu.memref_slice %arg7[%dma_start3A_380, %dma_start3A_381, %dma_start3A_382] : memref<4x80x128xf32, #tpu.memory_space<vmem>> -> memref<1x80x128xf32, #tpu.memory_space<vmem>>
        %dma_start3A_384 = tpu.memref_squeeze %dma_start3A_383 : memref<1x80x128xf32, #tpu.memory_space<vmem>> -> memref<80x128xf32, #tpu.memory_space<vmem>>
        %dma_start3A_385 = arith.constant 0 : i32
        %dma_start3A_386 = tpu.memref_slice %arg2[%arg0, %add3A_377, %dma_start3A_385] : memref<2x57600x128xf32, #tpu.memory_space<hbm>> -> memref<1x80x128xf32, #tpu.memory_space<hbm>>
        %dma_start3A_387 = tpu.memref_squeeze %dma_start3A_386 : memref<1x80x128xf32, #tpu.memory_space<hbm>> -> memref<80x128xf32, #tpu.memory_space<hbm>>
        %dma_start3A_388 = arith.constant 0 : i32
        %dma_start3A_389 = arith.constant 0 : i32
        %dma_start3A_390 = tpu.memref_slice %arg7[%dma_start3A_380, %dma_start3A_388, %dma_start3A_389] : memref<4x80x128xf32, #tpu.memory_space<vmem>> -> memref<1x80x128xf32, #tpu.memory_space<vmem>>
        %dma_start3A_391 = tpu.memref_squeeze %dma_start3A_390 : memref<1x80x128xf32, #tpu.memory_space<vmem>> -> memref<80x128xf32, #tpu.memory_space<vmem>>
        %dma_start3A_392 = arith.constant 0 : i32
        %dma_start3A_393 = tpu.memref_slice %arg2[%arg0, %add3A_377, %dma_start3A_392] : memref<2x57600x128xf32, #tpu.memory_space<hbm>> -> memref<1x80x128xf32, #tpu.memory_space<hbm>>
        %dma_start3A_394 = tpu.memref_squeeze %dma_start3A_393 : memref<1x80x128xf32, #tpu.memory_space<hbm>> -> memref<80x128xf32, #tpu.memory_space<hbm>>
        tpu.enqueue_dma source(%dma_start3A_394 : memref<80x128xf32, #tpu.memory_space<hbm>>) target(%dma_start3A_391 : memref<80x128xf32, #tpu.memory_space<vmem>>) target_semaphore(%arg11 : memref<!tpu.dma_semaphore, #tpu.memory_space<semaphore_mem>>)
        %dma_start3A_395 = arith.constant 2 : i32
        %dma_start3A_396 = arith.constant 0 : i32
        %dma_start3A_397 = tpu.memref_slice %arg8[%dma_start3A_395, %dma_start3A_396] : memref<4x80xi32, #tpu.memory_space<vmem>> -> memref<1x80xi32, #tpu.memory_space<vmem>>
        %dma_start3A_398 = tpu.memref_squeeze %dma_start3A_397 : memref<1x80xi32, #tpu.memory_space<vmem>> -> memref<80xi32, #tpu.memory_space<vmem>>
        %dma_start3A_399 = tpu.memref_slice %arg3[%add3A_379] : memref<160000xi32, #tpu.memory_space<hbm>> -> memref<80xi32, #tpu.memory_space<hbm>>
        %dma_start3A_400 = arith.constant 0 : i32
        %dma_start3A_401 = tpu.memref_slice %arg8[%dma_start3A_395, %dma_start3A_400] : memref<4x80xi32, #tpu.memory_space<vmem>> -> memref<1x80xi32, #tpu.memory_space<vmem>>
        %dma_start3A_402 = tpu.memref_squeeze %dma_start3A_401 : memref<1x80xi32, #tpu.memory_space<vmem>> -> memref<80xi32, #tpu.memory_space<vmem>>
        %dma_start3A_403 = tpu.memref_slice %arg3[%add3A_379] : memref<160000xi32, #tpu.memory_space<hbm>> -> memref<80xi32, #tpu.memory_space<hbm>>
        tpu.enqueue_dma source(%dma_start3A_403 : memref<80xi32, #tpu.memory_space<hbm>>) target(%dma_start3A_402 : memref<80xi32, #tpu.memory_space<vmem>>) target_semaphore(%arg11 : memref<!tpu.dma_semaphore, #tpu.memory_space<semaphore_mem>>)
      } else {
      }
      %add3A_202 = arith.constant 1 : i32
      %add3A_203 = arith.addi %add3A_146, %add3A_202 : i32
      %mul3A_204 = arith.constant 80 : i32
      %mul3A_205 = arith.muli %add3A_203, %mul3A_204 : i32
      %add3A_206 = arith.addi %mul3A_0, %mul3A_205 : i32
      %add3A_207 = arith.constant 0 : i32
      %add3A_208 = arith.addi %add3A_207, %add3A_206 : i32
      %dma_wait3A_209 = arith.constant 1 : i32
      %dma_wait3A_210 = arith.constant 0 : i32
      %dma_wait3A_211 = arith.constant 0 : i32
      %dma_wait3A_212 = tpu.memref_slice %arg7[%dma_wait3A_209, %dma_wait3A_210, %dma_wait3A_211] : memref<4x80x128xf32, #tpu.memory_space<vmem>> -> memref<1x80x128xf32, #tpu.memory_space<vmem>>
      %dma_wait3A_213 = tpu.memref_squeeze %dma_wait3A_212 : memref<1x80x128xf32, #tpu.memory_space<vmem>> -> memref<80x128xf32, #tpu.memory_space<vmem>>
      %dma_wait3A_214 = arith.constant 0 : i32
      %dma_wait3A_215 = tpu.memref_slice %arg2[%arg0, %add3A_206, %dma_wait3A_214] : memref<2x57600x128xf32, #tpu.memory_space<hbm>> -> memref<1x80x128xf32, #tpu.memory_space<hbm>>
      %dma_wait3A_216 = tpu.memref_squeeze %dma_wait3A_215 : memref<1x80x128xf32, #tpu.memory_space<hbm>> -> memref<80x128xf32, #tpu.memory_space<hbm>>
      %dma_wait3A_217 = arith.constant 0 : i32
      %dma_wait3A_218 = arith.constant 0 : i32
      %dma_wait3A_219 = tpu.memref_slice %arg7[%dma_wait3A_209, %dma_wait3A_217, %dma_wait3A_218] : memref<4x80x128xf32, #tpu.memory_space<vmem>> -> memref<1x80x128xf32, #tpu.memory_space<vmem>>
      %dma_wait3A_220 = tpu.memref_squeeze %dma_wait3A_219 : memref<1x80x128xf32, #tpu.memory_space<vmem>> -> memref<80x128xf32, #tpu.memory_space<vmem>>
      %dma_wait3A_221 = arith.constant 0 : i32
      %dma_wait3A_222 = tpu.memref_slice %arg2[%arg0, %add3A_206, %dma_wait3A_221] : memref<2x57600x128xf32, #tpu.memory_space<hbm>> -> memref<1x80x128xf32, #tpu.memory_space<hbm>>
      %dma_wait3A_223 = tpu.memref_squeeze %dma_wait3A_222 : memref<1x80x128xf32, #tpu.memory_space<hbm>> -> memref<80x128xf32, #tpu.memory_space<hbm>>
      tpu.wait_dma2 semaphore(%arg10 : memref<!tpu.dma_semaphore, #tpu.memory_space<semaphore_mem>>) src(%dma_wait3A_223 : memref<80x128xf32, #tpu.memory_space<hbm>>) dst(%dma_wait3A_220 : memref<80x128xf32, #tpu.memory_space<vmem>>)
      %dma_wait3A_224 = arith.constant 1 : i32
      %dma_wait3A_225 = arith.constant 0 : i32
      %dma_wait3A_226 = tpu.memref_slice %arg8[%dma_wait3A_224, %dma_wait3A_225] : memref<4x80xi32, #tpu.memory_space<vmem>> -> memref<1x80xi32, #tpu.memory_space<vmem>>
      %dma_wait3A_227 = tpu.memref_squeeze %dma_wait3A_226 : memref<1x80xi32, #tpu.memory_space<vmem>> -> memref<80xi32, #tpu.memory_space<vmem>>
      %dma_wait3A_228 = tpu.memref_slice %arg3[%add3A_208] : memref<160000xi32, #tpu.memory_space<hbm>> -> memref<80xi32, #tpu.memory_space<hbm>>
      %dma_wait3A_229 = arith.constant 0 : i32
      %dma_wait3A_230 = tpu.memref_slice %arg8[%dma_wait3A_224, %dma_wait3A_229] : memref<4x80xi32, #tpu.memory_space<vmem>> -> memref<1x80xi32, #tpu.memory_space<vmem>>
      %dma_wait3A_231 = tpu.memref_squeeze %dma_wait3A_230 : memref<1x80xi32, #tpu.memory_space<vmem>> -> memref<80xi32, #tpu.memory_space<vmem>>
      %dma_wait3A_232 = tpu.memref_slice %arg3[%add3A_208] : memref<160000xi32, #tpu.memory_space<hbm>> -> memref<80xi32, #tpu.memory_space<hbm>>
      tpu.wait_dma2 semaphore(%arg10 : memref<!tpu.dma_semaphore, #tpu.memory_space<semaphore_mem>>) src(%dma_wait3A_232 : memref<80xi32, #tpu.memory_space<hbm>>) dst(%dma_wait3A_231 : memref<80xi32, #tpu.memory_space<vmem>>)
      %dma_start3A_233 = arith.constant 1 : i32
      %dma_start3A_234 = arith.constant 1 : i32
      %dma_start3A_235 = arith.constant 0 : i32
      %dma_start3A_236 = arith.constant 0 : i32
      %dma_start3A_237 = tpu.memref_slice %arg7[%dma_start3A_233, %dma_start3A_235, %dma_start3A_236] : memref<4x80x128xf32, #tpu.memory_space<vmem>> -> memref<1x80x128xf32, #tpu.memory_space<vmem>>
      %dma_start3A_238 = tpu.memref_squeeze %dma_start3A_237 : memref<1x80x128xf32, #tpu.memory_space<vmem>> -> memref<80x128xf32, #tpu.memory_space<vmem>>
      %dma_start3A_239 = arith.constant 0 : i32
      %dma_start3A_240 = tpu.memref_slice %arg8[%dma_start3A_234, %dma_start3A_239] : memref<4x80xi32, #tpu.memory_space<vmem>> -> memref<1x80xi32, #tpu.memory_space<vmem>>
      %dma_start3A_241 = tpu.memref_squeeze %dma_start3A_240 : memref<1x80xi32, #tpu.memory_space<vmem>> -> memref<80xi32, #tpu.memory_space<vmem>>
      %dma_start3A_242 = arith.constant 0 : i32
      %dma_start3A_243 = arith.constant 0 : i32
      %dma_start3A_244 = tpu.memref_slice %arg6[%dma_start3A_242, %dma_start3A_243] : memref<10000x128xf32, #tpu.memory_space<vmem_shared>> -> memref<10000x128xf32, #tpu.memory_space<vmem_shared>>
      tpu.enqueue_indirect_dma source(%dma_start3A_238 : memref<80x128xf32, #tpu.memory_space<vmem>>) target(%dma_start3A_244 : memref<10000x128xf32, #tpu.memory_space<vmem_shared>>) offsets(%dma_start3A_241 : memref<80xi32, #tpu.memory_space<vmem>>) semaphore(%arg14 : memref<!tpu.dma_semaphore, #tpu.memory_space<semaphore_mem>>) {add = true}
      %sub3A_245 = arith.constant 2 : i32
      %sub3A_246 = arith.subi %add3A_203, %sub3A_245 : i32
      %ge3A_247 = arith.constant 0 : i32
      %ge3A_248 = arith.cmpi sge, %sub3A_246, %ge3A_247 : i32
      %convert_element_type3A_249 = arith.extui %ge3A_248 : i1 to i32
      %cond3A_250 = arith.constant 0 : i32
      %cond3A_251 = arith.cmpi ne, %convert_element_type3A_249, %cond3A_250 : i32
      scf.if %cond3A_251 {
        %dma_wait3A_373 = arith.constant 3 : i32
        %dma_wait3A_374 = arith.constant 3 : i32
        %dma_wait3A_375 = arith.constant 0 : i32
        %dma_wait3A_376 = arith.constant 0 : i32
        %dma_wait3A_377 = tpu.memref_slice %arg7[%dma_wait3A_373, %dma_wait3A_375, %dma_wait3A_376] : memref<4x80x128xf32, #tpu.memory_space<vmem>> -> memref<1x80x128xf32, #tpu.memory_space<vmem>>
        %dma_wait3A_378 = tpu.memref_squeeze %dma_wait3A_377 : memref<1x80x128xf32, #tpu.memory_space<vmem>> -> memref<80x128xf32, #tpu.memory_space<vmem>>
        %dma_wait3A_379 = arith.constant 0 : i32
        %dma_wait3A_380 = tpu.memref_slice %arg8[%dma_wait3A_374, %dma_wait3A_379] : memref<4x80xi32, #tpu.memory_space<vmem>> -> memref<1x80xi32, #tpu.memory_space<vmem>>
        %dma_wait3A_381 = tpu.memref_squeeze %dma_wait3A_380 : memref<1x80xi32, #tpu.memory_space<vmem>> -> memref<80xi32, #tpu.memory_space<vmem>>
        %dma_wait3A_382 = arith.constant 0 : i32
        %dma_wait3A_383 = arith.constant 0 : i32
        %dma_wait3A_384 = tpu.memref_slice %arg6[%dma_wait3A_382, %dma_wait3A_383] : memref<10000x128xf32, #tpu.memory_space<vmem_shared>> -> memref<10000x128xf32, #tpu.memory_space<vmem_shared>>
        tpu.wait_indirect_dma semaphore(%arg16 : memref<!tpu.dma_semaphore, #tpu.memory_space<semaphore_mem>>) src(%dma_wait3A_378 : memref<80x128xf32, #tpu.memory_space<vmem>>) dst(%dma_wait3A_384 : memref<10000x128xf32, #tpu.memory_space<vmem_shared>>)
      } else {
      }
      %add3A_252 = arith.constant 2 : i32
      %add3A_253 = arith.addi %add3A_203, %add3A_252 : i32
      %lt3A_254 = arith.constant 45 : i32
      %lt3A_255 = arith.cmpi slt, %add3A_253, %lt3A_254 : i32
      %convert_element_type3A_256 = arith.extui %lt3A_255 : i1 to i32
      %cond3A_257 = arith.constant 0 : i32
      %cond3A_258 = arith.cmpi ne, %convert_element_type3A_256, %cond3A_257 : i32
      scf.if %cond3A_258 {
        %add3A_373 = arith.constant 2 : i32
        %add3A_374 = arith.addi %add3A_203, %add3A_373 : i32
        %mul3A_375 = arith.constant 80 : i32
        %mul3A_376 = arith.muli %add3A_374, %mul3A_375 : i32
        %add3A_377 = arith.addi %mul3A_0, %mul3A_376 : i32
        %add3A_378 = arith.constant 0 : i32
        %add3A_379 = arith.addi %add3A_378, %add3A_377 : i32
        %dma_start3A_380 = arith.constant 3 : i32
        %dma_start3A_381 = arith.constant 0 : i32
        %dma_start3A_382 = arith.constant 0 : i32
        %dma_start3A_383 = tpu.memref_slice %arg7[%dma_start3A_380, %dma_start3A_381, %dma_start3A_382] : memref<4x80x128xf32, #tpu.memory_space<vmem>> -> memref<1x80x128xf32, #tpu.memory_space<vmem>>
        %dma_start3A_384 = tpu.memref_squeeze %dma_start3A_383 : memref<1x80x128xf32, #tpu.memory_space<vmem>> -> memref<80x128xf32, #tpu.memory_space<vmem>>
        %dma_start3A_385 = arith.constant 0 : i32
        %dma_start3A_386 = tpu.memref_slice %arg2[%arg0, %add3A_377, %dma_start3A_385] : memref<2x57600x128xf32, #tpu.memory_space<hbm>> -> memref<1x80x128xf32, #tpu.memory_space<hbm>>
        %dma_start3A_387 = tpu.memref_squeeze %dma_start3A_386 : memref<1x80x128xf32, #tpu.memory_space<hbm>> -> memref<80x128xf32, #tpu.memory_space<hbm>>
        %dma_start3A_388 = arith.constant 0 : i32
        %dma_start3A_389 = arith.constant 0 : i32
        %dma_start3A_390 = tpu.memref_slice %arg7[%dma_start3A_380, %dma_start3A_388, %dma_start3A_389] : memref<4x80x128xf32, #tpu.memory_space<vmem>> -> memref<1x80x128xf32, #tpu.memory_space<vmem>>
        %dma_start3A_391 = tpu.memref_squeeze %dma_start3A_390 : memref<1x80x128xf32, #tpu.memory_space<vmem>> -> memref<80x128xf32, #tpu.memory_space<vmem>>
        %dma_start3A_392 = arith.constant 0 : i32
        %dma_start3A_393 = tpu.memref_slice %arg2[%arg0, %add3A_377, %dma_start3A_392] : memref<2x57600x128xf32, #tpu.memory_space<hbm>> -> memref<1x80x128xf32, #tpu.memory_space<hbm>>
        %dma_start3A_394 = tpu.memref_squeeze %dma_start3A_393 : memref<1x80x128xf32, #tpu.memory_space<hbm>> -> memref<80x128xf32, #tpu.memory_space<hbm>>
        tpu.enqueue_dma source(%dma_start3A_394 : memref<80x128xf32, #tpu.memory_space<hbm>>) target(%dma_start3A_391 : memref<80x128xf32, #tpu.memory_space<vmem>>) target_semaphore(%arg12 : memref<!tpu.dma_semaphore, #tpu.memory_space<semaphore_mem>>)
        %dma_start3A_395 = arith.constant 3 : i32
        %dma_start3A_396 = arith.constant 0 : i32
        %dma_start3A_397 = tpu.memref_slice %arg8[%dma_start3A_395, %dma_start3A_396] : memref<4x80xi32, #tpu.memory_space<vmem>> -> memref<1x80xi32, #tpu.memory_space<vmem>>
        %dma_start3A_398 = tpu.memref_squeeze %dma_start3A_397 : memref<1x80xi32, #tpu.memory_space<vmem>> -> memref<80xi32, #tpu.memory_space<vmem>>
        %dma_start3A_399 = tpu.memref_slice %arg3[%add3A_379] : memref<160000xi32, #tpu.memory_space<hbm>> -> memref<80xi32, #tpu.memory_space<hbm>>
        %dma_start3A_400 = arith.constant 0 : i32
        %dma_start3A_401 = tpu.memref_slice %arg8[%dma_start3A_395, %dma_start3A_400] : memref<4x80xi32, #tpu.memory_space<vmem>> -> memref<1x80xi32, #tpu.memory_space<vmem>>
        %dma_start3A_402 = tpu.memref_squeeze %dma_start3A_401 : memref<1x80xi32, #tpu.memory_space<vmem>> -> memref<80xi32, #tpu.memory_space<vmem>>
        %dma_start3A_403 = tpu.memref_slice %arg3[%add3A_379] : memref<160000xi32, #tpu.memory_space<hbm>> -> memref<80xi32, #tpu.memory_space<hbm>>
        tpu.enqueue_dma source(%dma_start3A_403 : memref<80xi32, #tpu.memory_space<hbm>>) target(%dma_start3A_402 : memref<80xi32, #tpu.memory_space<vmem>>) target_semaphore(%arg12 : memref<!tpu.dma_semaphore, #tpu.memory_space<semaphore_mem>>)
      } else {
      }
      %add3A_259 = arith.constant 2 : i32
      %add3A_260 = arith.addi %add3A_146, %add3A_259 : i32
      %mul3A_261 = arith.constant 80 : i32
      %mul3A_262 = arith.muli %add3A_260, %mul3A_261 : i32
      %add3A_263 = arith.addi %mul3A_0, %mul3A_262 : i32
      %add3A_264 = arith.constant 0 : i32
      %add3A_265 = arith.addi %add3A_264, %add3A_263 : i32
      %dma_wait3A_266 = arith.constant 2 : i32
      %dma_wait3A_267 = arith.constant 0 : i32
      %dma_wait3A_268 = arith.constant 0 : i32
      %dma_wait3A_269 = tpu.memref_slice %arg7[%dma_wait3A_266, %dma_wait3A_267, %dma_wait3A_268] : memref<4x80x128xf32, #tpu.memory_space<vmem>> -> memref<1x80x128xf32, #tpu.memory_space<vmem>>
      %dma_wait3A_270 = tpu.memref_squeeze %dma_wait3A_269 : memref<1x80x128xf32, #tpu.memory_space<vmem>> -> memref<80x128xf32, #tpu.memory_space<vmem>>
      %dma_wait3A_271 = arith.constant 0 : i32
      %dma_wait3A_272 = tpu.memref_slice %arg2[%arg0, %add3A_263, %dma_wait3A_271] : memref<2x57600x128xf32, #tpu.memory_space<hbm>> -> memref<1x80x128xf32, #tpu.memory_space<hbm>>
      %dma_wait3A_273 = tpu.memref_squeeze %dma_wait3A_272 : memref<1x80x128xf32, #tpu.memory_space<hbm>> -> memref<80x128xf32, #tpu.memory_space<hbm>>
      %dma_wait3A_274 = arith.constant 0 : i32
      %dma_wait3A_275 = arith.constant 0 : i32
      %dma_wait3A_276 = tpu.memref_slice %arg7[%dma_wait3A_266, %dma_wait3A_274, %dma_wait3A_275] : memref<4x80x128xf32, #tpu.memory_space<vmem>> -> memref<1x80x128xf32, #tpu.memory_space<vmem>>
      %dma_wait3A_277 = tpu.memref_squeeze %dma_wait3A_276 : memref<1x80x128xf32, #tpu.memory_space<vmem>> -> memref<80x128xf32, #tpu.memory_space<vmem>>
      %dma_wait3A_278 = arith.constant 0 : i32
      %dma_wait3A_279 = tpu.memref_slice %arg2[%arg0, %add3A_263, %dma_wait3A_278] : memref<2x57600x128xf32, #tpu.memory_space<hbm>> -> memref<1x80x128xf32, #tpu.memory_space<hbm>>
      %dma_wait3A_280 = tpu.memref_squeeze %dma_wait3A_279 : memref<1x80x128xf32, #tpu.memory_space<hbm>> -> memref<80x128xf32, #tpu.memory_space<hbm>>
      tpu.wait_dma2 semaphore(%arg11 : memref<!tpu.dma_semaphore, #tpu.memory_space<semaphore_mem>>) src(%dma_wait3A_280 : memref<80x128xf32, #tpu.memory_space<hbm>>) dst(%dma_wait3A_277 : memref<80x128xf32, #tpu.memory_space<vmem>>)
      %dma_wait3A_281 = arith.constant 2 : i32
      %dma_wait3A_282 = arith.constant 0 : i32
      %dma_wait3A_283 = tpu.memref_slice %arg8[%dma_wait3A_281, %dma_wait3A_282] : memref<4x80xi32, #tpu.memory_space<vmem>> -> memref<1x80xi32, #tpu.memory_space<vmem>>
      %dma_wait3A_284 = tpu.memref_squeeze %dma_wait3A_283 : memref<1x80xi32, #tpu.memory_space<vmem>> -> memref<80xi32, #tpu.memory_space<vmem>>
      %dma_wait3A_285 = tpu.memref_slice %arg3[%add3A_265] : memref<160000xi32, #tpu.memory_space<hbm>> -> memref<80xi32, #tpu.memory_space<hbm>>
      %dma_wait3A_286 = arith.constant 0 : i32
      %dma_wait3A_287 = tpu.memref_slice %arg8[%dma_wait3A_281, %dma_wait3A_286] : memref<4x80xi32, #tpu.memory_space<vmem>> -> memref<1x80xi32, #tpu.memory_space<vmem>>
      %dma_wait3A_288 = tpu.memref_squeeze %dma_wait3A_287 : memref<1x80xi32, #tpu.memory_space<vmem>> -> memref<80xi32, #tpu.memory_space<vmem>>
      %dma_wait3A_289 = tpu.memref_slice %arg3[%add3A_265] : memref<160000xi32, #tpu.memory_space<hbm>> -> memref<80xi32, #tpu.memory_space<hbm>>
      tpu.wait_dma2 semaphore(%arg11 : memref<!tpu.dma_semaphore, #tpu.memory_space<semaphore_mem>>) src(%dma_wait3A_289 : memref<80xi32, #tpu.memory_space<hbm>>) dst(%dma_wait3A_288 : memref<80xi32, #tpu.memory_space<vmem>>)
      %dma_start3A_290 = arith.constant 2 : i32
      %dma_start3A_291 = arith.constant 2 : i32
      %dma_start3A_292 = arith.constant 0 : i32
      %dma_start3A_293 = arith.constant 0 : i32
      %dma_start3A_294 = tpu.memref_slice %arg7[%dma_start3A_290, %dma_start3A_292, %dma_start3A_293] : memref<4x80x128xf32, #tpu.memory_space<vmem>> -> memref<1x80x128xf32, #tpu.memory_space<vmem>>
      %dma_start3A_295 = tpu.memref_squeeze %dma_start3A_294 : memref<1x80x128xf32, #tpu.memory_space<vmem>> -> memref<80x128xf32, #tpu.memory_space<vmem>>
      %dma_start3A_296 = arith.constant 0 : i32
      %dma_start3A_297 = tpu.memref_slice %arg8[%dma_start3A_291, %dma_start3A_296] : memref<4x80xi32, #tpu.memory_space<vmem>> -> memref<1x80xi32, #tpu.memory_space<vmem>>
      %dma_start3A_298 = tpu.memref_squeeze %dma_start3A_297 : memref<1x80xi32, #tpu.memory_space<vmem>> -> memref<80xi32, #tpu.memory_space<vmem>>
      %dma_start3A_299 = arith.constant 0 : i32
      %dma_start3A_300 = arith.constant 0 : i32
      %dma_start3A_301 = tpu.memref_slice %arg6[%dma_start3A_299, %dma_start3A_300] : memref<10000x128xf32, #tpu.memory_space<vmem_shared>> -> memref<10000x128xf32, #tpu.memory_space<vmem_shared>>
      tpu.enqueue_indirect_dma source(%dma_start3A_295 : memref<80x128xf32, #tpu.memory_space<vmem>>) target(%dma_start3A_301 : memref<10000x128xf32, #tpu.memory_space<vmem_shared>>) offsets(%dma_start3A_298 : memref<80xi32, #tpu.memory_space<vmem>>) semaphore(%arg15 : memref<!tpu.dma_semaphore, #tpu.memory_space<semaphore_mem>>) {add = true}
      %sub3A_302 = arith.constant 2 : i32
      %sub3A_303 = arith.subi %add3A_260, %sub3A_302 : i32
      %ge3A_304 = arith.constant 0 : i32
      %ge3A_305 = arith.cmpi sge, %sub3A_303, %ge3A_304 : i32
      %convert_element_type3A_306 = arith.extui %ge3A_305 : i1 to i32
      %cond3A_307 = arith.constant 0 : i32
      %cond3A_308 = arith.cmpi ne, %convert_element_type3A_306, %cond3A_307 : i32
      scf.if %cond3A_308 {
        %dma_wait3A_373 = arith.constant 0 : i32
        %dma_wait3A_374 = arith.constant 0 : i32
        %dma_wait3A_375 = arith.constant 0 : i32
        %dma_wait3A_376 = arith.constant 0 : i32
        %dma_wait3A_377 = tpu.memref_slice %arg7[%dma_wait3A_373, %dma_wait3A_375, %dma_wait3A_376] : memref<4x80x128xf32, #tpu.memory_space<vmem>> -> memref<1x80x128xf32, #tpu.memory_space<vmem>>
        %dma_wait3A_378 = tpu.memref_squeeze %dma_wait3A_377 : memref<1x80x128xf32, #tpu.memory_space<vmem>> -> memref<80x128xf32, #tpu.memory_space<vmem>>
        %dma_wait3A_379 = arith.constant 0 : i32
        %dma_wait3A_380 = tpu.memref_slice %arg8[%dma_wait3A_374, %dma_wait3A_379] : memref<4x80xi32, #tpu.memory_space<vmem>> -> memref<1x80xi32, #tpu.memory_space<vmem>>
        %dma_wait3A_381 = tpu.memref_squeeze %dma_wait3A_380 : memref<1x80xi32, #tpu.memory_space<vmem>> -> memref<80xi32, #tpu.memory_space<vmem>>
        %dma_wait3A_382 = arith.constant 0 : i32
        %dma_wait3A_383 = arith.constant 0 : i32
        %dma_wait3A_384 = tpu.memref_slice %arg6[%dma_wait3A_382, %dma_wait3A_383] : memref<10000x128xf32, #tpu.memory_space<vmem_shared>> -> memref<10000x128xf32, #tpu.memory_space<vmem_shared>>
        tpu.wait_indirect_dma semaphore(%arg13 : memref<!tpu.dma_semaphore, #tpu.memory_space<semaphore_mem>>) src(%dma_wait3A_378 : memref<80x128xf32, #tpu.memory_space<vmem>>) dst(%dma_wait3A_384 : memref<10000x128xf32, #tpu.memory_space<vmem_shared>>)
      } else {
      }
      %add3A_309 = arith.constant 2 : i32
      %add3A_310 = arith.addi %add3A_260, %add3A_309 : i32
      %lt3A_311 = arith.constant 45 : i32
      %lt3A_312 = arith.cmpi slt, %add3A_310, %lt3A_311 : i32
      %convert_element_type3A_313 = arith.extui %lt3A_312 : i1 to i32
      %cond3A_314 = arith.constant 0 : i32
      %cond3A_315 = arith.cmpi ne, %convert_element_type3A_313, %cond3A_314 : i32
      scf.if %cond3A_315 {
        %add3A_373 = arith.constant 2 : i32
        %add3A_374 = arith.addi %add3A_260, %add3A_373 : i32
        %mul3A_375 = arith.constant 80 : i32
        %mul3A_376 = arith.muli %add3A_374, %mul3A_375 : i32
        %add3A_377 = arith.addi %mul3A_0, %mul3A_376 : i32
        %add3A_378 = arith.constant 0 : i32
        %add3A_379 = arith.addi %add3A_378, %add3A_377 : i32
        %dma_start3A_380 = arith.constant 0 : i32
        %dma_start3A_381 = arith.constant 0 : i32
        %dma_start3A_382 = arith.constant 0 : i32
        %dma_start3A_383 = tpu.memref_slice %arg7[%dma_start3A_380, %dma_start3A_381, %dma_start3A_382] : memref<4x80x128xf32, #tpu.memory_space<vmem>> -> memref<1x80x128xf32, #tpu.memory_space<vmem>>
        %dma_start3A_384 = tpu.memref_squeeze %dma_start3A_383 : memref<1x80x128xf32, #tpu.memory_space<vmem>> -> memref<80x128xf32, #tpu.memory_space<vmem>>
        %dma_start3A_385 = arith.constant 0 : i32
        %dma_start3A_386 = tpu.memref_slice %arg2[%arg0, %add3A_377, %dma_start3A_385] : memref<2x57600x128xf32, #tpu.memory_space<hbm>> -> memref<1x80x128xf32, #tpu.memory_space<hbm>>
        %dma_start3A_387 = tpu.memref_squeeze %dma_start3A_386 : memref<1x80x128xf32, #tpu.memory_space<hbm>> -> memref<80x128xf32, #tpu.memory_space<hbm>>
        %dma_start3A_388 = arith.constant 0 : i32
        %dma_start3A_389 = arith.constant 0 : i32
        %dma_start3A_390 = tpu.memref_slice %arg7[%dma_start3A_380, %dma_start3A_388, %dma_start3A_389] : memref<4x80x128xf32, #tpu.memory_space<vmem>> -> memref<1x80x128xf32, #tpu.memory_space<vmem>>
        %dma_start3A_391 = tpu.memref_squeeze %dma_start3A_390 : memref<1x80x128xf32, #tpu.memory_space<vmem>> -> memref<80x128xf32, #tpu.memory_space<vmem>>
        %dma_start3A_392 = arith.constant 0 : i32
        %dma_start3A_393 = tpu.memref_slice %arg2[%arg0, %add3A_377, %dma_start3A_392] : memref<2x57600x128xf32, #tpu.memory_space<hbm>> -> memref<1x80x128xf32, #tpu.memory_space<hbm>>
        %dma_start3A_394 = tpu.memref_squeeze %dma_start3A_393 : memref<1x80x128xf32, #tpu.memory_space<hbm>> -> memref<80x128xf32, #tpu.memory_space<hbm>>
        tpu.enqueue_dma source(%dma_start3A_394 : memref<80x128xf32, #tpu.memory_space<hbm>>) target(%dma_start3A_391 : memref<80x128xf32, #tpu.memory_space<vmem>>) target_semaphore(%arg9 : memref<!tpu.dma_semaphore, #tpu.memory_space<semaphore_mem>>)
        %dma_start3A_395 = arith.constant 0 : i32
        %dma_start3A_396 = arith.constant 0 : i32
        %dma_start3A_397 = tpu.memref_slice %arg8[%dma_start3A_395, %dma_start3A_396] : memref<4x80xi32, #tpu.memory_space<vmem>> -> memref<1x80xi32, #tpu.memory_space<vmem>>
        %dma_start3A_398 = tpu.memref_squeeze %dma_start3A_397 : memref<1x80xi32, #tpu.memory_space<vmem>> -> memref<80xi32, #tpu.memory_space<vmem>>
        %dma_start3A_399 = tpu.memref_slice %arg3[%add3A_379] : memref<160000xi32, #tpu.memory_space<hbm>> -> memref<80xi32, #tpu.memory_space<hbm>>
        %dma_start3A_400 = arith.constant 0 : i32
        %dma_start3A_401 = tpu.memref_slice %arg8[%dma_start3A_395, %dma_start3A_400] : memref<4x80xi32, #tpu.memory_space<vmem>> -> memref<1x80xi32, #tpu.memory_space<vmem>>
        %dma_start3A_402 = tpu.memref_squeeze %dma_start3A_401 : memref<1x80xi32, #tpu.memory_space<vmem>> -> memref<80xi32, #tpu.memory_space<vmem>>
        %dma_start3A_403 = tpu.memref_slice %arg3[%add3A_379] : memref<160000xi32, #tpu.memory_space<hbm>> -> memref<80xi32, #tpu.memory_space<hbm>>
        tpu.enqueue_dma source(%dma_start3A_403 : memref<80xi32, #tpu.memory_space<hbm>>) target(%dma_start3A_402 : memref<80xi32, #tpu.memory_space<vmem>>) target_semaphore(%arg9 : memref<!tpu.dma_semaphore, #tpu.memory_space<semaphore_mem>>)
      } else {
      }
      %add3A_316 = arith.constant 3 : i32
      %add3A_317 = arith.addi %add3A_146, %add3A_316 : i32
      %mul3A_318 = arith.constant 80 : i32
      %mul3A_319 = arith.muli %add3A_317, %mul3A_318 : i32
      %add3A_320 = arith.addi %mul3A_0, %mul3A_319 : i32
      %add3A_321 = arith.constant 0 : i32
      %add3A_322 = arith.addi %add3A_321, %add3A_320 : i32
      %dma_wait3A_323 = arith.constant 3 : i32
      %dma_wait3A_324 = arith.constant 0 : i32
      %dma_wait3A_325 = arith.constant 0 : i32
      %dma_wait3A_326 = tpu.memref_slice %arg7[%dma_wait3A_323, %dma_wait3A_324, %dma_wait3A_325] : memref<4x80x128xf32, #tpu.memory_space<vmem>> -> memref<1x80x128xf32, #tpu.memory_space<vmem>>
      %dma_wait3A_327 = tpu.memref_squeeze %dma_wait3A_326 : memref<1x80x128xf32, #tpu.memory_space<vmem>> -> memref<80x128xf32, #tpu.memory_space<vmem>>
      %dma_wait3A_328 = arith.constant 0 : i32
      %dma_wait3A_329 = tpu.memref_slice %arg2[%arg0, %add3A_320, %dma_wait3A_328] : memref<2x57600x128xf32, #tpu.memory_space<hbm>> -> memref<1x80x128xf32, #tpu.memory_space<hbm>>
      %dma_wait3A_330 = tpu.memref_squeeze %dma_wait3A_329 : memref<1x80x128xf32, #tpu.memory_space<hbm>> -> memref<80x128xf32, #tpu.memory_space<hbm>>
      %dma_wait3A_331 = arith.constant 0 : i32
      %dma_wait3A_332 = arith.constant 0 : i32
      %dma_wait3A_333 = tpu.memref_slice %arg7[%dma_wait3A_323, %dma_wait3A_331, %dma_wait3A_332] : memref<4x80x128xf32, #tpu.memory_space<vmem>> -> memref<1x80x128xf32, #tpu.memory_space<vmem>>
      %dma_wait3A_334 = tpu.memref_squeeze %dma_wait3A_333 : memref<1x80x128xf32, #tpu.memory_space<vmem>> -> memref<80x128xf32, #tpu.memory_space<vmem>>
      %dma_wait3A_335 = arith.constant 0 : i32
      %dma_wait3A_336 = tpu.memref_slice %arg2[%arg0, %add3A_320, %dma_wait3A_335] : memref<2x57600x128xf32, #tpu.memory_space<hbm>> -> memref<1x80x128xf32, #tpu.memory_space<hbm>>
      %dma_wait3A_337 = tpu.memref_squeeze %dma_wait3A_336 : memref<1x80x128xf32, #tpu.memory_space<hbm>> -> memref<80x128xf32, #tpu.memory_space<hbm>>
      tpu.wait_dma2 semaphore(%arg12 : memref<!tpu.dma_semaphore, #tpu.memory_space<semaphore_mem>>) src(%dma_wait3A_337 : memref<80x128xf32, #tpu.memory_space<hbm>>) dst(%dma_wait3A_334 : memref<80x128xf32, #tpu.memory_space<vmem>>)
      %dma_wait3A_338 = arith.constant 3 : i32
      %dma_wait3A_339 = arith.constant 0 : i32
      %dma_wait3A_340 = tpu.memref_slice %arg8[%dma_wait3A_338, %dma_wait3A_339] : memref<4x80xi32, #tpu.memory_space<vmem>> -> memref<1x80xi32, #tpu.memory_space<vmem>>
      %dma_wait3A_341 = tpu.memref_squeeze %dma_wait3A_340 : memref<1x80xi32, #tpu.memory_space<vmem>> -> memref<80xi32, #tpu.memory_space<vmem>>
      %dma_wait3A_342 = tpu.memref_slice %arg3[%add3A_322] : memref<160000xi32, #tpu.memory_space<hbm>> -> memref<80xi32, #tpu.memory_space<hbm>>
      %dma_wait3A_343 = arith.constant 0 : i32
      %dma_wait3A_344 = tpu.memref_slice %arg8[%dma_wait3A_338, %dma_wait3A_343] : memref<4x80xi32, #tpu.memory_space<vmem>> -> memref<1x80xi32, #tpu.memory_space<vmem>>
      %dma_wait3A_345 = tpu.memref_squeeze %dma_wait3A_344 : memref<1x80xi32, #tpu.memory_space<vmem>> -> memref<80xi32, #tpu.memory_space<vmem>>
      %dma_wait3A_346 = tpu.memref_slice %arg3[%add3A_322] : memref<160000xi32, #tpu.memory_space<hbm>> -> memref<80xi32, #tpu.memory_space<hbm>>
      tpu.wait_dma2 semaphore(%arg12 : memref<!tpu.dma_semaphore, #tpu.memory_space<semaphore_mem>>) src(%dma_wait3A_346 : memref<80xi32, #tpu.memory_space<hbm>>) dst(%dma_wait3A_345 : memref<80xi32, #tpu.memory_space<vmem>>)
      %dma_start3A_347 = arith.constant 3 : i32
      %dma_start3A_348 = arith.constant 3 : i32
      %dma_start3A_349 = arith.constant 0 : i32
      %dma_start3A_350 = arith.constant 0 : i32
      %dma_start3A_351 = tpu.memref_slice %arg7[%dma_start3A_347, %dma_start3A_349, %dma_start3A_350] : memref<4x80x128xf32, #tpu.memory_space<vmem>> -> memref<1x80x128xf32, #tpu.memory_space<vmem>>
      %dma_start3A_352 = tpu.memref_squeeze %dma_start3A_351 : memref<1x80x128xf32, #tpu.memory_space<vmem>> -> memref<80x128xf32, #tpu.memory_space<vmem>>
      %dma_start3A_353 = arith.constant 0 : i32
      %dma_start3A_354 = tpu.memref_slice %arg8[%dma_start3A_348, %dma_start3A_353] : memref<4x80xi32, #tpu.memory_space<vmem>> -> memref<1x80xi32, #tpu.memory_space<vmem>>
      %dma_start3A_355 = tpu.memref_squeeze %dma_start3A_354 : memref<1x80xi32, #tpu.memory_space<vmem>> -> memref<80xi32, #tpu.memory_space<vmem>>
      %dma_start3A_356 = arith.constant 0 : i32
      %dma_start3A_357 = arith.constant 0 : i32
      %dma_start3A_358 = tpu.memref_slice %arg6[%dma_start3A_356, %dma_start3A_357] : memref<10000x128xf32, #tpu.memory_space<vmem_shared>> -> memref<10000x128xf32, #tpu.memory_space<vmem_shared>>
      tpu.enqueue_indirect_dma source(%dma_start3A_352 : memref<80x128xf32, #tpu.memory_space<vmem>>) target(%dma_start3A_358 : memref<10000x128xf32, #tpu.memory_space<vmem_shared>>) offsets(%dma_start3A_355 : memref<80xi32, #tpu.memory_space<vmem>>) semaphore(%arg16 : memref<!tpu.dma_semaphore, #tpu.memory_space<semaphore_mem>>) {add = true}
      %sub3A_359 = arith.constant 2 : i32
      %sub3A_360 = arith.subi %add3A_317, %sub3A_359 : i32
      %ge3A_361 = arith.constant 0 : i32
      %ge3A_362 = arith.cmpi sge, %sub3A_360, %ge3A_361 : i32
      %convert_element_type3A_363 = arith.extui %ge3A_362 : i1 to i32
      %cond3A_364 = arith.constant 0 : i32
      %cond3A_365 = arith.cmpi ne, %convert_element_type3A_363, %cond3A_364 : i32
      scf.if %cond3A_365 {
        %dma_wait3A_373 = arith.constant 1 : i32
        %dma_wait3A_374 = arith.constant 1 : i32
        %dma_wait3A_375 = arith.constant 0 : i32
        %dma_wait3A_376 = arith.constant 0 : i32
        %dma_wait3A_377 = tpu.memref_slice %arg7[%dma_wait3A_373, %dma_wait3A_375, %dma_wait3A_376] : memref<4x80x128xf32, #tpu.memory_space<vmem>> -> memref<1x80x128xf32, #tpu.memory_space<vmem>>
        %dma_wait3A_378 = tpu.memref_squeeze %dma_wait3A_377 : memref<1x80x128xf32, #tpu.memory_space<vmem>> -> memref<80x128xf32, #tpu.memory_space<vmem>>
        %dma_wait3A_379 = arith.constant 0 : i32
        %dma_wait3A_380 = tpu.memref_slice %arg8[%dma_wait3A_374, %dma_wait3A_379] : memref<4x80xi32, #tpu.memory_space<vmem>> -> memref<1x80xi32, #tpu.memory_space<vmem>>
        %dma_wait3A_381 = tpu.memref_squeeze %dma_wait3A_380 : memref<1x80xi32, #tpu.memory_space<vmem>> -> memref<80xi32, #tpu.memory_space<vmem>>
        %dma_wait3A_382 = arith.constant 0 : i32
        %dma_wait3A_383 = arith.constant 0 : i32
        %dma_wait3A_384 = tpu.memref_slice %arg6[%dma_wait3A_382, %dma_wait3A_383] : memref<10000x128xf32, #tpu.memory_space<vmem_shared>> -> memref<10000x128xf32, #tpu.memory_space<vmem_shared>>
        tpu.wait_indirect_dma semaphore(%arg14 : memref<!tpu.dma_semaphore, #tpu.memory_space<semaphore_mem>>) src(%dma_wait3A_378 : memref<80x128xf32, #tpu.memory_space<vmem>>) dst(%dma_wait3A_384 : memref<10000x128xf32, #tpu.memory_space<vmem_shared>>)
      } else {
      }
      %add3A_366 = arith.constant 2 : i32
      %add3A_367 = arith.addi %add3A_317, %add3A_366 : i32
      %lt3A_368 = arith.constant 45 : i32
      %lt3A_369 = arith.cmpi slt, %add3A_367, %lt3A_368 : i32
      %convert_element_type3A_370 = arith.extui %lt3A_369 : i1 to i32
      %cond3A_371 = arith.constant 0 : i32
      %cond3A_372 = arith.cmpi ne, %convert_element_type3A_370, %cond3A_371 : i32
      scf.if %cond3A_372 {
        %add3A_373 = arith.constant 2 : i32
        %add3A_374 = arith.addi %add3A_317, %add3A_373 : i32
        %mul3A_375 = arith.constant 80 : i32
        %mul3A_376 = arith.muli %add3A_374, %mul3A_375 : i32
        %add3A_377 = arith.addi %mul3A_0, %mul3A_376 : i32
        %add3A_378 = arith.constant 0 : i32
        %add3A_379 = arith.addi %add3A_378, %add3A_377 : i32
        %dma_start3A_380 = arith.constant 1 : i32
        %dma_start3A_381 = arith.constant 0 : i32
        %dma_start3A_382 = arith.constant 0 : i32
        %dma_start3A_383 = tpu.memref_slice %arg7[%dma_start3A_380, %dma_start3A_381, %dma_start3A_382] : memref<4x80x128xf32, #tpu.memory_space<vmem>> -> memref<1x80x128xf32, #tpu.memory_space<vmem>>
        %dma_start3A_384 = tpu.memref_squeeze %dma_start3A_383 : memref<1x80x128xf32, #tpu.memory_space<vmem>> -> memref<80x128xf32, #tpu.memory_space<vmem>>
        %dma_start3A_385 = arith.constant 0 : i32
        %dma_start3A_386 = tpu.memref_slice %arg2[%arg0, %add3A_377, %dma_start3A_385] : memref<2x57600x128xf32, #tpu.memory_space<hbm>> -> memref<1x80x128xf32, #tpu.memory_space<hbm>>
        %dma_start3A_387 = tpu.memref_squeeze %dma_start3A_386 : memref<1x80x128xf32, #tpu.memory_space<hbm>> -> memref<80x128xf32, #tpu.memory_space<hbm>>
        %dma_start3A_388 = arith.constant 0 : i32
        %dma_start3A_389 = arith.constant 0 : i32
        %dma_start3A_390 = tpu.memref_slice %arg7[%dma_start3A_380, %dma_start3A_388, %dma_start3A_389] : memref<4x80x128xf32, #tpu.memory_space<vmem>> -> memref<1x80x128xf32, #tpu.memory_space<vmem>>
        %dma_start3A_391 = tpu.memref_squeeze %dma_start3A_390 : memref<1x80x128xf32, #tpu.memory_space<vmem>> -> memref<80x128xf32, #tpu.memory_space<vmem>>
        %dma_start3A_392 = arith.constant 0 : i32
        %dma_start3A_393 = tpu.memref_slice %arg2[%arg0, %add3A_377, %dma_start3A_392] : memref<2x57600x128xf32, #tpu.memory_space<hbm>> -> memref<1x80x128xf32, #tpu.memory_space<hbm>>
        %dma_start3A_394 = tpu.memref_squeeze %dma_start3A_393 : memref<1x80x128xf32, #tpu.memory_space<hbm>> -> memref<80x128xf32, #tpu.memory_space<hbm>>
        tpu.enqueue_dma source(%dma_start3A_394 : memref<80x128xf32, #tpu.memory_space<hbm>>) target(%dma_start3A_391 : memref<80x128xf32, #tpu.memory_space<vmem>>) target_semaphore(%arg10 : memref<!tpu.dma_semaphore, #tpu.memory_space<semaphore_mem>>)
        %dma_start3A_395 = arith.constant 1 : i32
        %dma_start3A_396 = arith.constant 0 : i32
        %dma_start3A_397 = tpu.memref_slice %arg8[%dma_start3A_395, %dma_start3A_396] : memref<4x80xi32, #tpu.memory_space<vmem>> -> memref<1x80xi32, #tpu.memory_space<vmem>>
        %dma_start3A_398 = tpu.memref_squeeze %dma_start3A_397 : memref<1x80xi32, #tpu.memory_space<vmem>> -> memref<80xi32, #tpu.memory_space<vmem>>
        %dma_start3A_399 = tpu.memref_slice %arg3[%add3A_379] : memref<160000xi32, #tpu.memory_space<hbm>> -> memref<80xi32, #tpu.memory_space<hbm>>
        %dma_start3A_400 = arith.constant 0 : i32
        %dma_start3A_401 = tpu.memref_slice %arg8[%dma_start3A_395, %dma_start3A_400] : memref<4x80xi32, #tpu.memory_space<vmem>> -> memref<1x80xi32, #tpu.memory_space<vmem>>
        %dma_start3A_402 = tpu.memref_squeeze %dma_start3A_401 : memref<1x80xi32, #tpu.memory_space<vmem>> -> memref<80xi32, #tpu.memory_space<vmem>>
        %dma_start3A_403 = tpu.memref_slice %arg3[%add3A_379] : memref<160000xi32, #tpu.memory_space<hbm>> -> memref<80xi32, #tpu.memory_space<hbm>>
        tpu.enqueue_dma source(%dma_start3A_403 : memref<80xi32, #tpu.memory_space<hbm>>) target(%dma_start3A_402 : memref<80xi32, #tpu.memory_space<vmem>>) target_semaphore(%arg10 : memref<!tpu.dma_semaphore, #tpu.memory_space<semaphore_mem>>)
      } else {
      }
    }
    %scan3A_60 = arith.constant 11 : i32
    %add3A_61 = arith.constant 3520 : i32
    %add3A_62 = arith.addi %mul3A_0, %add3A_61 : i32
    %add3A_63 = arith.constant 0 : i32
    %add3A_64 = arith.addi %add3A_63, %add3A_62 : i32
    %dma_wait3A = arith.constant 0 : i32
    %dma_wait3A_65 = arith.constant 0 : i32
    %dma_wait3A_66 = arith.constant 0 : i32
    %dma_wait3A_67 = tpu.memref_slice %arg7[%dma_wait3A, %dma_wait3A_65, %dma_wait3A_66] : memref<4x80x128xf32, #tpu.memory_space<vmem>> -> memref<1x80x128xf32, #tpu.memory_space<vmem>>
    %dma_wait3A_68 = tpu.memref_squeeze %dma_wait3A_67 : memref<1x80x128xf32, #tpu.memory_space<vmem>> -> memref<80x128xf32, #tpu.memory_space<vmem>>
    %dma_wait3A_69 = arith.constant 0 : i32
    %dma_wait3A_70 = tpu.memref_slice %arg2[%arg0, %add3A_62, %dma_wait3A_69] : memref<2x57600x128xf32, #tpu.memory_space<hbm>> -> memref<1x80x128xf32, #tpu.memory_space<hbm>>
    %dma_wait3A_71 = tpu.memref_squeeze %dma_wait3A_70 : memref<1x80x128xf32, #tpu.memory_space<hbm>> -> memref<80x128xf32, #tpu.memory_space<hbm>>
    %dma_wait3A_72 = arith.constant 0 : i32
    %dma_wait3A_73 = arith.constant 0 : i32
    %dma_wait3A_74 = tpu.memref_slice %arg7[%dma_wait3A, %dma_wait3A_72, %dma_wait3A_73] : memref<4x80x128xf32, #tpu.memory_space<vmem>> -> memref<1x80x128xf32, #tpu.memory_space<vmem>>
    %dma_wait3A_75 = tpu.memref_squeeze %dma_wait3A_74 : memref<1x80x128xf32, #tpu.memory_space<vmem>> -> memref<80x128xf32, #tpu.memory_space<vmem>>
    %dma_wait3A_76 = arith.constant 0 : i32
    %dma_wait3A_77 = tpu.memref_slice %arg2[%arg0, %add3A_62, %dma_wait3A_76] : memref<2x57600x128xf32, #tpu.memory_space<hbm>> -> memref<1x80x128xf32, #tpu.memory_space<hbm>>
    %dma_wait3A_78 = tpu.memref_squeeze %dma_wait3A_77 : memref<1x80x128xf32, #tpu.memory_space<hbm>> -> memref<80x128xf32, #tpu.memory_space<hbm>>
    tpu.wait_dma2 semaphore(%arg9 : memref<!tpu.dma_semaphore, #tpu.memory_space<semaphore_mem>>) src(%dma_wait3A_78 : memref<80x128xf32, #tpu.memory_space<hbm>>) dst(%dma_wait3A_75 : memref<80x128xf32, #tpu.memory_space<vmem>>)
    %dma_wait3A_79 = arith.constant 0 : i32
    %dma_wait3A_80 = arith.constant 0 : i32
    %dma_wait3A_81 = tpu.memref_slice %arg8[%dma_wait3A_79, %dma_wait3A_80] : memref<4x80xi32, #tpu.memory_space<vmem>> -> memref<1x80xi32, #tpu.memory_space<vmem>>
    %dma_wait3A_82 = tpu.memref_squeeze %dma_wait3A_81 : memref<1x80xi32, #tpu.memory_space<vmem>> -> memref<80xi32, #tpu.memory_space<vmem>>
    %dma_wait3A_83 = tpu.memref_slice %arg3[%add3A_64] : memref<160000xi32, #tpu.memory_space<hbm>> -> memref<80xi32, #tpu.memory_space<hbm>>
    %dma_wait3A_84 = arith.constant 0 : i32
    %dma_wait3A_85 = tpu.memref_slice %arg8[%dma_wait3A_79, %dma_wait3A_84] : memref<4x80xi32, #tpu.memory_space<vmem>> -> memref<1x80xi32, #tpu.memory_space<vmem>>
    %dma_wait3A_86 = tpu.memref_squeeze %dma_wait3A_85 : memref<1x80xi32, #tpu.memory_space<vmem>> -> memref<80xi32, #tpu.memory_space<vmem>>
    %dma_wait3A_87 = tpu.memref_slice %arg3[%add3A_64] : memref<160000xi32, #tpu.memory_space<hbm>> -> memref<80xi32, #tpu.memory_space<hbm>>
    tpu.wait_dma2 semaphore(%arg9 : memref<!tpu.dma_semaphore, #tpu.memory_space<semaphore_mem>>) src(%dma_wait3A_87 : memref<80xi32, #tpu.memory_space<hbm>>) dst(%dma_wait3A_86 : memref<80xi32, #tpu.memory_space<vmem>>)
    %dma_start3A_88 = arith.constant 0 : i32
    %dma_start3A_89 = arith.constant 0 : i32
    %dma_start3A_90 = arith.constant 0 : i32
    %dma_start3A_91 = arith.constant 0 : i32
    %dma_start3A_92 = tpu.memref_slice %arg7[%dma_start3A_88, %dma_start3A_90, %dma_start3A_91] : memref<4x80x128xf32, #tpu.memory_space<vmem>> -> memref<1x80x128xf32, #tpu.memory_space<vmem>>
    %dma_start3A_93 = tpu.memref_squeeze %dma_start3A_92 : memref<1x80x128xf32, #tpu.memory_space<vmem>> -> memref<80x128xf32, #tpu.memory_space<vmem>>
    %dma_start3A_94 = arith.constant 0 : i32
    %dma_start3A_95 = tpu.memref_slice %arg8[%dma_start3A_89, %dma_start3A_94] : memref<4x80xi32, #tpu.memory_space<vmem>> -> memref<1x80xi32, #tpu.memory_space<vmem>>
    %dma_start3A_96 = tpu.memref_squeeze %dma_start3A_95 : memref<1x80xi32, #tpu.memory_space<vmem>> -> memref<80xi32, #tpu.memory_space<vmem>>
    %dma_start3A_97 = arith.constant 0 : i32
    %dma_start3A_98 = arith.constant 0 : i32
    %dma_start3A_99 = tpu.memref_slice %arg6[%dma_start3A_97, %dma_start3A_98] : memref<10000x128xf32, #tpu.memory_space<vmem_shared>> -> memref<10000x128xf32, #tpu.memory_space<vmem_shared>>
    tpu.enqueue_indirect_dma source(%dma_start3A_93 : memref<80x128xf32, #tpu.memory_space<vmem>>) target(%dma_start3A_99 : memref<10000x128xf32, #tpu.memory_space<vmem_shared>>) offsets(%dma_start3A_96 : memref<80xi32, #tpu.memory_space<vmem>>) semaphore(%arg13 : memref<!tpu.dma_semaphore, #tpu.memory_space<semaphore_mem>>) {add = true}
    %dma_wait3A_100 = arith.constant 2 : i32
    %dma_wait3A_101 = arith.constant 2 : i32
    %dma_wait3A_102 = arith.constant 0 : i32
    %dma_wait3A_103 = arith.constant 0 : i32
    %dma_wait3A_104 = tpu.memref_slice %arg7[%dma_wait3A_100, %dma_wait3A_102, %dma_wait3A_103] : memref<4x80x128xf32, #tpu.memory_space<vmem>> -> memref<1x80x128xf32, #tpu.memory_space<vmem>>
    %dma_wait3A_105 = tpu.memref_squeeze %dma_wait3A_104 : memref<1x80x128xf32, #tpu.memory_space<vmem>> -> memref<80x128xf32, #tpu.memory_space<vmem>>
    %dma_wait3A_106 = arith.constant 0 : i32
    %dma_wait3A_107 = tpu.memref_slice %arg8[%dma_wait3A_101, %dma_wait3A_106] : memref<4x80xi32, #tpu.memory_space<vmem>> -> memref<1x80xi32, #tpu.memory_space<vmem>>
    %dma_wait3A_108 = tpu.memref_squeeze %dma_wait3A_107 : memref<1x80xi32, #tpu.memory_space<vmem>> -> memref<80xi32, #tpu.memory_space<vmem>>
    %dma_wait3A_109 = arith.constant 0 : i32
    %dma_wait3A_110 = arith.constant 0 : i32
    %dma_wait3A_111 = tpu.memref_slice %arg6[%dma_wait3A_109, %dma_wait3A_110] : memref<10000x128xf32, #tpu.memory_space<vmem_shared>> -> memref<10000x128xf32, #tpu.memory_space<vmem_shared>>
    tpu.wait_indirect_dma semaphore(%arg15 : memref<!tpu.dma_semaphore, #tpu.memory_space<semaphore_mem>>) src(%dma_wait3A_105 : memref<80x128xf32, #tpu.memory_space<vmem>>) dst(%dma_wait3A_111 : memref<10000x128xf32, #tpu.memory_space<vmem_shared>>)
    %dma_wait3A_112 = arith.constant 3 : i32
    %dma_wait3A_113 = arith.constant 3 : i32
    %dma_wait3A_114 = arith.constant 0 : i32
    %dma_wait3A_115 = arith.constant 0 : i32
    %dma_wait3A_116 = tpu.memref_slice %arg7[%dma_wait3A_112, %dma_wait3A_114, %dma_wait3A_115] : memref<4x80x128xf32, #tpu.memory_space<vmem>> -> memref<1x80x128xf32, #tpu.memory_space<vmem>>
    %dma_wait3A_117 = tpu.memref_squeeze %dma_wait3A_116 : memref<1x80x128xf32, #tpu.memory_space<vmem>> -> memref<80x128xf32, #tpu.memory_space<vmem>>
    %dma_wait3A_118 = arith.constant 0 : i32
    %dma_wait3A_119 = tpu.memref_slice %arg8[%dma_wait3A_113, %dma_wait3A_118] : memref<4x80xi32, #tpu.memory_space<vmem>> -> memref<1x80xi32, #tpu.memory_space<vmem>>
    %dma_wait3A_120 = tpu.memref_squeeze %dma_wait3A_119 : memref<1x80xi32, #tpu.memory_space<vmem>> -> memref<80xi32, #tpu.memory_space<vmem>>
    %dma_wait3A_121 = arith.constant 0 : i32
    %dma_wait3A_122 = arith.constant 0 : i32
    %dma_wait3A_123 = tpu.memref_slice %arg6[%dma_wait3A_121, %dma_wait3A_122] : memref<10000x128xf32, #tpu.memory_space<vmem_shared>> -> memref<10000x128xf32, #tpu.memory_space<vmem_shared>>
    tpu.wait_indirect_dma semaphore(%arg16 : memref<!tpu.dma_semaphore, #tpu.memory_space<semaphore_mem>>) src(%dma_wait3A_117 : memref<80x128xf32, #tpu.memory_space<vmem>>) dst(%dma_wait3A_123 : memref<10000x128xf32, #tpu.memory_space<vmem_shared>>)
    %dma_wait3A_124 = arith.constant 0 : i32
    %dma_wait3A_125 = arith.constant 0 : i32
    %dma_wait3A_126 = arith.constant 0 : i32
    %dma_wait3A_127 = arith.constant 0 : i32
    %dma_wait3A_128 = tpu.memref_slice %arg7[%dma_wait3A_124, %dma_wait3A_126, %dma_wait3A_127] : memref<4x80x128xf32, #tpu.memory_space<vmem>> -> memref<1x80x128xf32, #tpu.memory_space<vmem>>
    %dma_wait3A_129 = tpu.memref_squeeze %dma_wait3A_128 : memref<1x80x128xf32, #tpu.memory_space<vmem>> -> memref<80x128xf32, #tpu.memory_space<vmem>>
    %dma_wait3A_130 = arith.constant 0 : i32
    %dma_wait3A_131 = tpu.memref_slice %arg8[%dma_wait3A_125, %dma_wait3A_130] : memref<4x80xi32, #tpu.memory_space<vmem>> -> memref<1x80xi32, #tpu.memory_space<vmem>>
    %dma_wait3A_132 = tpu.memref_squeeze %dma_wait3A_131 : memref<1x80xi32, #tpu.memory_space<vmem>> -> memref<80xi32, #tpu.memory_space<vmem>>
    %dma_wait3A_133 = arith.constant 0 : i32
    %dma_wait3A_134 = arith.constant 0 : i32
    %dma_wait3A_135 = tpu.memref_slice %arg6[%dma_wait3A_133, %dma_wait3A_134] : memref<10000x128xf32, #tpu.memory_space<vmem_shared>> -> memref<10000x128xf32, #tpu.memory_space<vmem_shared>>
    tpu.wait_indirect_dma semaphore(%arg13 : memref<!tpu.dma_semaphore, #tpu.memory_space<semaphore_mem>>) src(%dma_wait3A_129 : memref<80x128xf32, #tpu.memory_space<vmem>>) dst(%dma_wait3A_135 : memref<10000x128xf32, #tpu.memory_space<vmem_shared>>)
    %barrier3A_136 = arith.constant 0 : index
    tpu.barrier barrier_id(%barrier3A_136)
    %lt3A_137 = arith.constant 5 : i32
    %lt3A_138 = arith.cmpi slt, %arg1, %lt3A_137 : i32
    %convert_element_type3A_139 = arith.extui %lt3A_138 : i1 to i32
    %cond3A_140 = arith.constant 0 : i32
    %cond3A_141 = arith.cmpi ne, %convert_element_type3A_139, %cond3A_140 : i32
    scf.if %cond3A_141 {
      %mul3A_142 = arith.constant 2000 : i32
      %mul3A_143 = arith.muli %arg1, %mul3A_142 : i32
      %mul3A_144 = arith.constant 2000 : i32
      %mul3A_145 = arith.muli %arg1, %mul3A_144 : i32
      "tpu.region"() ({
        %run_scoped3A = tpu.sem_alloc : memref<!tpu.dma_semaphore, #tpu.memory_space<semaphore_mem>>
        %dma_start3A_146 = arith.constant 0 : i32
        %dma_start3A_147 = tpu.memref_slice %arg5[%arg0, %mul3A_145, %dma_start3A_146] : memref<2x10000x128xf32, #tpu.memory_space<hbm>> -> memref<1x2000x128xf32, #tpu.memory_space<hbm>>
        %dma_start3A_148 = tpu.memref_squeeze %dma_start3A_147 : memref<1x2000x128xf32, #tpu.memory_space<hbm>> -> memref<2000x128xf32, #tpu.memory_space<hbm>>
        %dma_start3A_149 = arith.constant 0 : i32
        %dma_start3A_150 = tpu.memref_slice %arg6[%mul3A_143, %dma_start3A_149] : memref<10000x128xf32, #tpu.memory_space<vmem_shared>> -> memref<2000x128xf32, #tpu.memory_space<vmem_shared>>
        tpu.enqueue_dma source(%dma_start3A_150 : memref<2000x128xf32, #tpu.memory_space<vmem_shared>>) target(%dma_start3A_148 : memref<2000x128xf32, #tpu.memory_space<hbm>>) target_semaphore(%run_scoped3A : memref<!tpu.dma_semaphore, #tpu.memory_space<semaphore_mem>>)
        %dma_wait3A_151 = arith.constant 0 : i32
        %dma_wait3A_152 = tpu.memref_slice %arg5[%arg0, %mul3A_145, %dma_wait3A_151] : memref<2x10000x128xf32, #tpu.memory_space<hbm>> -> memref<1x2000x128xf32, #tpu.memory_space<hbm>>
        %dma_wait3A_153 = tpu.memref_squeeze %dma_wait3A_152 : memref<1x2000x128xf32, #tpu.memory_space<hbm>> -> memref<2000x128xf32, #tpu.memory_space<hbm>>
        %dma_wait3A_154 = arith.constant 0 : i32
        %dma_wait3A_155 = tpu.memref_slice %arg6[%mul3A_143, %dma_wait3A_154] : memref<10000x128xf32, #tpu.memory_space<vmem_shared>> -> memref<2000x128xf32, #tpu.memory_space<vmem_shared>>
        tpu.wait_dma2 semaphore(%run_scoped3A : memref<!tpu.dma_semaphore, #tpu.memory_space<semaphore_mem>>) src(%dma_wait3A_155 : memref<2000x128xf32, #tpu.memory_space<vmem_shared>>) dst(%dma_wait3A_153 : memref<2000x128xf32, #tpu.memory_space<hbm>>)
        tpu.yield
      }) : () -> ()
    } else {
    }
    return
  }
}

#map = affine_map<(d0, d1) -> (0, 0, 0)>
#map1 = affine_map<(d0, d1) -> (0)>
#map2 = affine_map<(d0, d1) -> (0, 0)>
module attributes {stable_mosaic.version = 14 : i64} {
  func.func @_seg_body(%arg0: i32, %arg1: i32, %arg2: memref<2x51200x128xf32, #tpu.memory_space<hbm>>, %arg3: memref<160000xi32, #tpu.memory_space<hbm>>, %arg4: memref<2000x128xf32, #tpu.memory_space<hbm>>, %arg5: memref<2x10000x128xf32, #tpu.memory_space<hbm>>, %arg6: memref<10000x128xf32, #tpu.memory_space<vmem_shared>>, %arg7: memref<4x80x128xf32, #tpu.memory_space<vmem>>, %arg8: memref<4x80xi32, #tpu.memory_space<vmem>>, %arg9: memref<!tpu.dma_semaphore, #tpu.memory_space<semaphore_mem>>, %arg10: memref<!tpu.dma_semaphore, #tpu.memory_space<semaphore_mem>>, %arg11: memref<!tpu.dma_semaphore, #tpu.memory_space<semaphore_mem>>, %arg12: memref<!tpu.dma_semaphore, #tpu.memory_space<semaphore_mem>>, %arg13: memref<!tpu.dma_semaphore, #tpu.memory_space<semaphore_mem>>, %arg14: memref<!tpu.dma_semaphore, #tpu.memory_space<semaphore_mem>>, %arg15: memref<!tpu.dma_semaphore, #tpu.memory_space<semaphore_mem>>, %arg16: memref<!tpu.dma_semaphore, #tpu.memory_space<semaphore_mem>>) attributes {dimension_semantics = [#tpu.dimension_semantics<core_parallel>, #tpu.dimension_semantics<subcore_parallel>], iteration_bounds = array<i64: 2, 16>, scalar_prefetch = 0 : i64, scratch_operands = 11 : i64, tpu.core_type = #tpu.core_type<sc_vector_subcore>, window_params = [{transform_indices = #map}, {transform_indices = #map1}, {transform_indices = #map2}, {transform_indices = #map}]} {
    %mul3A = arith.constant 3200 : i32
    %mul3A_0 = arith.muli %arg1, %mul3A : i32
    %lt3A = arith.constant 5 : i32
    %lt3A_1 = arith.cmpi slt, %arg1, %lt3A : i32
    %convert_element_type3A = arith.extui %lt3A_1 : i1 to i32
    %cond3A = arith.constant 0 : i32
    %cond3A_2 = arith.cmpi ne, %convert_element_type3A, %cond3A : i32
    scf.if %cond3A_2 {
      %mul3A_90 = arith.constant 2000 : i32
      %mul3A_91 = arith.muli %arg1, %mul3A_90 : i32
      "tpu.region"() ({
        %run_scoped3A = tpu.sem_alloc : memref<!tpu.dma_semaphore, #tpu.memory_space<semaphore_mem>>
        %dma_start3A_92 = arith.constant 0 : i32
        %dma_start3A_93 = tpu.memref_slice %arg6[%mul3A_91, %dma_start3A_92] : memref<10000x128xf32, #tpu.memory_space<vmem_shared>> -> memref<2000x128xf32, #tpu.memory_space<vmem_shared>>
        tpu.enqueue_dma source(%arg4 : memref<2000x128xf32, #tpu.memory_space<hbm>>) target(%dma_start3A_93 : memref<2000x128xf32, #tpu.memory_space<vmem_shared>>) target_semaphore(%run_scoped3A : memref<!tpu.dma_semaphore, #tpu.memory_space<semaphore_mem>>)
        %dma_wait3A_94 = arith.constant 0 : i32
        %dma_wait3A_95 = tpu.memref_slice %arg6[%mul3A_91, %dma_wait3A_94] : memref<10000x128xf32, #tpu.memory_space<vmem_shared>> -> memref<2000x128xf32, #tpu.memory_space<vmem_shared>>
        tpu.wait_dma2 semaphore(%run_scoped3A : memref<!tpu.dma_semaphore, #tpu.memory_space<semaphore_mem>>) src(%arg4 : memref<2000x128xf32, #tpu.memory_space<hbm>>) dst(%dma_wait3A_95 : memref<2000x128xf32, #tpu.memory_space<vmem_shared>>)
        tpu.yield
      }) : () -> ()
    } else {
    }
    %barrier3A = arith.constant 0 : index
    tpu.barrier barrier_id(%barrier3A)
    %add3A = arith.constant 0 : i32
    %add3A_3 = arith.addi %mul3A_0, %add3A : i32
    %add3A_4 = arith.constant 57600 : i32
    %add3A_5 = arith.addi %add3A_4, %add3A_3 : i32
    %dma_start3A = arith.constant 0 : i32
    %dma_start3A_6 = arith.constant 0 : i32
    %dma_start3A_7 = arith.constant 0 : i32
    %dma_start3A_8 = tpu.memref_slice %arg7[%dma_start3A, %dma_start3A_6, %dma_start3A_7] : memref<4x80x128xf32, #tpu.memory_space<vmem>> -> memref<1x80x128xf32, #tpu.memory_space<vmem>>
    %dma_start3A_9 = tpu.memref_squeeze %dma_start3A_8 : memref<1x80x128xf32, #tpu.memory_space<vmem>> -> memref<80x128xf32, #tpu.memory_space<vmem>>
    %dma_start3A_10 = arith.constant 0 : i32
    %dma_start3A_11 = tpu.memref_slice %arg2[%arg0, %add3A_3, %dma_start3A_10] : memref<2x51200x128xf32, #tpu.memory_space<hbm>> -> memref<1x80x128xf32, #tpu.memory_space<hbm>>
    %dma_start3A_12 = tpu.memref_squeeze %dma_start3A_11 : memref<1x80x128xf32, #tpu.memory_space<hbm>> -> memref<80x128xf32, #tpu.memory_space<hbm>>
    %dma_start3A_13 = arith.constant 0 : i32
    %dma_start3A_14 = arith.constant 0 : i32
    %dma_start3A_15 = tpu.memref_slice %arg7[%dma_start3A, %dma_start3A_13, %dma_start3A_14] : memref<4x80x128xf32, #tpu.memory_space<vmem>> -> memref<1x80x128xf32, #tpu.memory_space<vmem>>
    %dma_start3A_16 = tpu.memref_squeeze %dma_start3A_15 : memref<1x80x128xf32, #tpu.memory_space<vmem>> -> memref<80x128xf32, #tpu.memory_space<vmem>>
    %dma_start3A_17 = arith.constant 0 : i32
    %dma_start3A_18 = tpu.memref_slice %arg2[%arg0, %add3A_3, %dma_start3A_17] : memref<2x51200x128xf32, #tpu.memory_space<hbm>> -> memref<1x80x128xf32, #tpu.memory_space<hbm>>
    %dma_start3A_19 = tpu.memref_squeeze %dma_start3A_18 : memref<1x80x128xf32, #tpu.memory_space<hbm>> -> memref<80x128xf32, #tpu.memory_space<hbm>>
    tpu.enqueue_dma source(%dma_start3A_19 : memref<80x128xf32, #tpu.memory_space<hbm>>) target(%dma_start3A_16 : memref<80x128xf32, #tpu.memory_space<vmem>>) target_semaphore(%arg9 : memref<!tpu.dma_semaphore, #tpu.memory_space<semaphore_mem>>)
    %dma_start3A_20 = arith.constant 0 : i32
    %dma_start3A_21 = arith.constant 0 : i32
    %dma_start3A_22 = tpu.memref_slice %arg8[%dma_start3A_20, %dma_start3A_21] : memref<4x80xi32, #tpu.memory_space<vmem>> -> memref<1x80xi32, #tpu.memory_space<vmem>>
    %dma_start3A_23 = tpu.memref_squeeze %dma_start3A_22 : memref<1x80xi32, #tpu.memory_space<vmem>> -> memref<80xi32, #tpu.memory_space<vmem>>
    %dma_start3A_24 = tpu.memref_slice %arg3[%add3A_5] : memref<160000xi32, #tpu.memory_space<hbm>> -> memref<80xi32, #tpu.memory_space<hbm>>
    %dma_start3A_25 = arith.constant 0 : i32
    %dma_start3A_26 = tpu.memref_slice %arg8[%dma_start3A_20, %dma_start3A_25] : memref<4x80xi32, #tpu.memory_space<vmem>> -> memref<1x80xi32, #tpu.memory_space<vmem>>
    %dma_start3A_27 = tpu.memref_squeeze %dma_start3A_26 : memref<1x80xi32, #tpu.memory_space<vmem>> -> memref<80xi32, #tpu.memory_space<vmem>>
    %dma_start3A_28 = tpu.memref_slice %arg3[%add3A_5] : memref<160000xi32, #tpu.memory_space<hbm>> -> memref<80xi32, #tpu.memory_space<hbm>>
    tpu.enqueue_dma source(%dma_start3A_28 : memref<80xi32, #tpu.memory_space<hbm>>) target(%dma_start3A_27 : memref<80xi32, #tpu.memory_space<vmem>>) target_semaphore(%arg9 : memref<!tpu.dma_semaphore, #tpu.memory_space<semaphore_mem>>)
    %add3A_29 = arith.constant 80 : i32
    %add3A_30 = arith.addi %mul3A_0, %add3A_29 : i32
    %add3A_31 = arith.constant 57600 : i32
    %add3A_32 = arith.addi %add3A_31, %add3A_30 : i32
    %dma_start3A_33 = arith.constant 1 : i32
    %dma_start3A_34 = arith.constant 0 : i32
    %dma_start3A_35 = arith.constant 0 : i32
    %dma_start3A_36 = tpu.memref_slice %arg7[%dma_start3A_33, %dma_start3A_34, %dma_start3A_35] : memref<4x80x128xf32, #tpu.memory_space<vmem>> -> memref<1x80x128xf32, #tpu.memory_space<vmem>>
    %dma_start3A_37 = tpu.memref_squeeze %dma_start3A_36 : memref<1x80x128xf32, #tpu.memory_space<vmem>> -> memref<80x128xf32, #tpu.memory_space<vmem>>
    %dma_start3A_38 = arith.constant 0 : i32
    %dma_start3A_39 = tpu.memref_slice %arg2[%arg0, %add3A_30, %dma_start3A_38] : memref<2x51200x128xf32, #tpu.memory_space<hbm>> -> memref<1x80x128xf32, #tpu.memory_space<hbm>>
    %dma_start3A_40 = tpu.memref_squeeze %dma_start3A_39 : memref<1x80x128xf32, #tpu.memory_space<hbm>> -> memref<80x128xf32, #tpu.memory_space<hbm>>
    %dma_start3A_41 = arith.constant 0 : i32
    %dma_start3A_42 = arith.constant 0 : i32
    %dma_start3A_43 = tpu.memref_slice %arg7[%dma_start3A_33, %dma_start3A_41, %dma_start3A_42] : memref<4x80x128xf32, #tpu.memory_space<vmem>> -> memref<1x80x128xf32, #tpu.memory_space<vmem>>
    %dma_start3A_44 = tpu.memref_squeeze %dma_start3A_43 : memref<1x80x128xf32, #tpu.memory_space<vmem>> -> memref<80x128xf32, #tpu.memory_space<vmem>>
    %dma_start3A_45 = arith.constant 0 : i32
    %dma_start3A_46 = tpu.memref_slice %arg2[%arg0, %add3A_30, %dma_start3A_45] : memref<2x51200x128xf32, #tpu.memory_space<hbm>> -> memref<1x80x128xf32, #tpu.memory_space<hbm>>
    %dma_start3A_47 = tpu.memref_squeeze %dma_start3A_46 : memref<1x80x128xf32, #tpu.memory_space<hbm>> -> memref<80x128xf32, #tpu.memory_space<hbm>>
    tpu.enqueue_dma source(%dma_start3A_47 : memref<80x128xf32, #tpu.memory_space<hbm>>) target(%dma_start3A_44 : memref<80x128xf32, #tpu.memory_space<vmem>>) target_semaphore(%arg10 : memref<!tpu.dma_semaphore, #tpu.memory_space<semaphore_mem>>)
    %dma_start3A_48 = arith.constant 1 : i32
    %dma_start3A_49 = arith.constant 0 : i32
    %dma_start3A_50 = tpu.memref_slice %arg8[%dma_start3A_48, %dma_start3A_49] : memref<4x80xi32, #tpu.memory_space<vmem>> -> memref<1x80xi32, #tpu.memory_space<vmem>>
    %dma_start3A_51 = tpu.memref_squeeze %dma_start3A_50 : memref<1x80xi32, #tpu.memory_space<vmem>> -> memref<80xi32, #tpu.memory_space<vmem>>
    %dma_start3A_52 = tpu.memref_slice %arg3[%add3A_32] : memref<160000xi32, #tpu.memory_space<hbm>> -> memref<80xi32, #tpu.memory_space<hbm>>
    %dma_start3A_53 = arith.constant 0 : i32
    %dma_start3A_54 = tpu.memref_slice %arg8[%dma_start3A_48, %dma_start3A_53] : memref<4x80xi32, #tpu.memory_space<vmem>> -> memref<1x80xi32, #tpu.memory_space<vmem>>
    %dma_start3A_55 = tpu.memref_squeeze %dma_start3A_54 : memref<1x80xi32, #tpu.memory_space<vmem>> -> memref<80xi32, #tpu.memory_space<vmem>>
    %dma_start3A_56 = tpu.memref_slice %arg3[%add3A_32] : memref<160000xi32, #tpu.memory_space<hbm>> -> memref<80xi32, #tpu.memory_space<hbm>>
    tpu.enqueue_dma source(%dma_start3A_56 : memref<80xi32, #tpu.memory_space<hbm>>) target(%dma_start3A_55 : memref<80xi32, #tpu.memory_space<vmem>>) target_semaphore(%arg10 : memref<!tpu.dma_semaphore, #tpu.memory_space<semaphore_mem>>)
    %scan3A = arith.constant 0 : i32
    %scan3A_57 = arith.constant 10 : i32
    %scan3A_58 = arith.addi %scan3A, %scan3A_57 : i32
    %scan3A_59 = arith.constant 1 : i32
    scf.for %scan3A_90 = %scan3A to %scan3A_58 step %scan3A_59  : i32 {
      %mul3A_91 = arith.constant 4 : i32
      %mul3A_92 = arith.muli %scan3A_90, %mul3A_91 : i32
      %add3A_93 = arith.constant 0 : i32
      %add3A_94 = arith.addi %add3A_93, %mul3A_92 : i32
      %add3A_95 = arith.constant 0 : i32
      %add3A_96 = arith.addi %add3A_94, %add3A_95 : i32
      %mul3A_97 = arith.constant 80 : i32
      %mul3A_98 = arith.muli %add3A_96, %mul3A_97 : i32
      %add3A_99 = arith.addi %mul3A_0, %mul3A_98 : i32
      %add3A_100 = arith.constant 57600 : i32
      %add3A_101 = arith.addi %add3A_100, %add3A_99 : i32
      %dma_wait3A_102 = arith.constant 0 : i32
      %dma_wait3A_103 = arith.constant 0 : i32
      %dma_wait3A_104 = arith.constant 0 : i32
      %dma_wait3A_105 = tpu.memref_slice %arg7[%dma_wait3A_102, %dma_wait3A_103, %dma_wait3A_104] : memref<4x80x128xf32, #tpu.memory_space<vmem>> -> memref<1x80x128xf32, #tpu.memory_space<vmem>>
      %dma_wait3A_106 = tpu.memref_squeeze %dma_wait3A_105 : memref<1x80x128xf32, #tpu.memory_space<vmem>> -> memref<80x128xf32, #tpu.memory_space<vmem>>
      %dma_wait3A_107 = arith.constant 0 : i32
      %dma_wait3A_108 = tpu.memref_slice %arg2[%arg0, %add3A_99, %dma_wait3A_107] : memref<2x51200x128xf32, #tpu.memory_space<hbm>> -> memref<1x80x128xf32, #tpu.memory_space<hbm>>
      %dma_wait3A_109 = tpu.memref_squeeze %dma_wait3A_108 : memref<1x80x128xf32, #tpu.memory_space<hbm>> -> memref<80x128xf32, #tpu.memory_space<hbm>>
      %dma_wait3A_110 = arith.constant 0 : i32
      %dma_wait3A_111 = arith.constant 0 : i32
      %dma_wait3A_112 = tpu.memref_slice %arg7[%dma_wait3A_102, %dma_wait3A_110, %dma_wait3A_111] : memref<4x80x128xf32, #tpu.memory_space<vmem>> -> memref<1x80x128xf32, #tpu.memory_space<vmem>>
      %dma_wait3A_113 = tpu.memref_squeeze %dma_wait3A_112 : memref<1x80x128xf32, #tpu.memory_space<vmem>> -> memref<80x128xf32, #tpu.memory_space<vmem>>
      %dma_wait3A_114 = arith.constant 0 : i32
      %dma_wait3A_115 = tpu.memref_slice %arg2[%arg0, %add3A_99, %dma_wait3A_114] : memref<2x51200x128xf32, #tpu.memory_space<hbm>> -> memref<1x80x128xf32, #tpu.memory_space<hbm>>
      %dma_wait3A_116 = tpu.memref_squeeze %dma_wait3A_115 : memref<1x80x128xf32, #tpu.memory_space<hbm>> -> memref<80x128xf32, #tpu.memory_space<hbm>>
      tpu.wait_dma2 semaphore(%arg9 : memref<!tpu.dma_semaphore, #tpu.memory_space<semaphore_mem>>) src(%dma_wait3A_116 : memref<80x128xf32, #tpu.memory_space<hbm>>) dst(%dma_wait3A_113 : memref<80x128xf32, #tpu.memory_space<vmem>>)
      %dma_wait3A_117 = arith.constant 0 : i32
      %dma_wait3A_118 = arith.constant 0 : i32
      %dma_wait3A_119 = tpu.memref_slice %arg8[%dma_wait3A_117, %dma_wait3A_118] : memref<4x80xi32, #tpu.memory_space<vmem>> -> memref<1x80xi32, #tpu.memory_space<vmem>>
      %dma_wait3A_120 = tpu.memref_squeeze %dma_wait3A_119 : memref<1x80xi32, #tpu.memory_space<vmem>> -> memref<80xi32, #tpu.memory_space<vmem>>
      %dma_wait3A_121 = tpu.memref_slice %arg3[%add3A_101] : memref<160000xi32, #tpu.memory_space<hbm>> -> memref<80xi32, #tpu.memory_space<hbm>>
      %dma_wait3A_122 = arith.constant 0 : i32
      %dma_wait3A_123 = tpu.memref_slice %arg8[%dma_wait3A_117, %dma_wait3A_122] : memref<4x80xi32, #tpu.memory_space<vmem>> -> memref<1x80xi32, #tpu.memory_space<vmem>>
      %dma_wait3A_124 = tpu.memref_squeeze %dma_wait3A_123 : memref<1x80xi32, #tpu.memory_space<vmem>> -> memref<80xi32, #tpu.memory_space<vmem>>
      %dma_wait3A_125 = tpu.memref_slice %arg3[%add3A_101] : memref<160000xi32, #tpu.memory_space<hbm>> -> memref<80xi32, #tpu.memory_space<hbm>>
      tpu.wait_dma2 semaphore(%arg9 : memref<!tpu.dma_semaphore, #tpu.memory_space<semaphore_mem>>) src(%dma_wait3A_125 : memref<80xi32, #tpu.memory_space<hbm>>) dst(%dma_wait3A_124 : memref<80xi32, #tpu.memory_space<vmem>>)
      %dma_start3A_126 = arith.constant 0 : i32
      %dma_start3A_127 = arith.constant 0 : i32
      %dma_start3A_128 = arith.constant 0 : i32
      %dma_start3A_129 = arith.constant 0 : i32
      %dma_start3A_130 = tpu.memref_slice %arg7[%dma_start3A_126, %dma_start3A_128, %dma_start3A_129] : memref<4x80x128xf32, #tpu.memory_space<vmem>> -> memref<1x80x128xf32, #tpu.memory_space<vmem>>
      %dma_start3A_131 = tpu.memref_squeeze %dma_start3A_130 : memref<1x80x128xf32, #tpu.memory_space<vmem>> -> memref<80x128xf32, #tpu.memory_space<vmem>>
      %dma_start3A_132 = arith.constant 0 : i32
      %dma_start3A_133 = tpu.memref_slice %arg8[%dma_start3A_127, %dma_start3A_132] : memref<4x80xi32, #tpu.memory_space<vmem>> -> memref<1x80xi32, #tpu.memory_space<vmem>>
      %dma_start3A_134 = tpu.memref_squeeze %dma_start3A_133 : memref<1x80xi32, #tpu.memory_space<vmem>> -> memref<80xi32, #tpu.memory_space<vmem>>
      %dma_start3A_135 = arith.constant 0 : i32
      %dma_start3A_136 = arith.constant 0 : i32
      %dma_start3A_137 = tpu.memref_slice %arg6[%dma_start3A_135, %dma_start3A_136] : memref<10000x128xf32, #tpu.memory_space<vmem_shared>> -> memref<10000x128xf32, #tpu.memory_space<vmem_shared>>
      tpu.enqueue_indirect_dma source(%dma_start3A_131 : memref<80x128xf32, #tpu.memory_space<vmem>>) target(%dma_start3A_137 : memref<10000x128xf32, #tpu.memory_space<vmem_shared>>) offsets(%dma_start3A_134 : memref<80xi32, #tpu.memory_space<vmem>>) semaphore(%arg13 : memref<!tpu.dma_semaphore, #tpu.memory_space<semaphore_mem>>) {add = true}
      %sub3A = arith.constant 2 : i32
      %sub3A_138 = arith.subi %add3A_96, %sub3A : i32
      %ge3A = arith.constant 0 : i32
      %ge3A_139 = arith.cmpi sge, %sub3A_138, %ge3A : i32
      %convert_element_type3A_140 = arith.extui %ge3A_139 : i1 to i32
      %cond3A_141 = arith.constant 0 : i32
      %cond3A_142 = arith.cmpi ne, %convert_element_type3A_140, %cond3A_141 : i32
      scf.if %cond3A_142 {
        %dma_wait3A_321 = arith.constant 2 : i32
        %dma_wait3A_322 = arith.constant 2 : i32
        %dma_wait3A_323 = arith.constant 0 : i32
        %dma_wait3A_324 = arith.constant 0 : i32
        %dma_wait3A_325 = tpu.memref_slice %arg7[%dma_wait3A_321, %dma_wait3A_323, %dma_wait3A_324] : memref<4x80x128xf32, #tpu.memory_space<vmem>> -> memref<1x80x128xf32, #tpu.memory_space<vmem>>
        %dma_wait3A_326 = tpu.memref_squeeze %dma_wait3A_325 : memref<1x80x128xf32, #tpu.memory_space<vmem>> -> memref<80x128xf32, #tpu.memory_space<vmem>>
        %dma_wait3A_327 = arith.constant 0 : i32
        %dma_wait3A_328 = tpu.memref_slice %arg8[%dma_wait3A_322, %dma_wait3A_327] : memref<4x80xi32, #tpu.memory_space<vmem>> -> memref<1x80xi32, #tpu.memory_space<vmem>>
        %dma_wait3A_329 = tpu.memref_squeeze %dma_wait3A_328 : memref<1x80xi32, #tpu.memory_space<vmem>> -> memref<80xi32, #tpu.memory_space<vmem>>
        %dma_wait3A_330 = arith.constant 0 : i32
        %dma_wait3A_331 = arith.constant 0 : i32
        %dma_wait3A_332 = tpu.memref_slice %arg6[%dma_wait3A_330, %dma_wait3A_331] : memref<10000x128xf32, #tpu.memory_space<vmem_shared>> -> memref<10000x128xf32, #tpu.memory_space<vmem_shared>>
        tpu.wait_indirect_dma semaphore(%arg15 : memref<!tpu.dma_semaphore, #tpu.memory_space<semaphore_mem>>) src(%dma_wait3A_326 : memref<80x128xf32, #tpu.memory_space<vmem>>) dst(%dma_wait3A_332 : memref<10000x128xf32, #tpu.memory_space<vmem_shared>>)
      } else {
      }
      %add3A_143 = arith.constant 2 : i32
      %add3A_144 = arith.addi %add3A_96, %add3A_143 : i32
      %lt3A_145 = arith.constant 40 : i32
      %lt3A_146 = arith.cmpi slt, %add3A_144, %lt3A_145 : i32
      %convert_element_type3A_147 = arith.extui %lt3A_146 : i1 to i32
      %cond3A_148 = arith.constant 0 : i32
      %cond3A_149 = arith.cmpi ne, %convert_element_type3A_147, %cond3A_148 : i32
      scf.if %cond3A_149 {
        %add3A_321 = arith.constant 2 : i32
        %add3A_322 = arith.addi %add3A_96, %add3A_321 : i32
        %mul3A_323 = arith.constant 80 : i32
        %mul3A_324 = arith.muli %add3A_322, %mul3A_323 : i32
        %add3A_325 = arith.addi %mul3A_0, %mul3A_324 : i32
        %add3A_326 = arith.constant 57600 : i32
        %add3A_327 = arith.addi %add3A_326, %add3A_325 : i32
        %dma_start3A_328 = arith.constant 2 : i32
        %dma_start3A_329 = arith.constant 0 : i32
        %dma_start3A_330 = arith.constant 0 : i32
        %dma_start3A_331 = tpu.memref_slice %arg7[%dma_start3A_328, %dma_start3A_329, %dma_start3A_330] : memref<4x80x128xf32, #tpu.memory_space<vmem>> -> memref<1x80x128xf32, #tpu.memory_space<vmem>>
        %dma_start3A_332 = tpu.memref_squeeze %dma_start3A_331 : memref<1x80x128xf32, #tpu.memory_space<vmem>> -> memref<80x128xf32, #tpu.memory_space<vmem>>
        %dma_start3A_333 = arith.constant 0 : i32
        %dma_start3A_334 = tpu.memref_slice %arg2[%arg0, %add3A_325, %dma_start3A_333] : memref<2x51200x128xf32, #tpu.memory_space<hbm>> -> memref<1x80x128xf32, #tpu.memory_space<hbm>>
        %dma_start3A_335 = tpu.memref_squeeze %dma_start3A_334 : memref<1x80x128xf32, #tpu.memory_space<hbm>> -> memref<80x128xf32, #tpu.memory_space<hbm>>
        %dma_start3A_336 = arith.constant 0 : i32
        %dma_start3A_337 = arith.constant 0 : i32
        %dma_start3A_338 = tpu.memref_slice %arg7[%dma_start3A_328, %dma_start3A_336, %dma_start3A_337] : memref<4x80x128xf32, #tpu.memory_space<vmem>> -> memref<1x80x128xf32, #tpu.memory_space<vmem>>
        %dma_start3A_339 = tpu.memref_squeeze %dma_start3A_338 : memref<1x80x128xf32, #tpu.memory_space<vmem>> -> memref<80x128xf32, #tpu.memory_space<vmem>>
        %dma_start3A_340 = arith.constant 0 : i32
        %dma_start3A_341 = tpu.memref_slice %arg2[%arg0, %add3A_325, %dma_start3A_340] : memref<2x51200x128xf32, #tpu.memory_space<hbm>> -> memref<1x80x128xf32, #tpu.memory_space<hbm>>
        %dma_start3A_342 = tpu.memref_squeeze %dma_start3A_341 : memref<1x80x128xf32, #tpu.memory_space<hbm>> -> memref<80x128xf32, #tpu.memory_space<hbm>>
        tpu.enqueue_dma source(%dma_start3A_342 : memref<80x128xf32, #tpu.memory_space<hbm>>) target(%dma_start3A_339 : memref<80x128xf32, #tpu.memory_space<vmem>>) target_semaphore(%arg11 : memref<!tpu.dma_semaphore, #tpu.memory_space<semaphore_mem>>)
        %dma_start3A_343 = arith.constant 2 : i32
        %dma_start3A_344 = arith.constant 0 : i32
        %dma_start3A_345 = tpu.memref_slice %arg8[%dma_start3A_343, %dma_start3A_344] : memref<4x80xi32, #tpu.memory_space<vmem>> -> memref<1x80xi32, #tpu.memory_space<vmem>>
        %dma_start3A_346 = tpu.memref_squeeze %dma_start3A_345 : memref<1x80xi32, #tpu.memory_space<vmem>> -> memref<80xi32, #tpu.memory_space<vmem>>
        %dma_start3A_347 = tpu.memref_slice %arg3[%add3A_327] : memref<160000xi32, #tpu.memory_space<hbm>> -> memref<80xi32, #tpu.memory_space<hbm>>
        %dma_start3A_348 = arith.constant 0 : i32
        %dma_start3A_349 = tpu.memref_slice %arg8[%dma_start3A_343, %dma_start3A_348] : memref<4x80xi32, #tpu.memory_space<vmem>> -> memref<1x80xi32, #tpu.memory_space<vmem>>
        %dma_start3A_350 = tpu.memref_squeeze %dma_start3A_349 : memref<1x80xi32, #tpu.memory_space<vmem>> -> memref<80xi32, #tpu.memory_space<vmem>>
        %dma_start3A_351 = tpu.memref_slice %arg3[%add3A_327] : memref<160000xi32, #tpu.memory_space<hbm>> -> memref<80xi32, #tpu.memory_space<hbm>>
        tpu.enqueue_dma source(%dma_start3A_351 : memref<80xi32, #tpu.memory_space<hbm>>) target(%dma_start3A_350 : memref<80xi32, #tpu.memory_space<vmem>>) target_semaphore(%arg11 : memref<!tpu.dma_semaphore, #tpu.memory_space<semaphore_mem>>)
      } else {
      }
      %add3A_150 = arith.constant 1 : i32
      %add3A_151 = arith.addi %add3A_94, %add3A_150 : i32
      %mul3A_152 = arith.constant 80 : i32
      %mul3A_153 = arith.muli %add3A_151, %mul3A_152 : i32
      %add3A_154 = arith.addi %mul3A_0, %mul3A_153 : i32
      %add3A_155 = arith.constant 57600 : i32
      %add3A_156 = arith.addi %add3A_155, %add3A_154 : i32
      %dma_wait3A_157 = arith.constant 1 : i32
      %dma_wait3A_158 = arith.constant 0 : i32
      %dma_wait3A_159 = arith.constant 0 : i32
      %dma_wait3A_160 = tpu.memref_slice %arg7[%dma_wait3A_157, %dma_wait3A_158, %dma_wait3A_159] : memref<4x80x128xf32, #tpu.memory_space<vmem>> -> memref<1x80x128xf32, #tpu.memory_space<vmem>>
      %dma_wait3A_161 = tpu.memref_squeeze %dma_wait3A_160 : memref<1x80x128xf32, #tpu.memory_space<vmem>> -> memref<80x128xf32, #tpu.memory_space<vmem>>
      %dma_wait3A_162 = arith.constant 0 : i32
      %dma_wait3A_163 = tpu.memref_slice %arg2[%arg0, %add3A_154, %dma_wait3A_162] : memref<2x51200x128xf32, #tpu.memory_space<hbm>> -> memref<1x80x128xf32, #tpu.memory_space<hbm>>
      %dma_wait3A_164 = tpu.memref_squeeze %dma_wait3A_163 : memref<1x80x128xf32, #tpu.memory_space<hbm>> -> memref<80x128xf32, #tpu.memory_space<hbm>>
      %dma_wait3A_165 = arith.constant 0 : i32
      %dma_wait3A_166 = arith.constant 0 : i32
      %dma_wait3A_167 = tpu.memref_slice %arg7[%dma_wait3A_157, %dma_wait3A_165, %dma_wait3A_166] : memref<4x80x128xf32, #tpu.memory_space<vmem>> -> memref<1x80x128xf32, #tpu.memory_space<vmem>>
      %dma_wait3A_168 = tpu.memref_squeeze %dma_wait3A_167 : memref<1x80x128xf32, #tpu.memory_space<vmem>> -> memref<80x128xf32, #tpu.memory_space<vmem>>
      %dma_wait3A_169 = arith.constant 0 : i32
      %dma_wait3A_170 = tpu.memref_slice %arg2[%arg0, %add3A_154, %dma_wait3A_169] : memref<2x51200x128xf32, #tpu.memory_space<hbm>> -> memref<1x80x128xf32, #tpu.memory_space<hbm>>
      %dma_wait3A_171 = tpu.memref_squeeze %dma_wait3A_170 : memref<1x80x128xf32, #tpu.memory_space<hbm>> -> memref<80x128xf32, #tpu.memory_space<hbm>>
      tpu.wait_dma2 semaphore(%arg10 : memref<!tpu.dma_semaphore, #tpu.memory_space<semaphore_mem>>) src(%dma_wait3A_171 : memref<80x128xf32, #tpu.memory_space<hbm>>) dst(%dma_wait3A_168 : memref<80x128xf32, #tpu.memory_space<vmem>>)
      %dma_wait3A_172 = arith.constant 1 : i32
      %dma_wait3A_173 = arith.constant 0 : i32
      %dma_wait3A_174 = tpu.memref_slice %arg8[%dma_wait3A_172, %dma_wait3A_173] : memref<4x80xi32, #tpu.memory_space<vmem>> -> memref<1x80xi32, #tpu.memory_space<vmem>>
      %dma_wait3A_175 = tpu.memref_squeeze %dma_wait3A_174 : memref<1x80xi32, #tpu.memory_space<vmem>> -> memref<80xi32, #tpu.memory_space<vmem>>
      %dma_wait3A_176 = tpu.memref_slice %arg3[%add3A_156] : memref<160000xi32, #tpu.memory_space<hbm>> -> memref<80xi32, #tpu.memory_space<hbm>>
      %dma_wait3A_177 = arith.constant 0 : i32
      %dma_wait3A_178 = tpu.memref_slice %arg8[%dma_wait3A_172, %dma_wait3A_177] : memref<4x80xi32, #tpu.memory_space<vmem>> -> memref<1x80xi32, #tpu.memory_space<vmem>>
      %dma_wait3A_179 = tpu.memref_squeeze %dma_wait3A_178 : memref<1x80xi32, #tpu.memory_space<vmem>> -> memref<80xi32, #tpu.memory_space<vmem>>
      %dma_wait3A_180 = tpu.memref_slice %arg3[%add3A_156] : memref<160000xi32, #tpu.memory_space<hbm>> -> memref<80xi32, #tpu.memory_space<hbm>>
      tpu.wait_dma2 semaphore(%arg10 : memref<!tpu.dma_semaphore, #tpu.memory_space<semaphore_mem>>) src(%dma_wait3A_180 : memref<80xi32, #tpu.memory_space<hbm>>) dst(%dma_wait3A_179 : memref<80xi32, #tpu.memory_space<vmem>>)
      %dma_start3A_181 = arith.constant 1 : i32
      %dma_start3A_182 = arith.constant 1 : i32
      %dma_start3A_183 = arith.constant 0 : i32
      %dma_start3A_184 = arith.constant 0 : i32
      %dma_start3A_185 = tpu.memref_slice %arg7[%dma_start3A_181, %dma_start3A_183, %dma_start3A_184] : memref<4x80x128xf32, #tpu.memory_space<vmem>> -> memref<1x80x128xf32, #tpu.memory_space<vmem>>
      %dma_start3A_186 = tpu.memref_squeeze %dma_start3A_185 : memref<1x80x128xf32, #tpu.memory_space<vmem>> -> memref<80x128xf32, #tpu.memory_space<vmem>>
      %dma_start3A_187 = arith.constant 0 : i32
      %dma_start3A_188 = tpu.memref_slice %arg8[%dma_start3A_182, %dma_start3A_187] : memref<4x80xi32, #tpu.memory_space<vmem>> -> memref<1x80xi32, #tpu.memory_space<vmem>>
      %dma_start3A_189 = tpu.memref_squeeze %dma_start3A_188 : memref<1x80xi32, #tpu.memory_space<vmem>> -> memref<80xi32, #tpu.memory_space<vmem>>
      %dma_start3A_190 = arith.constant 0 : i32
      %dma_start3A_191 = arith.constant 0 : i32
      %dma_start3A_192 = tpu.memref_slice %arg6[%dma_start3A_190, %dma_start3A_191] : memref<10000x128xf32, #tpu.memory_space<vmem_shared>> -> memref<10000x128xf32, #tpu.memory_space<vmem_shared>>
      tpu.enqueue_indirect_dma source(%dma_start3A_186 : memref<80x128xf32, #tpu.memory_space<vmem>>) target(%dma_start3A_192 : memref<10000x128xf32, #tpu.memory_space<vmem_shared>>) offsets(%dma_start3A_189 : memref<80xi32, #tpu.memory_space<vmem>>) semaphore(%arg14 : memref<!tpu.dma_semaphore, #tpu.memory_space<semaphore_mem>>) {add = true}
      %sub3A_193 = arith.constant 2 : i32
      %sub3A_194 = arith.subi %add3A_151, %sub3A_193 : i32
      %ge3A_195 = arith.constant 0 : i32
      %ge3A_196 = arith.cmpi sge, %sub3A_194, %ge3A_195 : i32
      %convert_element_type3A_197 = arith.extui %ge3A_196 : i1 to i32
      %cond3A_198 = arith.constant 0 : i32
      %cond3A_199 = arith.cmpi ne, %convert_element_type3A_197, %cond3A_198 : i32
      scf.if %cond3A_199 {
        %dma_wait3A_321 = arith.constant 3 : i32
        %dma_wait3A_322 = arith.constant 3 : i32
        %dma_wait3A_323 = arith.constant 0 : i32
        %dma_wait3A_324 = arith.constant 0 : i32
        %dma_wait3A_325 = tpu.memref_slice %arg7[%dma_wait3A_321, %dma_wait3A_323, %dma_wait3A_324] : memref<4x80x128xf32, #tpu.memory_space<vmem>> -> memref<1x80x128xf32, #tpu.memory_space<vmem>>
        %dma_wait3A_326 = tpu.memref_squeeze %dma_wait3A_325 : memref<1x80x128xf32, #tpu.memory_space<vmem>> -> memref<80x128xf32, #tpu.memory_space<vmem>>
        %dma_wait3A_327 = arith.constant 0 : i32
        %dma_wait3A_328 = tpu.memref_slice %arg8[%dma_wait3A_322, %dma_wait3A_327] : memref<4x80xi32, #tpu.memory_space<vmem>> -> memref<1x80xi32, #tpu.memory_space<vmem>>
        %dma_wait3A_329 = tpu.memref_squeeze %dma_wait3A_328 : memref<1x80xi32, #tpu.memory_space<vmem>> -> memref<80xi32, #tpu.memory_space<vmem>>
        %dma_wait3A_330 = arith.constant 0 : i32
        %dma_wait3A_331 = arith.constant 0 : i32
        %dma_wait3A_332 = tpu.memref_slice %arg6[%dma_wait3A_330, %dma_wait3A_331] : memref<10000x128xf32, #tpu.memory_space<vmem_shared>> -> memref<10000x128xf32, #tpu.memory_space<vmem_shared>>
        tpu.wait_indirect_dma semaphore(%arg16 : memref<!tpu.dma_semaphore, #tpu.memory_space<semaphore_mem>>) src(%dma_wait3A_326 : memref<80x128xf32, #tpu.memory_space<vmem>>) dst(%dma_wait3A_332 : memref<10000x128xf32, #tpu.memory_space<vmem_shared>>)
      } else {
      }
      %add3A_200 = arith.constant 2 : i32
      %add3A_201 = arith.addi %add3A_151, %add3A_200 : i32
      %lt3A_202 = arith.constant 40 : i32
      %lt3A_203 = arith.cmpi slt, %add3A_201, %lt3A_202 : i32
      %convert_element_type3A_204 = arith.extui %lt3A_203 : i1 to i32
      %cond3A_205 = arith.constant 0 : i32
      %cond3A_206 = arith.cmpi ne, %convert_element_type3A_204, %cond3A_205 : i32
      scf.if %cond3A_206 {
        %add3A_321 = arith.constant 2 : i32
        %add3A_322 = arith.addi %add3A_151, %add3A_321 : i32
        %mul3A_323 = arith.constant 80 : i32
        %mul3A_324 = arith.muli %add3A_322, %mul3A_323 : i32
        %add3A_325 = arith.addi %mul3A_0, %mul3A_324 : i32
        %add3A_326 = arith.constant 57600 : i32
        %add3A_327 = arith.addi %add3A_326, %add3A_325 : i32
        %dma_start3A_328 = arith.constant 3 : i32
        %dma_start3A_329 = arith.constant 0 : i32
        %dma_start3A_330 = arith.constant 0 : i32
        %dma_start3A_331 = tpu.memref_slice %arg7[%dma_start3A_328, %dma_start3A_329, %dma_start3A_330] : memref<4x80x128xf32, #tpu.memory_space<vmem>> -> memref<1x80x128xf32, #tpu.memory_space<vmem>>
        %dma_start3A_332 = tpu.memref_squeeze %dma_start3A_331 : memref<1x80x128xf32, #tpu.memory_space<vmem>> -> memref<80x128xf32, #tpu.memory_space<vmem>>
        %dma_start3A_333 = arith.constant 0 : i32
        %dma_start3A_334 = tpu.memref_slice %arg2[%arg0, %add3A_325, %dma_start3A_333] : memref<2x51200x128xf32, #tpu.memory_space<hbm>> -> memref<1x80x128xf32, #tpu.memory_space<hbm>>
        %dma_start3A_335 = tpu.memref_squeeze %dma_start3A_334 : memref<1x80x128xf32, #tpu.memory_space<hbm>> -> memref<80x128xf32, #tpu.memory_space<hbm>>
        %dma_start3A_336 = arith.constant 0 : i32
        %dma_start3A_337 = arith.constant 0 : i32
        %dma_start3A_338 = tpu.memref_slice %arg7[%dma_start3A_328, %dma_start3A_336, %dma_start3A_337] : memref<4x80x128xf32, #tpu.memory_space<vmem>> -> memref<1x80x128xf32, #tpu.memory_space<vmem>>
        %dma_start3A_339 = tpu.memref_squeeze %dma_start3A_338 : memref<1x80x128xf32, #tpu.memory_space<vmem>> -> memref<80x128xf32, #tpu.memory_space<vmem>>
        %dma_start3A_340 = arith.constant 0 : i32
        %dma_start3A_341 = tpu.memref_slice %arg2[%arg0, %add3A_325, %dma_start3A_340] : memref<2x51200x128xf32, #tpu.memory_space<hbm>> -> memref<1x80x128xf32, #tpu.memory_space<hbm>>
        %dma_start3A_342 = tpu.memref_squeeze %dma_start3A_341 : memref<1x80x128xf32, #tpu.memory_space<hbm>> -> memref<80x128xf32, #tpu.memory_space<hbm>>
        tpu.enqueue_dma source(%dma_start3A_342 : memref<80x128xf32, #tpu.memory_space<hbm>>) target(%dma_start3A_339 : memref<80x128xf32, #tpu.memory_space<vmem>>) target_semaphore(%arg12 : memref<!tpu.dma_semaphore, #tpu.memory_space<semaphore_mem>>)
        %dma_start3A_343 = arith.constant 3 : i32
        %dma_start3A_344 = arith.constant 0 : i32
        %dma_start3A_345 = tpu.memref_slice %arg8[%dma_start3A_343, %dma_start3A_344] : memref<4x80xi32, #tpu.memory_space<vmem>> -> memref<1x80xi32, #tpu.memory_space<vmem>>
        %dma_start3A_346 = tpu.memref_squeeze %dma_start3A_345 : memref<1x80xi32, #tpu.memory_space<vmem>> -> memref<80xi32, #tpu.memory_space<vmem>>
        %dma_start3A_347 = tpu.memref_slice %arg3[%add3A_327] : memref<160000xi32, #tpu.memory_space<hbm>> -> memref<80xi32, #tpu.memory_space<hbm>>
        %dma_start3A_348 = arith.constant 0 : i32
        %dma_start3A_349 = tpu.memref_slice %arg8[%dma_start3A_343, %dma_start3A_348] : memref<4x80xi32, #tpu.memory_space<vmem>> -> memref<1x80xi32, #tpu.memory_space<vmem>>
        %dma_start3A_350 = tpu.memref_squeeze %dma_start3A_349 : memref<1x80xi32, #tpu.memory_space<vmem>> -> memref<80xi32, #tpu.memory_space<vmem>>
        %dma_start3A_351 = tpu.memref_slice %arg3[%add3A_327] : memref<160000xi32, #tpu.memory_space<hbm>> -> memref<80xi32, #tpu.memory_space<hbm>>
        tpu.enqueue_dma source(%dma_start3A_351 : memref<80xi32, #tpu.memory_space<hbm>>) target(%dma_start3A_350 : memref<80xi32, #tpu.memory_space<vmem>>) target_semaphore(%arg12 : memref<!tpu.dma_semaphore, #tpu.memory_space<semaphore_mem>>)
      } else {
      }
      %add3A_207 = arith.constant 2 : i32
      %add3A_208 = arith.addi %add3A_94, %add3A_207 : i32
      %mul3A_209 = arith.constant 80 : i32
      %mul3A_210 = arith.muli %add3A_208, %mul3A_209 : i32
      %add3A_211 = arith.addi %mul3A_0, %mul3A_210 : i32
      %add3A_212 = arith.constant 57600 : i32
      %add3A_213 = arith.addi %add3A_212, %add3A_211 : i32
      %dma_wait3A_214 = arith.constant 2 : i32
      %dma_wait3A_215 = arith.constant 0 : i32
      %dma_wait3A_216 = arith.constant 0 : i32
      %dma_wait3A_217 = tpu.memref_slice %arg7[%dma_wait3A_214, %dma_wait3A_215, %dma_wait3A_216] : memref<4x80x128xf32, #tpu.memory_space<vmem>> -> memref<1x80x128xf32, #tpu.memory_space<vmem>>
      %dma_wait3A_218 = tpu.memref_squeeze %dma_wait3A_217 : memref<1x80x128xf32, #tpu.memory_space<vmem>> -> memref<80x128xf32, #tpu.memory_space<vmem>>
      %dma_wait3A_219 = arith.constant 0 : i32
      %dma_wait3A_220 = tpu.memref_slice %arg2[%arg0, %add3A_211, %dma_wait3A_219] : memref<2x51200x128xf32, #tpu.memory_space<hbm>> -> memref<1x80x128xf32, #tpu.memory_space<hbm>>
      %dma_wait3A_221 = tpu.memref_squeeze %dma_wait3A_220 : memref<1x80x128xf32, #tpu.memory_space<hbm>> -> memref<80x128xf32, #tpu.memory_space<hbm>>
      %dma_wait3A_222 = arith.constant 0 : i32
      %dma_wait3A_223 = arith.constant 0 : i32
      %dma_wait3A_224 = tpu.memref_slice %arg7[%dma_wait3A_214, %dma_wait3A_222, %dma_wait3A_223] : memref<4x80x128xf32, #tpu.memory_space<vmem>> -> memref<1x80x128xf32, #tpu.memory_space<vmem>>
      %dma_wait3A_225 = tpu.memref_squeeze %dma_wait3A_224 : memref<1x80x128xf32, #tpu.memory_space<vmem>> -> memref<80x128xf32, #tpu.memory_space<vmem>>
      %dma_wait3A_226 = arith.constant 0 : i32
      %dma_wait3A_227 = tpu.memref_slice %arg2[%arg0, %add3A_211, %dma_wait3A_226] : memref<2x51200x128xf32, #tpu.memory_space<hbm>> -> memref<1x80x128xf32, #tpu.memory_space<hbm>>
      %dma_wait3A_228 = tpu.memref_squeeze %dma_wait3A_227 : memref<1x80x128xf32, #tpu.memory_space<hbm>> -> memref<80x128xf32, #tpu.memory_space<hbm>>
      tpu.wait_dma2 semaphore(%arg11 : memref<!tpu.dma_semaphore, #tpu.memory_space<semaphore_mem>>) src(%dma_wait3A_228 : memref<80x128xf32, #tpu.memory_space<hbm>>) dst(%dma_wait3A_225 : memref<80x128xf32, #tpu.memory_space<vmem>>)
      %dma_wait3A_229 = arith.constant 2 : i32
      %dma_wait3A_230 = arith.constant 0 : i32
      %dma_wait3A_231 = tpu.memref_slice %arg8[%dma_wait3A_229, %dma_wait3A_230] : memref<4x80xi32, #tpu.memory_space<vmem>> -> memref<1x80xi32, #tpu.memory_space<vmem>>
      %dma_wait3A_232 = tpu.memref_squeeze %dma_wait3A_231 : memref<1x80xi32, #tpu.memory_space<vmem>> -> memref<80xi32, #tpu.memory_space<vmem>>
      %dma_wait3A_233 = tpu.memref_slice %arg3[%add3A_213] : memref<160000xi32, #tpu.memory_space<hbm>> -> memref<80xi32, #tpu.memory_space<hbm>>
      %dma_wait3A_234 = arith.constant 0 : i32
      %dma_wait3A_235 = tpu.memref_slice %arg8[%dma_wait3A_229, %dma_wait3A_234] : memref<4x80xi32, #tpu.memory_space<vmem>> -> memref<1x80xi32, #tpu.memory_space<vmem>>
      %dma_wait3A_236 = tpu.memref_squeeze %dma_wait3A_235 : memref<1x80xi32, #tpu.memory_space<vmem>> -> memref<80xi32, #tpu.memory_space<vmem>>
      %dma_wait3A_237 = tpu.memref_slice %arg3[%add3A_213] : memref<160000xi32, #tpu.memory_space<hbm>> -> memref<80xi32, #tpu.memory_space<hbm>>
      tpu.wait_dma2 semaphore(%arg11 : memref<!tpu.dma_semaphore, #tpu.memory_space<semaphore_mem>>) src(%dma_wait3A_237 : memref<80xi32, #tpu.memory_space<hbm>>) dst(%dma_wait3A_236 : memref<80xi32, #tpu.memory_space<vmem>>)
      %dma_start3A_238 = arith.constant 2 : i32
      %dma_start3A_239 = arith.constant 2 : i32
      %dma_start3A_240 = arith.constant 0 : i32
      %dma_start3A_241 = arith.constant 0 : i32
      %dma_start3A_242 = tpu.memref_slice %arg7[%dma_start3A_238, %dma_start3A_240, %dma_start3A_241] : memref<4x80x128xf32, #tpu.memory_space<vmem>> -> memref<1x80x128xf32, #tpu.memory_space<vmem>>
      %dma_start3A_243 = tpu.memref_squeeze %dma_start3A_242 : memref<1x80x128xf32, #tpu.memory_space<vmem>> -> memref<80x128xf32, #tpu.memory_space<vmem>>
      %dma_start3A_244 = arith.constant 0 : i32
      %dma_start3A_245 = tpu.memref_slice %arg8[%dma_start3A_239, %dma_start3A_244] : memref<4x80xi32, #tpu.memory_space<vmem>> -> memref<1x80xi32, #tpu.memory_space<vmem>>
      %dma_start3A_246 = tpu.memref_squeeze %dma_start3A_245 : memref<1x80xi32, #tpu.memory_space<vmem>> -> memref<80xi32, #tpu.memory_space<vmem>>
      %dma_start3A_247 = arith.constant 0 : i32
      %dma_start3A_248 = arith.constant 0 : i32
      %dma_start3A_249 = tpu.memref_slice %arg6[%dma_start3A_247, %dma_start3A_248] : memref<10000x128xf32, #tpu.memory_space<vmem_shared>> -> memref<10000x128xf32, #tpu.memory_space<vmem_shared>>
      tpu.enqueue_indirect_dma source(%dma_start3A_243 : memref<80x128xf32, #tpu.memory_space<vmem>>) target(%dma_start3A_249 : memref<10000x128xf32, #tpu.memory_space<vmem_shared>>) offsets(%dma_start3A_246 : memref<80xi32, #tpu.memory_space<vmem>>) semaphore(%arg15 : memref<!tpu.dma_semaphore, #tpu.memory_space<semaphore_mem>>) {add = true}
      %sub3A_250 = arith.constant 2 : i32
      %sub3A_251 = arith.subi %add3A_208, %sub3A_250 : i32
      %ge3A_252 = arith.constant 0 : i32
      %ge3A_253 = arith.cmpi sge, %sub3A_251, %ge3A_252 : i32
      %convert_element_type3A_254 = arith.extui %ge3A_253 : i1 to i32
      %cond3A_255 = arith.constant 0 : i32
      %cond3A_256 = arith.cmpi ne, %convert_element_type3A_254, %cond3A_255 : i32
      scf.if %cond3A_256 {
        %dma_wait3A_321 = arith.constant 0 : i32
        %dma_wait3A_322 = arith.constant 0 : i32
        %dma_wait3A_323 = arith.constant 0 : i32
        %dma_wait3A_324 = arith.constant 0 : i32
        %dma_wait3A_325 = tpu.memref_slice %arg7[%dma_wait3A_321, %dma_wait3A_323, %dma_wait3A_324] : memref<4x80x128xf32, #tpu.memory_space<vmem>> -> memref<1x80x128xf32, #tpu.memory_space<vmem>>
        %dma_wait3A_326 = tpu.memref_squeeze %dma_wait3A_325 : memref<1x80x128xf32, #tpu.memory_space<vmem>> -> memref<80x128xf32, #tpu.memory_space<vmem>>
        %dma_wait3A_327 = arith.constant 0 : i32
        %dma_wait3A_328 = tpu.memref_slice %arg8[%dma_wait3A_322, %dma_wait3A_327] : memref<4x80xi32, #tpu.memory_space<vmem>> -> memref<1x80xi32, #tpu.memory_space<vmem>>
        %dma_wait3A_329 = tpu.memref_squeeze %dma_wait3A_328 : memref<1x80xi32, #tpu.memory_space<vmem>> -> memref<80xi32, #tpu.memory_space<vmem>>
        %dma_wait3A_330 = arith.constant 0 : i32
        %dma_wait3A_331 = arith.constant 0 : i32
        %dma_wait3A_332 = tpu.memref_slice %arg6[%dma_wait3A_330, %dma_wait3A_331] : memref<10000x128xf32, #tpu.memory_space<vmem_shared>> -> memref<10000x128xf32, #tpu.memory_space<vmem_shared>>
        tpu.wait_indirect_dma semaphore(%arg13 : memref<!tpu.dma_semaphore, #tpu.memory_space<semaphore_mem>>) src(%dma_wait3A_326 : memref<80x128xf32, #tpu.memory_space<vmem>>) dst(%dma_wait3A_332 : memref<10000x128xf32, #tpu.memory_space<vmem_shared>>)
      } else {
      }
      %add3A_257 = arith.constant 2 : i32
      %add3A_258 = arith.addi %add3A_208, %add3A_257 : i32
      %lt3A_259 = arith.constant 40 : i32
      %lt3A_260 = arith.cmpi slt, %add3A_258, %lt3A_259 : i32
      %convert_element_type3A_261 = arith.extui %lt3A_260 : i1 to i32
      %cond3A_262 = arith.constant 0 : i32
      %cond3A_263 = arith.cmpi ne, %convert_element_type3A_261, %cond3A_262 : i32
      scf.if %cond3A_263 {
        %add3A_321 = arith.constant 2 : i32
        %add3A_322 = arith.addi %add3A_208, %add3A_321 : i32
        %mul3A_323 = arith.constant 80 : i32
        %mul3A_324 = arith.muli %add3A_322, %mul3A_323 : i32
        %add3A_325 = arith.addi %mul3A_0, %mul3A_324 : i32
        %add3A_326 = arith.constant 57600 : i32
        %add3A_327 = arith.addi %add3A_326, %add3A_325 : i32
        %dma_start3A_328 = arith.constant 0 : i32
        %dma_start3A_329 = arith.constant 0 : i32
        %dma_start3A_330 = arith.constant 0 : i32
        %dma_start3A_331 = tpu.memref_slice %arg7[%dma_start3A_328, %dma_start3A_329, %dma_start3A_330] : memref<4x80x128xf32, #tpu.memory_space<vmem>> -> memref<1x80x128xf32, #tpu.memory_space<vmem>>
        %dma_start3A_332 = tpu.memref_squeeze %dma_start3A_331 : memref<1x80x128xf32, #tpu.memory_space<vmem>> -> memref<80x128xf32, #tpu.memory_space<vmem>>
        %dma_start3A_333 = arith.constant 0 : i32
        %dma_start3A_334 = tpu.memref_slice %arg2[%arg0, %add3A_325, %dma_start3A_333] : memref<2x51200x128xf32, #tpu.memory_space<hbm>> -> memref<1x80x128xf32, #tpu.memory_space<hbm>>
        %dma_start3A_335 = tpu.memref_squeeze %dma_start3A_334 : memref<1x80x128xf32, #tpu.memory_space<hbm>> -> memref<80x128xf32, #tpu.memory_space<hbm>>
        %dma_start3A_336 = arith.constant 0 : i32
        %dma_start3A_337 = arith.constant 0 : i32
        %dma_start3A_338 = tpu.memref_slice %arg7[%dma_start3A_328, %dma_start3A_336, %dma_start3A_337] : memref<4x80x128xf32, #tpu.memory_space<vmem>> -> memref<1x80x128xf32, #tpu.memory_space<vmem>>
        %dma_start3A_339 = tpu.memref_squeeze %dma_start3A_338 : memref<1x80x128xf32, #tpu.memory_space<vmem>> -> memref<80x128xf32, #tpu.memory_space<vmem>>
        %dma_start3A_340 = arith.constant 0 : i32
        %dma_start3A_341 = tpu.memref_slice %arg2[%arg0, %add3A_325, %dma_start3A_340] : memref<2x51200x128xf32, #tpu.memory_space<hbm>> -> memref<1x80x128xf32, #tpu.memory_space<hbm>>
        %dma_start3A_342 = tpu.memref_squeeze %dma_start3A_341 : memref<1x80x128xf32, #tpu.memory_space<hbm>> -> memref<80x128xf32, #tpu.memory_space<hbm>>
        tpu.enqueue_dma source(%dma_start3A_342 : memref<80x128xf32, #tpu.memory_space<hbm>>) target(%dma_start3A_339 : memref<80x128xf32, #tpu.memory_space<vmem>>) target_semaphore(%arg9 : memref<!tpu.dma_semaphore, #tpu.memory_space<semaphore_mem>>)
        %dma_start3A_343 = arith.constant 0 : i32
        %dma_start3A_344 = arith.constant 0 : i32
        %dma_start3A_345 = tpu.memref_slice %arg8[%dma_start3A_343, %dma_start3A_344] : memref<4x80xi32, #tpu.memory_space<vmem>> -> memref<1x80xi32, #tpu.memory_space<vmem>>
        %dma_start3A_346 = tpu.memref_squeeze %dma_start3A_345 : memref<1x80xi32, #tpu.memory_space<vmem>> -> memref<80xi32, #tpu.memory_space<vmem>>
        %dma_start3A_347 = tpu.memref_slice %arg3[%add3A_327] : memref<160000xi32, #tpu.memory_space<hbm>> -> memref<80xi32, #tpu.memory_space<hbm>>
        %dma_start3A_348 = arith.constant 0 : i32
        %dma_start3A_349 = tpu.memref_slice %arg8[%dma_start3A_343, %dma_start3A_348] : memref<4x80xi32, #tpu.memory_space<vmem>> -> memref<1x80xi32, #tpu.memory_space<vmem>>
        %dma_start3A_350 = tpu.memref_squeeze %dma_start3A_349 : memref<1x80xi32, #tpu.memory_space<vmem>> -> memref<80xi32, #tpu.memory_space<vmem>>
        %dma_start3A_351 = tpu.memref_slice %arg3[%add3A_327] : memref<160000xi32, #tpu.memory_space<hbm>> -> memref<80xi32, #tpu.memory_space<hbm>>
        tpu.enqueue_dma source(%dma_start3A_351 : memref<80xi32, #tpu.memory_space<hbm>>) target(%dma_start3A_350 : memref<80xi32, #tpu.memory_space<vmem>>) target_semaphore(%arg9 : memref<!tpu.dma_semaphore, #tpu.memory_space<semaphore_mem>>)
      } else {
      }
      %add3A_264 = arith.constant 3 : i32
      %add3A_265 = arith.addi %add3A_94, %add3A_264 : i32
      %mul3A_266 = arith.constant 80 : i32
      %mul3A_267 = arith.muli %add3A_265, %mul3A_266 : i32
      %add3A_268 = arith.addi %mul3A_0, %mul3A_267 : i32
      %add3A_269 = arith.constant 57600 : i32
      %add3A_270 = arith.addi %add3A_269, %add3A_268 : i32
      %dma_wait3A_271 = arith.constant 3 : i32
      %dma_wait3A_272 = arith.constant 0 : i32
      %dma_wait3A_273 = arith.constant 0 : i32
      %dma_wait3A_274 = tpu.memref_slice %arg7[%dma_wait3A_271, %dma_wait3A_272, %dma_wait3A_273] : memref<4x80x128xf32, #tpu.memory_space<vmem>> -> memref<1x80x128xf32, #tpu.memory_space<vmem>>
      %dma_wait3A_275 = tpu.memref_squeeze %dma_wait3A_274 : memref<1x80x128xf32, #tpu.memory_space<vmem>> -> memref<80x128xf32, #tpu.memory_space<vmem>>
      %dma_wait3A_276 = arith.constant 0 : i32
      %dma_wait3A_277 = tpu.memref_slice %arg2[%arg0, %add3A_268, %dma_wait3A_276] : memref<2x51200x128xf32, #tpu.memory_space<hbm>> -> memref<1x80x128xf32, #tpu.memory_space<hbm>>
      %dma_wait3A_278 = tpu.memref_squeeze %dma_wait3A_277 : memref<1x80x128xf32, #tpu.memory_space<hbm>> -> memref<80x128xf32, #tpu.memory_space<hbm>>
      %dma_wait3A_279 = arith.constant 0 : i32
      %dma_wait3A_280 = arith.constant 0 : i32
      %dma_wait3A_281 = tpu.memref_slice %arg7[%dma_wait3A_271, %dma_wait3A_279, %dma_wait3A_280] : memref<4x80x128xf32, #tpu.memory_space<vmem>> -> memref<1x80x128xf32, #tpu.memory_space<vmem>>
      %dma_wait3A_282 = tpu.memref_squeeze %dma_wait3A_281 : memref<1x80x128xf32, #tpu.memory_space<vmem>> -> memref<80x128xf32, #tpu.memory_space<vmem>>
      %dma_wait3A_283 = arith.constant 0 : i32
      %dma_wait3A_284 = tpu.memref_slice %arg2[%arg0, %add3A_268, %dma_wait3A_283] : memref<2x51200x128xf32, #tpu.memory_space<hbm>> -> memref<1x80x128xf32, #tpu.memory_space<hbm>>
      %dma_wait3A_285 = tpu.memref_squeeze %dma_wait3A_284 : memref<1x80x128xf32, #tpu.memory_space<hbm>> -> memref<80x128xf32, #tpu.memory_space<hbm>>
      tpu.wait_dma2 semaphore(%arg12 : memref<!tpu.dma_semaphore, #tpu.memory_space<semaphore_mem>>) src(%dma_wait3A_285 : memref<80x128xf32, #tpu.memory_space<hbm>>) dst(%dma_wait3A_282 : memref<80x128xf32, #tpu.memory_space<vmem>>)
      %dma_wait3A_286 = arith.constant 3 : i32
      %dma_wait3A_287 = arith.constant 0 : i32
      %dma_wait3A_288 = tpu.memref_slice %arg8[%dma_wait3A_286, %dma_wait3A_287] : memref<4x80xi32, #tpu.memory_space<vmem>> -> memref<1x80xi32, #tpu.memory_space<vmem>>
      %dma_wait3A_289 = tpu.memref_squeeze %dma_wait3A_288 : memref<1x80xi32, #tpu.memory_space<vmem>> -> memref<80xi32, #tpu.memory_space<vmem>>
      %dma_wait3A_290 = tpu.memref_slice %arg3[%add3A_270] : memref<160000xi32, #tpu.memory_space<hbm>> -> memref<80xi32, #tpu.memory_space<hbm>>
      %dma_wait3A_291 = arith.constant 0 : i32
      %dma_wait3A_292 = tpu.memref_slice %arg8[%dma_wait3A_286, %dma_wait3A_291] : memref<4x80xi32, #tpu.memory_space<vmem>> -> memref<1x80xi32, #tpu.memory_space<vmem>>
      %dma_wait3A_293 = tpu.memref_squeeze %dma_wait3A_292 : memref<1x80xi32, #tpu.memory_space<vmem>> -> memref<80xi32, #tpu.memory_space<vmem>>
      %dma_wait3A_294 = tpu.memref_slice %arg3[%add3A_270] : memref<160000xi32, #tpu.memory_space<hbm>> -> memref<80xi32, #tpu.memory_space<hbm>>
      tpu.wait_dma2 semaphore(%arg12 : memref<!tpu.dma_semaphore, #tpu.memory_space<semaphore_mem>>) src(%dma_wait3A_294 : memref<80xi32, #tpu.memory_space<hbm>>) dst(%dma_wait3A_293 : memref<80xi32, #tpu.memory_space<vmem>>)
      %dma_start3A_295 = arith.constant 3 : i32
      %dma_start3A_296 = arith.constant 3 : i32
      %dma_start3A_297 = arith.constant 0 : i32
      %dma_start3A_298 = arith.constant 0 : i32
      %dma_start3A_299 = tpu.memref_slice %arg7[%dma_start3A_295, %dma_start3A_297, %dma_start3A_298] : memref<4x80x128xf32, #tpu.memory_space<vmem>> -> memref<1x80x128xf32, #tpu.memory_space<vmem>>
      %dma_start3A_300 = tpu.memref_squeeze %dma_start3A_299 : memref<1x80x128xf32, #tpu.memory_space<vmem>> -> memref<80x128xf32, #tpu.memory_space<vmem>>
      %dma_start3A_301 = arith.constant 0 : i32
      %dma_start3A_302 = tpu.memref_slice %arg8[%dma_start3A_296, %dma_start3A_301] : memref<4x80xi32, #tpu.memory_space<vmem>> -> memref<1x80xi32, #tpu.memory_space<vmem>>
      %dma_start3A_303 = tpu.memref_squeeze %dma_start3A_302 : memref<1x80xi32, #tpu.memory_space<vmem>> -> memref<80xi32, #tpu.memory_space<vmem>>
      %dma_start3A_304 = arith.constant 0 : i32
      %dma_start3A_305 = arith.constant 0 : i32
      %dma_start3A_306 = tpu.memref_slice %arg6[%dma_start3A_304, %dma_start3A_305] : memref<10000x128xf32, #tpu.memory_space<vmem_shared>> -> memref<10000x128xf32, #tpu.memory_space<vmem_shared>>
      tpu.enqueue_indirect_dma source(%dma_start3A_300 : memref<80x128xf32, #tpu.memory_space<vmem>>) target(%dma_start3A_306 : memref<10000x128xf32, #tpu.memory_space<vmem_shared>>) offsets(%dma_start3A_303 : memref<80xi32, #tpu.memory_space<vmem>>) semaphore(%arg16 : memref<!tpu.dma_semaphore, #tpu.memory_space<semaphore_mem>>) {add = true}
      %sub3A_307 = arith.constant 2 : i32
      %sub3A_308 = arith.subi %add3A_265, %sub3A_307 : i32
      %ge3A_309 = arith.constant 0 : i32
      %ge3A_310 = arith.cmpi sge, %sub3A_308, %ge3A_309 : i32
      %convert_element_type3A_311 = arith.extui %ge3A_310 : i1 to i32
      %cond3A_312 = arith.constant 0 : i32
      %cond3A_313 = arith.cmpi ne, %convert_element_type3A_311, %cond3A_312 : i32
      scf.if %cond3A_313 {
        %dma_wait3A_321 = arith.constant 1 : i32
        %dma_wait3A_322 = arith.constant 1 : i32
        %dma_wait3A_323 = arith.constant 0 : i32
        %dma_wait3A_324 = arith.constant 0 : i32
        %dma_wait3A_325 = tpu.memref_slice %arg7[%dma_wait3A_321, %dma_wait3A_323, %dma_wait3A_324] : memref<4x80x128xf32, #tpu.memory_space<vmem>> -> memref<1x80x128xf32, #tpu.memory_space<vmem>>
        %dma_wait3A_326 = tpu.memref_squeeze %dma_wait3A_325 : memref<1x80x128xf32, #tpu.memory_space<vmem>> -> memref<80x128xf32, #tpu.memory_space<vmem>>
        %dma_wait3A_327 = arith.constant 0 : i32
        %dma_wait3A_328 = tpu.memref_slice %arg8[%dma_wait3A_322, %dma_wait3A_327] : memref<4x80xi32, #tpu.memory_space<vmem>> -> memref<1x80xi32, #tpu.memory_space<vmem>>
        %dma_wait3A_329 = tpu.memref_squeeze %dma_wait3A_328 : memref<1x80xi32, #tpu.memory_space<vmem>> -> memref<80xi32, #tpu.memory_space<vmem>>
        %dma_wait3A_330 = arith.constant 0 : i32
        %dma_wait3A_331 = arith.constant 0 : i32
        %dma_wait3A_332 = tpu.memref_slice %arg6[%dma_wait3A_330, %dma_wait3A_331] : memref<10000x128xf32, #tpu.memory_space<vmem_shared>> -> memref<10000x128xf32, #tpu.memory_space<vmem_shared>>
        tpu.wait_indirect_dma semaphore(%arg14 : memref<!tpu.dma_semaphore, #tpu.memory_space<semaphore_mem>>) src(%dma_wait3A_326 : memref<80x128xf32, #tpu.memory_space<vmem>>) dst(%dma_wait3A_332 : memref<10000x128xf32, #tpu.memory_space<vmem_shared>>)
      } else {
      }
      %add3A_314 = arith.constant 2 : i32
      %add3A_315 = arith.addi %add3A_265, %add3A_314 : i32
      %lt3A_316 = arith.constant 40 : i32
      %lt3A_317 = arith.cmpi slt, %add3A_315, %lt3A_316 : i32
      %convert_element_type3A_318 = arith.extui %lt3A_317 : i1 to i32
      %cond3A_319 = arith.constant 0 : i32
      %cond3A_320 = arith.cmpi ne, %convert_element_type3A_318, %cond3A_319 : i32
      scf.if %cond3A_320 {
        %add3A_321 = arith.constant 2 : i32
        %add3A_322 = arith.addi %add3A_265, %add3A_321 : i32
        %mul3A_323 = arith.constant 80 : i32
        %mul3A_324 = arith.muli %add3A_322, %mul3A_323 : i32
        %add3A_325 = arith.addi %mul3A_0, %mul3A_324 : i32
        %add3A_326 = arith.constant 57600 : i32
        %add3A_327 = arith.addi %add3A_326, %add3A_325 : i32
        %dma_start3A_328 = arith.constant 1 : i32
        %dma_start3A_329 = arith.constant 0 : i32
        %dma_start3A_330 = arith.constant 0 : i32
        %dma_start3A_331 = tpu.memref_slice %arg7[%dma_start3A_328, %dma_start3A_329, %dma_start3A_330] : memref<4x80x128xf32, #tpu.memory_space<vmem>> -> memref<1x80x128xf32, #tpu.memory_space<vmem>>
        %dma_start3A_332 = tpu.memref_squeeze %dma_start3A_331 : memref<1x80x128xf32, #tpu.memory_space<vmem>> -> memref<80x128xf32, #tpu.memory_space<vmem>>
        %dma_start3A_333 = arith.constant 0 : i32
        %dma_start3A_334 = tpu.memref_slice %arg2[%arg0, %add3A_325, %dma_start3A_333] : memref<2x51200x128xf32, #tpu.memory_space<hbm>> -> memref<1x80x128xf32, #tpu.memory_space<hbm>>
        %dma_start3A_335 = tpu.memref_squeeze %dma_start3A_334 : memref<1x80x128xf32, #tpu.memory_space<hbm>> -> memref<80x128xf32, #tpu.memory_space<hbm>>
        %dma_start3A_336 = arith.constant 0 : i32
        %dma_start3A_337 = arith.constant 0 : i32
        %dma_start3A_338 = tpu.memref_slice %arg7[%dma_start3A_328, %dma_start3A_336, %dma_start3A_337] : memref<4x80x128xf32, #tpu.memory_space<vmem>> -> memref<1x80x128xf32, #tpu.memory_space<vmem>>
        %dma_start3A_339 = tpu.memref_squeeze %dma_start3A_338 : memref<1x80x128xf32, #tpu.memory_space<vmem>> -> memref<80x128xf32, #tpu.memory_space<vmem>>
        %dma_start3A_340 = arith.constant 0 : i32
        %dma_start3A_341 = tpu.memref_slice %arg2[%arg0, %add3A_325, %dma_start3A_340] : memref<2x51200x128xf32, #tpu.memory_space<hbm>> -> memref<1x80x128xf32, #tpu.memory_space<hbm>>
        %dma_start3A_342 = tpu.memref_squeeze %dma_start3A_341 : memref<1x80x128xf32, #tpu.memory_space<hbm>> -> memref<80x128xf32, #tpu.memory_space<hbm>>
        tpu.enqueue_dma source(%dma_start3A_342 : memref<80x128xf32, #tpu.memory_space<hbm>>) target(%dma_start3A_339 : memref<80x128xf32, #tpu.memory_space<vmem>>) target_semaphore(%arg10 : memref<!tpu.dma_semaphore, #tpu.memory_space<semaphore_mem>>)
        %dma_start3A_343 = arith.constant 1 : i32
        %dma_start3A_344 = arith.constant 0 : i32
        %dma_start3A_345 = tpu.memref_slice %arg8[%dma_start3A_343, %dma_start3A_344] : memref<4x80xi32, #tpu.memory_space<vmem>> -> memref<1x80xi32, #tpu.memory_space<vmem>>
        %dma_start3A_346 = tpu.memref_squeeze %dma_start3A_345 : memref<1x80xi32, #tpu.memory_space<vmem>> -> memref<80xi32, #tpu.memory_space<vmem>>
        %dma_start3A_347 = tpu.memref_slice %arg3[%add3A_327] : memref<160000xi32, #tpu.memory_space<hbm>> -> memref<80xi32, #tpu.memory_space<hbm>>
        %dma_start3A_348 = arith.constant 0 : i32
        %dma_start3A_349 = tpu.memref_slice %arg8[%dma_start3A_343, %dma_start3A_348] : memref<4x80xi32, #tpu.memory_space<vmem>> -> memref<1x80xi32, #tpu.memory_space<vmem>>
        %dma_start3A_350 = tpu.memref_squeeze %dma_start3A_349 : memref<1x80xi32, #tpu.memory_space<vmem>> -> memref<80xi32, #tpu.memory_space<vmem>>
        %dma_start3A_351 = tpu.memref_slice %arg3[%add3A_327] : memref<160000xi32, #tpu.memory_space<hbm>> -> memref<80xi32, #tpu.memory_space<hbm>>
        tpu.enqueue_dma source(%dma_start3A_351 : memref<80xi32, #tpu.memory_space<hbm>>) target(%dma_start3A_350 : memref<80xi32, #tpu.memory_space<vmem>>) target_semaphore(%arg10 : memref<!tpu.dma_semaphore, #tpu.memory_space<semaphore_mem>>)
      } else {
      }
    }
    %scan3A_60 = arith.constant 10 : i32
    %dma_wait3A = arith.constant 2 : i32
    %dma_wait3A_61 = arith.constant 2 : i32
    %dma_wait3A_62 = arith.constant 0 : i32
    %dma_wait3A_63 = arith.constant 0 : i32
    %dma_wait3A_64 = tpu.memref_slice %arg7[%dma_wait3A, %dma_wait3A_62, %dma_wait3A_63] : memref<4x80x128xf32, #tpu.memory_space<vmem>> -> memref<1x80x128xf32, #tpu.memory_space<vmem>>
    %dma_wait3A_65 = tpu.memref_squeeze %dma_wait3A_64 : memref<1x80x128xf32, #tpu.memory_space<vmem>> -> memref<80x128xf32, #tpu.memory_space<vmem>>
    %dma_wait3A_66 = arith.constant 0 : i32
    %dma_wait3A_67 = tpu.memref_slice %arg8[%dma_wait3A_61, %dma_wait3A_66] : memref<4x80xi32, #tpu.memory_space<vmem>> -> memref<1x80xi32, #tpu.memory_space<vmem>>
    %dma_wait3A_68 = tpu.memref_squeeze %dma_wait3A_67 : memref<1x80xi32, #tpu.memory_space<vmem>> -> memref<80xi32, #tpu.memory_space<vmem>>
    %dma_wait3A_69 = arith.constant 0 : i32
    %dma_wait3A_70 = arith.constant 0 : i32
    %dma_wait3A_71 = tpu.memref_slice %arg6[%dma_wait3A_69, %dma_wait3A_70] : memref<10000x128xf32, #tpu.memory_space<vmem_shared>> -> memref<10000x128xf32, #tpu.memory_space<vmem_shared>>
    tpu.wait_indirect_dma semaphore(%arg15 : memref<!tpu.dma_semaphore, #tpu.memory_space<semaphore_mem>>) src(%dma_wait3A_65 : memref<80x128xf32, #tpu.memory_space<vmem>>) dst(%dma_wait3A_71 : memref<10000x128xf32, #tpu.memory_space<vmem_shared>>)
    %dma_wait3A_72 = arith.constant 3 : i32
    %dma_wait3A_73 = arith.constant 3 : i32
    %dma_wait3A_74 = arith.constant 0 : i32
    %dma_wait3A_75 = arith.constant 0 : i32
    %dma_wait3A_76 = tpu.memref_slice %arg7[%dma_wait3A_72, %dma_wait3A_74, %dma_wait3A_75] : memref<4x80x128xf32, #tpu.memory_space<vmem>> -> memref<1x80x128xf32, #tpu.memory_space<vmem>>
    %dma_wait3A_77 = tpu.memref_squeeze %dma_wait3A_76 : memref<1x80x128xf32, #tpu.memory_space<vmem>> -> memref<80x128xf32, #tpu.memory_space<vmem>>
    %dma_wait3A_78 = arith.constant 0 : i32
    %dma_wait3A_79 = tpu.memref_slice %arg8[%dma_wait3A_73, %dma_wait3A_78] : memref<4x80xi32, #tpu.memory_space<vmem>> -> memref<1x80xi32, #tpu.memory_space<vmem>>
    %dma_wait3A_80 = tpu.memref_squeeze %dma_wait3A_79 : memref<1x80xi32, #tpu.memory_space<vmem>> -> memref<80xi32, #tpu.memory_space<vmem>>
    %dma_wait3A_81 = arith.constant 0 : i32
    %dma_wait3A_82 = arith.constant 0 : i32
    %dma_wait3A_83 = tpu.memref_slice %arg6[%dma_wait3A_81, %dma_wait3A_82] : memref<10000x128xf32, #tpu.memory_space<vmem_shared>> -> memref<10000x128xf32, #tpu.memory_space<vmem_shared>>
    tpu.wait_indirect_dma semaphore(%arg16 : memref<!tpu.dma_semaphore, #tpu.memory_space<semaphore_mem>>) src(%dma_wait3A_77 : memref<80x128xf32, #tpu.memory_space<vmem>>) dst(%dma_wait3A_83 : memref<10000x128xf32, #tpu.memory_space<vmem_shared>>)
    %barrier3A_84 = arith.constant 0 : index
    tpu.barrier barrier_id(%barrier3A_84)
    %lt3A_85 = arith.constant 5 : i32
    %lt3A_86 = arith.cmpi slt, %arg1, %lt3A_85 : i32
    %convert_element_type3A_87 = arith.extui %lt3A_86 : i1 to i32
    %cond3A_88 = arith.constant 0 : i32
    %cond3A_89 = arith.cmpi ne, %convert_element_type3A_87, %cond3A_88 : i32
    scf.if %cond3A_89 {
      %mul3A_90 = arith.constant 2000 : i32
      %mul3A_91 = arith.muli %arg1, %mul3A_90 : i32
      %mul3A_92 = arith.constant 2000 : i32
      %mul3A_93 = arith.muli %arg1, %mul3A_92 : i32
      "tpu.region"() ({
        %run_scoped3A = tpu.sem_alloc : memref<!tpu.dma_semaphore, #tpu.memory_space<semaphore_mem>>
        %dma_start3A_94 = arith.constant 0 : i32
        %dma_start3A_95 = tpu.memref_slice %arg5[%arg0, %mul3A_93, %dma_start3A_94] : memref<2x10000x128xf32, #tpu.memory_space<hbm>> -> memref<1x2000x128xf32, #tpu.memory_space<hbm>>
        %dma_start3A_96 = tpu.memref_squeeze %dma_start3A_95 : memref<1x2000x128xf32, #tpu.memory_space<hbm>> -> memref<2000x128xf32, #tpu.memory_space<hbm>>
        %dma_start3A_97 = arith.constant 0 : i32
        %dma_start3A_98 = tpu.memref_slice %arg6[%mul3A_91, %dma_start3A_97] : memref<10000x128xf32, #tpu.memory_space<vmem_shared>> -> memref<2000x128xf32, #tpu.memory_space<vmem_shared>>
        tpu.enqueue_dma source(%dma_start3A_98 : memref<2000x128xf32, #tpu.memory_space<vmem_shared>>) target(%dma_start3A_96 : memref<2000x128xf32, #tpu.memory_space<hbm>>) target_semaphore(%run_scoped3A : memref<!tpu.dma_semaphore, #tpu.memory_space<semaphore_mem>>)
        %dma_wait3A_99 = arith.constant 0 : i32
        %dma_wait3A_100 = tpu.memref_slice %arg5[%arg0, %mul3A_93, %dma_wait3A_99] : memref<2x10000x128xf32, #tpu.memory_space<hbm>> -> memref<1x2000x128xf32, #tpu.memory_space<hbm>>
        %dma_wait3A_101 = tpu.memref_squeeze %dma_wait3A_100 : memref<1x2000x128xf32, #tpu.memory_space<hbm>> -> memref<2000x128xf32, #tpu.memory_space<hbm>>
        %dma_wait3A_102 = arith.constant 0 : i32
        %dma_wait3A_103 = tpu.memref_slice %arg6[%mul3A_91, %dma_wait3A_102] : memref<10000x128xf32, #tpu.memory_space<vmem_shared>> -> memref<2000x128xf32, #tpu.memory_space<vmem_shared>>
        tpu.wait_dma2 semaphore(%run_scoped3A : memref<!tpu.dma_semaphore, #tpu.memory_space<semaphore_mem>>) src(%dma_wait3A_103 : memref<2000x128xf32, #tpu.memory_space<vmem_shared>>) dst(%dma_wait3A_101 : memref<2000x128xf32, #tpu.memory_space<hbm>>)
        tpu.yield
      }) : () -> ()
    } else {
    }
    return
  }
}

#map = affine_map<(d0, d1) -> (0, 0, 0)>
#map1 = affine_map<(d0, d1) -> (0)>
#map2 = affine_map<(d0, d1) -> (0, 0)>
module attributes {stable_mosaic.version = 14 : i64} {
  func.func @_seg_body(%arg0: i32, %arg1: i32, %arg2: memref<2x51200x128xf32, #tpu.memory_space<hbm>>, %arg3: memref<160000xi32, #tpu.memory_space<hbm>>, %arg4: memref<2000x128xf32, #tpu.memory_space<hbm>>, %arg5: memref<2x10000x128xf32, #tpu.memory_space<hbm>>, %arg6: memref<10000x128xf32, #tpu.memory_space<vmem_shared>>, %arg7: memref<4x80x128xf32, #tpu.memory_space<vmem>>, %arg8: memref<4x80xi32, #tpu.memory_space<vmem>>, %arg9: memref<!tpu.dma_semaphore, #tpu.memory_space<semaphore_mem>>, %arg10: memref<!tpu.dma_semaphore, #tpu.memory_space<semaphore_mem>>, %arg11: memref<!tpu.dma_semaphore, #tpu.memory_space<semaphore_mem>>, %arg12: memref<!tpu.dma_semaphore, #tpu.memory_space<semaphore_mem>>, %arg13: memref<!tpu.dma_semaphore, #tpu.memory_space<semaphore_mem>>, %arg14: memref<!tpu.dma_semaphore, #tpu.memory_space<semaphore_mem>>, %arg15: memref<!tpu.dma_semaphore, #tpu.memory_space<semaphore_mem>>, %arg16: memref<!tpu.dma_semaphore, #tpu.memory_space<semaphore_mem>>) attributes {dimension_semantics = [#tpu.dimension_semantics<core_parallel>, #tpu.dimension_semantics<subcore_parallel>], iteration_bounds = array<i64: 2, 16>, scalar_prefetch = 0 : i64, scratch_operands = 11 : i64, tpu.core_type = #tpu.core_type<sc_vector_subcore>, window_params = [{transform_indices = #map}, {transform_indices = #map1}, {transform_indices = #map2}, {transform_indices = #map}]} {
    %mul3A = arith.constant 3200 : i32
    %mul3A_0 = arith.muli %arg1, %mul3A : i32
    %lt3A = arith.constant 5 : i32
    %lt3A_1 = arith.cmpi slt, %arg1, %lt3A : i32
    %convert_element_type3A = arith.extui %lt3A_1 : i1 to i32
    %cond3A = arith.constant 0 : i32
    %cond3A_2 = arith.cmpi ne, %convert_element_type3A, %cond3A : i32
    scf.if %cond3A_2 {
      %mul3A_90 = arith.constant 2000 : i32
      %mul3A_91 = arith.muli %arg1, %mul3A_90 : i32
      "tpu.region"() ({
        %run_scoped3A = tpu.sem_alloc : memref<!tpu.dma_semaphore, #tpu.memory_space<semaphore_mem>>
        %dma_start3A_92 = arith.constant 0 : i32
        %dma_start3A_93 = tpu.memref_slice %arg6[%mul3A_91, %dma_start3A_92] : memref<10000x128xf32, #tpu.memory_space<vmem_shared>> -> memref<2000x128xf32, #tpu.memory_space<vmem_shared>>
        tpu.enqueue_dma source(%arg4 : memref<2000x128xf32, #tpu.memory_space<hbm>>) target(%dma_start3A_93 : memref<2000x128xf32, #tpu.memory_space<vmem_shared>>) target_semaphore(%run_scoped3A : memref<!tpu.dma_semaphore, #tpu.memory_space<semaphore_mem>>)
        %dma_wait3A_94 = arith.constant 0 : i32
        %dma_wait3A_95 = tpu.memref_slice %arg6[%mul3A_91, %dma_wait3A_94] : memref<10000x128xf32, #tpu.memory_space<vmem_shared>> -> memref<2000x128xf32, #tpu.memory_space<vmem_shared>>
        tpu.wait_dma2 semaphore(%run_scoped3A : memref<!tpu.dma_semaphore, #tpu.memory_space<semaphore_mem>>) src(%arg4 : memref<2000x128xf32, #tpu.memory_space<hbm>>) dst(%dma_wait3A_95 : memref<2000x128xf32, #tpu.memory_space<vmem_shared>>)
        tpu.yield
      }) : () -> ()
    } else {
    }
    %barrier3A = arith.constant 0 : index
    tpu.barrier barrier_id(%barrier3A)
    %add3A = arith.constant 0 : i32
    %add3A_3 = arith.addi %mul3A_0, %add3A : i32
    %add3A_4 = arith.constant 108800 : i32
    %add3A_5 = arith.addi %add3A_4, %add3A_3 : i32
    %dma_start3A = arith.constant 0 : i32
    %dma_start3A_6 = arith.constant 0 : i32
    %dma_start3A_7 = arith.constant 0 : i32
    %dma_start3A_8 = tpu.memref_slice %arg7[%dma_start3A, %dma_start3A_6, %dma_start3A_7] : memref<4x80x128xf32, #tpu.memory_space<vmem>> -> memref<1x80x128xf32, #tpu.memory_space<vmem>>
    %dma_start3A_9 = tpu.memref_squeeze %dma_start3A_8 : memref<1x80x128xf32, #tpu.memory_space<vmem>> -> memref<80x128xf32, #tpu.memory_space<vmem>>
    %dma_start3A_10 = arith.constant 0 : i32
    %dma_start3A_11 = tpu.memref_slice %arg2[%arg0, %add3A_3, %dma_start3A_10] : memref<2x51200x128xf32, #tpu.memory_space<hbm>> -> memref<1x80x128xf32, #tpu.memory_space<hbm>>
    %dma_start3A_12 = tpu.memref_squeeze %dma_start3A_11 : memref<1x80x128xf32, #tpu.memory_space<hbm>> -> memref<80x128xf32, #tpu.memory_space<hbm>>
    %dma_start3A_13 = arith.constant 0 : i32
    %dma_start3A_14 = arith.constant 0 : i32
    %dma_start3A_15 = tpu.memref_slice %arg7[%dma_start3A, %dma_start3A_13, %dma_start3A_14] : memref<4x80x128xf32, #tpu.memory_space<vmem>> -> memref<1x80x128xf32, #tpu.memory_space<vmem>>
    %dma_start3A_16 = tpu.memref_squeeze %dma_start3A_15 : memref<1x80x128xf32, #tpu.memory_space<vmem>> -> memref<80x128xf32, #tpu.memory_space<vmem>>
    %dma_start3A_17 = arith.constant 0 : i32
    %dma_start3A_18 = tpu.memref_slice %arg2[%arg0, %add3A_3, %dma_start3A_17] : memref<2x51200x128xf32, #tpu.memory_space<hbm>> -> memref<1x80x128xf32, #tpu.memory_space<hbm>>
    %dma_start3A_19 = tpu.memref_squeeze %dma_start3A_18 : memref<1x80x128xf32, #tpu.memory_space<hbm>> -> memref<80x128xf32, #tpu.memory_space<hbm>>
    tpu.enqueue_dma source(%dma_start3A_19 : memref<80x128xf32, #tpu.memory_space<hbm>>) target(%dma_start3A_16 : memref<80x128xf32, #tpu.memory_space<vmem>>) target_semaphore(%arg9 : memref<!tpu.dma_semaphore, #tpu.memory_space<semaphore_mem>>)
    %dma_start3A_20 = arith.constant 0 : i32
    %dma_start3A_21 = arith.constant 0 : i32
    %dma_start3A_22 = tpu.memref_slice %arg8[%dma_start3A_20, %dma_start3A_21] : memref<4x80xi32, #tpu.memory_space<vmem>> -> memref<1x80xi32, #tpu.memory_space<vmem>>
    %dma_start3A_23 = tpu.memref_squeeze %dma_start3A_22 : memref<1x80xi32, #tpu.memory_space<vmem>> -> memref<80xi32, #tpu.memory_space<vmem>>
    %dma_start3A_24 = tpu.memref_slice %arg3[%add3A_5] : memref<160000xi32, #tpu.memory_space<hbm>> -> memref<80xi32, #tpu.memory_space<hbm>>
    %dma_start3A_25 = arith.constant 0 : i32
    %dma_start3A_26 = tpu.memref_slice %arg8[%dma_start3A_20, %dma_start3A_25] : memref<4x80xi32, #tpu.memory_space<vmem>> -> memref<1x80xi32, #tpu.memory_space<vmem>>
    %dma_start3A_27 = tpu.memref_squeeze %dma_start3A_26 : memref<1x80xi32, #tpu.memory_space<vmem>> -> memref<80xi32, #tpu.memory_space<vmem>>
    %dma_start3A_28 = tpu.memref_slice %arg3[%add3A_5] : memref<160000xi32, #tpu.memory_space<hbm>> -> memref<80xi32, #tpu.memory_space<hbm>>
    tpu.enqueue_dma source(%dma_start3A_28 : memref<80xi32, #tpu.memory_space<hbm>>) target(%dma_start3A_27 : memref<80xi32, #tpu.memory_space<vmem>>) target_semaphore(%arg9 : memref<!tpu.dma_semaphore, #tpu.memory_space<semaphore_mem>>)
    %add3A_29 = arith.constant 80 : i32
    %add3A_30 = arith.addi %mul3A_0, %add3A_29 : i32
    %add3A_31 = arith.constant 108800 : i32
    %add3A_32 = arith.addi %add3A_31, %add3A_30 : i32
    %dma_start3A_33 = arith.constant 1 : i32
    %dma_start3A_34 = arith.constant 0 : i32
    %dma_start3A_35 = arith.constant 0 : i32
    %dma_start3A_36 = tpu.memref_slice %arg7[%dma_start3A_33, %dma_start3A_34, %dma_start3A_35] : memref<4x80x128xf32, #tpu.memory_space<vmem>> -> memref<1x80x128xf32, #tpu.memory_space<vmem>>
    %dma_start3A_37 = tpu.memref_squeeze %dma_start3A_36 : memref<1x80x128xf32, #tpu.memory_space<vmem>> -> memref<80x128xf32, #tpu.memory_space<vmem>>
    %dma_start3A_38 = arith.constant 0 : i32
    %dma_start3A_39 = tpu.memref_slice %arg2[%arg0, %add3A_30, %dma_start3A_38] : memref<2x51200x128xf32, #tpu.memory_space<hbm>> -> memref<1x80x128xf32, #tpu.memory_space<hbm>>
    %dma_start3A_40 = tpu.memref_squeeze %dma_start3A_39 : memref<1x80x128xf32, #tpu.memory_space<hbm>> -> memref<80x128xf32, #tpu.memory_space<hbm>>
    %dma_start3A_41 = arith.constant 0 : i32
    %dma_start3A_42 = arith.constant 0 : i32
    %dma_start3A_43 = tpu.memref_slice %arg7[%dma_start3A_33, %dma_start3A_41, %dma_start3A_42] : memref<4x80x128xf32, #tpu.memory_space<vmem>> -> memref<1x80x128xf32, #tpu.memory_space<vmem>>
    %dma_start3A_44 = tpu.memref_squeeze %dma_start3A_43 : memref<1x80x128xf32, #tpu.memory_space<vmem>> -> memref<80x128xf32, #tpu.memory_space<vmem>>
    %dma_start3A_45 = arith.constant 0 : i32
    %dma_start3A_46 = tpu.memref_slice %arg2[%arg0, %add3A_30, %dma_start3A_45] : memref<2x51200x128xf32, #tpu.memory_space<hbm>> -> memref<1x80x128xf32, #tpu.memory_space<hbm>>
    %dma_start3A_47 = tpu.memref_squeeze %dma_start3A_46 : memref<1x80x128xf32, #tpu.memory_space<hbm>> -> memref<80x128xf32, #tpu.memory_space<hbm>>
    tpu.enqueue_dma source(%dma_start3A_47 : memref<80x128xf32, #tpu.memory_space<hbm>>) target(%dma_start3A_44 : memref<80x128xf32, #tpu.memory_space<vmem>>) target_semaphore(%arg10 : memref<!tpu.dma_semaphore, #tpu.memory_space<semaphore_mem>>)
    %dma_start3A_48 = arith.constant 1 : i32
    %dma_start3A_49 = arith.constant 0 : i32
    %dma_start3A_50 = tpu.memref_slice %arg8[%dma_start3A_48, %dma_start3A_49] : memref<4x80xi32, #tpu.memory_space<vmem>> -> memref<1x80xi32, #tpu.memory_space<vmem>>
    %dma_start3A_51 = tpu.memref_squeeze %dma_start3A_50 : memref<1x80xi32, #tpu.memory_space<vmem>> -> memref<80xi32, #tpu.memory_space<vmem>>
    %dma_start3A_52 = tpu.memref_slice %arg3[%add3A_32] : memref<160000xi32, #tpu.memory_space<hbm>> -> memref<80xi32, #tpu.memory_space<hbm>>
    %dma_start3A_53 = arith.constant 0 : i32
    %dma_start3A_54 = tpu.memref_slice %arg8[%dma_start3A_48, %dma_start3A_53] : memref<4x80xi32, #tpu.memory_space<vmem>> -> memref<1x80xi32, #tpu.memory_space<vmem>>
    %dma_start3A_55 = tpu.memref_squeeze %dma_start3A_54 : memref<1x80xi32, #tpu.memory_space<vmem>> -> memref<80xi32, #tpu.memory_space<vmem>>
    %dma_start3A_56 = tpu.memref_slice %arg3[%add3A_32] : memref<160000xi32, #tpu.memory_space<hbm>> -> memref<80xi32, #tpu.memory_space<hbm>>
    tpu.enqueue_dma source(%dma_start3A_56 : memref<80xi32, #tpu.memory_space<hbm>>) target(%dma_start3A_55 : memref<80xi32, #tpu.memory_space<vmem>>) target_semaphore(%arg10 : memref<!tpu.dma_semaphore, #tpu.memory_space<semaphore_mem>>)
    %scan3A = arith.constant 0 : i32
    %scan3A_57 = arith.constant 10 : i32
    %scan3A_58 = arith.addi %scan3A, %scan3A_57 : i32
    %scan3A_59 = arith.constant 1 : i32
    scf.for %scan3A_90 = %scan3A to %scan3A_58 step %scan3A_59  : i32 {
      %mul3A_91 = arith.constant 4 : i32
      %mul3A_92 = arith.muli %scan3A_90, %mul3A_91 : i32
      %add3A_93 = arith.constant 0 : i32
      %add3A_94 = arith.addi %add3A_93, %mul3A_92 : i32
      %add3A_95 = arith.constant 0 : i32
      %add3A_96 = arith.addi %add3A_94, %add3A_95 : i32
      %mul3A_97 = arith.constant 80 : i32
      %mul3A_98 = arith.muli %add3A_96, %mul3A_97 : i32
      %add3A_99 = arith.addi %mul3A_0, %mul3A_98 : i32
      %add3A_100 = arith.constant 108800 : i32
      %add3A_101 = arith.addi %add3A_100, %add3A_99 : i32
      %dma_wait3A_102 = arith.constant 0 : i32
      %dma_wait3A_103 = arith.constant 0 : i32
      %dma_wait3A_104 = arith.constant 0 : i32
      %dma_wait3A_105 = tpu.memref_slice %arg7[%dma_wait3A_102, %dma_wait3A_103, %dma_wait3A_104] : memref<4x80x128xf32, #tpu.memory_space<vmem>> -> memref<1x80x128xf32, #tpu.memory_space<vmem>>
      %dma_wait3A_106 = tpu.memref_squeeze %dma_wait3A_105 : memref<1x80x128xf32, #tpu.memory_space<vmem>> -> memref<80x128xf32, #tpu.memory_space<vmem>>
      %dma_wait3A_107 = arith.constant 0 : i32
      %dma_wait3A_108 = tpu.memref_slice %arg2[%arg0, %add3A_99, %dma_wait3A_107] : memref<2x51200x128xf32, #tpu.memory_space<hbm>> -> memref<1x80x128xf32, #tpu.memory_space<hbm>>
      %dma_wait3A_109 = tpu.memref_squeeze %dma_wait3A_108 : memref<1x80x128xf32, #tpu.memory_space<hbm>> -> memref<80x128xf32, #tpu.memory_space<hbm>>
      %dma_wait3A_110 = arith.constant 0 : i32
      %dma_wait3A_111 = arith.constant 0 : i32
      %dma_wait3A_112 = tpu.memref_slice %arg7[%dma_wait3A_102, %dma_wait3A_110, %dma_wait3A_111] : memref<4x80x128xf32, #tpu.memory_space<vmem>> -> memref<1x80x128xf32, #tpu.memory_space<vmem>>
      %dma_wait3A_113 = tpu.memref_squeeze %dma_wait3A_112 : memref<1x80x128xf32, #tpu.memory_space<vmem>> -> memref<80x128xf32, #tpu.memory_space<vmem>>
      %dma_wait3A_114 = arith.constant 0 : i32
      %dma_wait3A_115 = tpu.memref_slice %arg2[%arg0, %add3A_99, %dma_wait3A_114] : memref<2x51200x128xf32, #tpu.memory_space<hbm>> -> memref<1x80x128xf32, #tpu.memory_space<hbm>>
      %dma_wait3A_116 = tpu.memref_squeeze %dma_wait3A_115 : memref<1x80x128xf32, #tpu.memory_space<hbm>> -> memref<80x128xf32, #tpu.memory_space<hbm>>
      tpu.wait_dma2 semaphore(%arg9 : memref<!tpu.dma_semaphore, #tpu.memory_space<semaphore_mem>>) src(%dma_wait3A_116 : memref<80x128xf32, #tpu.memory_space<hbm>>) dst(%dma_wait3A_113 : memref<80x128xf32, #tpu.memory_space<vmem>>)
      %dma_wait3A_117 = arith.constant 0 : i32
      %dma_wait3A_118 = arith.constant 0 : i32
      %dma_wait3A_119 = tpu.memref_slice %arg8[%dma_wait3A_117, %dma_wait3A_118] : memref<4x80xi32, #tpu.memory_space<vmem>> -> memref<1x80xi32, #tpu.memory_space<vmem>>
      %dma_wait3A_120 = tpu.memref_squeeze %dma_wait3A_119 : memref<1x80xi32, #tpu.memory_space<vmem>> -> memref<80xi32, #tpu.memory_space<vmem>>
      %dma_wait3A_121 = tpu.memref_slice %arg3[%add3A_101] : memref<160000xi32, #tpu.memory_space<hbm>> -> memref<80xi32, #tpu.memory_space<hbm>>
      %dma_wait3A_122 = arith.constant 0 : i32
      %dma_wait3A_123 = tpu.memref_slice %arg8[%dma_wait3A_117, %dma_wait3A_122] : memref<4x80xi32, #tpu.memory_space<vmem>> -> memref<1x80xi32, #tpu.memory_space<vmem>>
      %dma_wait3A_124 = tpu.memref_squeeze %dma_wait3A_123 : memref<1x80xi32, #tpu.memory_space<vmem>> -> memref<80xi32, #tpu.memory_space<vmem>>
      %dma_wait3A_125 = tpu.memref_slice %arg3[%add3A_101] : memref<160000xi32, #tpu.memory_space<hbm>> -> memref<80xi32, #tpu.memory_space<hbm>>
      tpu.wait_dma2 semaphore(%arg9 : memref<!tpu.dma_semaphore, #tpu.memory_space<semaphore_mem>>) src(%dma_wait3A_125 : memref<80xi32, #tpu.memory_space<hbm>>) dst(%dma_wait3A_124 : memref<80xi32, #tpu.memory_space<vmem>>)
      %dma_start3A_126 = arith.constant 0 : i32
      %dma_start3A_127 = arith.constant 0 : i32
      %dma_start3A_128 = arith.constant 0 : i32
      %dma_start3A_129 = arith.constant 0 : i32
      %dma_start3A_130 = tpu.memref_slice %arg7[%dma_start3A_126, %dma_start3A_128, %dma_start3A_129] : memref<4x80x128xf32, #tpu.memory_space<vmem>> -> memref<1x80x128xf32, #tpu.memory_space<vmem>>
      %dma_start3A_131 = tpu.memref_squeeze %dma_start3A_130 : memref<1x80x128xf32, #tpu.memory_space<vmem>> -> memref<80x128xf32, #tpu.memory_space<vmem>>
      %dma_start3A_132 = arith.constant 0 : i32
      %dma_start3A_133 = tpu.memref_slice %arg8[%dma_start3A_127, %dma_start3A_132] : memref<4x80xi32, #tpu.memory_space<vmem>> -> memref<1x80xi32, #tpu.memory_space<vmem>>
      %dma_start3A_134 = tpu.memref_squeeze %dma_start3A_133 : memref<1x80xi32, #tpu.memory_space<vmem>> -> memref<80xi32, #tpu.memory_space<vmem>>
      %dma_start3A_135 = arith.constant 0 : i32
      %dma_start3A_136 = arith.constant 0 : i32
      %dma_start3A_137 = tpu.memref_slice %arg6[%dma_start3A_135, %dma_start3A_136] : memref<10000x128xf32, #tpu.memory_space<vmem_shared>> -> memref<10000x128xf32, #tpu.memory_space<vmem_shared>>
      tpu.enqueue_indirect_dma source(%dma_start3A_131 : memref<80x128xf32, #tpu.memory_space<vmem>>) target(%dma_start3A_137 : memref<10000x128xf32, #tpu.memory_space<vmem_shared>>) offsets(%dma_start3A_134 : memref<80xi32, #tpu.memory_space<vmem>>) semaphore(%arg13 : memref<!tpu.dma_semaphore, #tpu.memory_space<semaphore_mem>>) {add = true}
      %sub3A = arith.constant 2 : i32
      %sub3A_138 = arith.subi %add3A_96, %sub3A : i32
      %ge3A = arith.constant 0 : i32
      %ge3A_139 = arith.cmpi sge, %sub3A_138, %ge3A : i32
      %convert_element_type3A_140 = arith.extui %ge3A_139 : i1 to i32
      %cond3A_141 = arith.constant 0 : i32
      %cond3A_142 = arith.cmpi ne, %convert_element_type3A_140, %cond3A_141 : i32
      scf.if %cond3A_142 {
        %dma_wait3A_321 = arith.constant 2 : i32
        %dma_wait3A_322 = arith.constant 2 : i32
        %dma_wait3A_323 = arith.constant 0 : i32
        %dma_wait3A_324 = arith.constant 0 : i32
        %dma_wait3A_325 = tpu.memref_slice %arg7[%dma_wait3A_321, %dma_wait3A_323, %dma_wait3A_324] : memref<4x80x128xf32, #tpu.memory_space<vmem>> -> memref<1x80x128xf32, #tpu.memory_space<vmem>>
        %dma_wait3A_326 = tpu.memref_squeeze %dma_wait3A_325 : memref<1x80x128xf32, #tpu.memory_space<vmem>> -> memref<80x128xf32, #tpu.memory_space<vmem>>
        %dma_wait3A_327 = arith.constant 0 : i32
        %dma_wait3A_328 = tpu.memref_slice %arg8[%dma_wait3A_322, %dma_wait3A_327] : memref<4x80xi32, #tpu.memory_space<vmem>> -> memref<1x80xi32, #tpu.memory_space<vmem>>
        %dma_wait3A_329 = tpu.memref_squeeze %dma_wait3A_328 : memref<1x80xi32, #tpu.memory_space<vmem>> -> memref<80xi32, #tpu.memory_space<vmem>>
        %dma_wait3A_330 = arith.constant 0 : i32
        %dma_wait3A_331 = arith.constant 0 : i32
        %dma_wait3A_332 = tpu.memref_slice %arg6[%dma_wait3A_330, %dma_wait3A_331] : memref<10000x128xf32, #tpu.memory_space<vmem_shared>> -> memref<10000x128xf32, #tpu.memory_space<vmem_shared>>
        tpu.wait_indirect_dma semaphore(%arg15 : memref<!tpu.dma_semaphore, #tpu.memory_space<semaphore_mem>>) src(%dma_wait3A_326 : memref<80x128xf32, #tpu.memory_space<vmem>>) dst(%dma_wait3A_332 : memref<10000x128xf32, #tpu.memory_space<vmem_shared>>)
      } else {
      }
      %add3A_143 = arith.constant 2 : i32
      %add3A_144 = arith.addi %add3A_96, %add3A_143 : i32
      %lt3A_145 = arith.constant 40 : i32
      %lt3A_146 = arith.cmpi slt, %add3A_144, %lt3A_145 : i32
      %convert_element_type3A_147 = arith.extui %lt3A_146 : i1 to i32
      %cond3A_148 = arith.constant 0 : i32
      %cond3A_149 = arith.cmpi ne, %convert_element_type3A_147, %cond3A_148 : i32
      scf.if %cond3A_149 {
        %add3A_321 = arith.constant 2 : i32
        %add3A_322 = arith.addi %add3A_96, %add3A_321 : i32
        %mul3A_323 = arith.constant 80 : i32
        %mul3A_324 = arith.muli %add3A_322, %mul3A_323 : i32
        %add3A_325 = arith.addi %mul3A_0, %mul3A_324 : i32
        %add3A_326 = arith.constant 108800 : i32
        %add3A_327 = arith.addi %add3A_326, %add3A_325 : i32
        %dma_start3A_328 = arith.constant 2 : i32
        %dma_start3A_329 = arith.constant 0 : i32
        %dma_start3A_330 = arith.constant 0 : i32
        %dma_start3A_331 = tpu.memref_slice %arg7[%dma_start3A_328, %dma_start3A_329, %dma_start3A_330] : memref<4x80x128xf32, #tpu.memory_space<vmem>> -> memref<1x80x128xf32, #tpu.memory_space<vmem>>
        %dma_start3A_332 = tpu.memref_squeeze %dma_start3A_331 : memref<1x80x128xf32, #tpu.memory_space<vmem>> -> memref<80x128xf32, #tpu.memory_space<vmem>>
        %dma_start3A_333 = arith.constant 0 : i32
        %dma_start3A_334 = tpu.memref_slice %arg2[%arg0, %add3A_325, %dma_start3A_333] : memref<2x51200x128xf32, #tpu.memory_space<hbm>> -> memref<1x80x128xf32, #tpu.memory_space<hbm>>
        %dma_start3A_335 = tpu.memref_squeeze %dma_start3A_334 : memref<1x80x128xf32, #tpu.memory_space<hbm>> -> memref<80x128xf32, #tpu.memory_space<hbm>>
        %dma_start3A_336 = arith.constant 0 : i32
        %dma_start3A_337 = arith.constant 0 : i32
        %dma_start3A_338 = tpu.memref_slice %arg7[%dma_start3A_328, %dma_start3A_336, %dma_start3A_337] : memref<4x80x128xf32, #tpu.memory_space<vmem>> -> memref<1x80x128xf32, #tpu.memory_space<vmem>>
        %dma_start3A_339 = tpu.memref_squeeze %dma_start3A_338 : memref<1x80x128xf32, #tpu.memory_space<vmem>> -> memref<80x128xf32, #tpu.memory_space<vmem>>
        %dma_start3A_340 = arith.constant 0 : i32
        %dma_start3A_341 = tpu.memref_slice %arg2[%arg0, %add3A_325, %dma_start3A_340] : memref<2x51200x128xf32, #tpu.memory_space<hbm>> -> memref<1x80x128xf32, #tpu.memory_space<hbm>>
        %dma_start3A_342 = tpu.memref_squeeze %dma_start3A_341 : memref<1x80x128xf32, #tpu.memory_space<hbm>> -> memref<80x128xf32, #tpu.memory_space<hbm>>
        tpu.enqueue_dma source(%dma_start3A_342 : memref<80x128xf32, #tpu.memory_space<hbm>>) target(%dma_start3A_339 : memref<80x128xf32, #tpu.memory_space<vmem>>) target_semaphore(%arg11 : memref<!tpu.dma_semaphore, #tpu.memory_space<semaphore_mem>>)
        %dma_start3A_343 = arith.constant 2 : i32
        %dma_start3A_344 = arith.constant 0 : i32
        %dma_start3A_345 = tpu.memref_slice %arg8[%dma_start3A_343, %dma_start3A_344] : memref<4x80xi32, #tpu.memory_space<vmem>> -> memref<1x80xi32, #tpu.memory_space<vmem>>
        %dma_start3A_346 = tpu.memref_squeeze %dma_start3A_345 : memref<1x80xi32, #tpu.memory_space<vmem>> -> memref<80xi32, #tpu.memory_space<vmem>>
        %dma_start3A_347 = tpu.memref_slice %arg3[%add3A_327] : memref<160000xi32, #tpu.memory_space<hbm>> -> memref<80xi32, #tpu.memory_space<hbm>>
        %dma_start3A_348 = arith.constant 0 : i32
        %dma_start3A_349 = tpu.memref_slice %arg8[%dma_start3A_343, %dma_start3A_348] : memref<4x80xi32, #tpu.memory_space<vmem>> -> memref<1x80xi32, #tpu.memory_space<vmem>>
        %dma_start3A_350 = tpu.memref_squeeze %dma_start3A_349 : memref<1x80xi32, #tpu.memory_space<vmem>> -> memref<80xi32, #tpu.memory_space<vmem>>
        %dma_start3A_351 = tpu.memref_slice %arg3[%add3A_327] : memref<160000xi32, #tpu.memory_space<hbm>> -> memref<80xi32, #tpu.memory_space<hbm>>
        tpu.enqueue_dma source(%dma_start3A_351 : memref<80xi32, #tpu.memory_space<hbm>>) target(%dma_start3A_350 : memref<80xi32, #tpu.memory_space<vmem>>) target_semaphore(%arg11 : memref<!tpu.dma_semaphore, #tpu.memory_space<semaphore_mem>>)
      } else {
      }
      %add3A_150 = arith.constant 1 : i32
      %add3A_151 = arith.addi %add3A_94, %add3A_150 : i32
      %mul3A_152 = arith.constant 80 : i32
      %mul3A_153 = arith.muli %add3A_151, %mul3A_152 : i32
      %add3A_154 = arith.addi %mul3A_0, %mul3A_153 : i32
      %add3A_155 = arith.constant 108800 : i32
      %add3A_156 = arith.addi %add3A_155, %add3A_154 : i32
      %dma_wait3A_157 = arith.constant 1 : i32
      %dma_wait3A_158 = arith.constant 0 : i32
      %dma_wait3A_159 = arith.constant 0 : i32
      %dma_wait3A_160 = tpu.memref_slice %arg7[%dma_wait3A_157, %dma_wait3A_158, %dma_wait3A_159] : memref<4x80x128xf32, #tpu.memory_space<vmem>> -> memref<1x80x128xf32, #tpu.memory_space<vmem>>
      %dma_wait3A_161 = tpu.memref_squeeze %dma_wait3A_160 : memref<1x80x128xf32, #tpu.memory_space<vmem>> -> memref<80x128xf32, #tpu.memory_space<vmem>>
      %dma_wait3A_162 = arith.constant 0 : i32
      %dma_wait3A_163 = tpu.memref_slice %arg2[%arg0, %add3A_154, %dma_wait3A_162] : memref<2x51200x128xf32, #tpu.memory_space<hbm>> -> memref<1x80x128xf32, #tpu.memory_space<hbm>>
      %dma_wait3A_164 = tpu.memref_squeeze %dma_wait3A_163 : memref<1x80x128xf32, #tpu.memory_space<hbm>> -> memref<80x128xf32, #tpu.memory_space<hbm>>
      %dma_wait3A_165 = arith.constant 0 : i32
      %dma_wait3A_166 = arith.constant 0 : i32
      %dma_wait3A_167 = tpu.memref_slice %arg7[%dma_wait3A_157, %dma_wait3A_165, %dma_wait3A_166] : memref<4x80x128xf32, #tpu.memory_space<vmem>> -> memref<1x80x128xf32, #tpu.memory_space<vmem>>
      %dma_wait3A_168 = tpu.memref_squeeze %dma_wait3A_167 : memref<1x80x128xf32, #tpu.memory_space<vmem>> -> memref<80x128xf32, #tpu.memory_space<vmem>>
      %dma_wait3A_169 = arith.constant 0 : i32
      %dma_wait3A_170 = tpu.memref_slice %arg2[%arg0, %add3A_154, %dma_wait3A_169] : memref<2x51200x128xf32, #tpu.memory_space<hbm>> -> memref<1x80x128xf32, #tpu.memory_space<hbm>>
      %dma_wait3A_171 = tpu.memref_squeeze %dma_wait3A_170 : memref<1x80x128xf32, #tpu.memory_space<hbm>> -> memref<80x128xf32, #tpu.memory_space<hbm>>
      tpu.wait_dma2 semaphore(%arg10 : memref<!tpu.dma_semaphore, #tpu.memory_space<semaphore_mem>>) src(%dma_wait3A_171 : memref<80x128xf32, #tpu.memory_space<hbm>>) dst(%dma_wait3A_168 : memref<80x128xf32, #tpu.memory_space<vmem>>)
      %dma_wait3A_172 = arith.constant 1 : i32
      %dma_wait3A_173 = arith.constant 0 : i32
      %dma_wait3A_174 = tpu.memref_slice %arg8[%dma_wait3A_172, %dma_wait3A_173] : memref<4x80xi32, #tpu.memory_space<vmem>> -> memref<1x80xi32, #tpu.memory_space<vmem>>
      %dma_wait3A_175 = tpu.memref_squeeze %dma_wait3A_174 : memref<1x80xi32, #tpu.memory_space<vmem>> -> memref<80xi32, #tpu.memory_space<vmem>>
      %dma_wait3A_176 = tpu.memref_slice %arg3[%add3A_156] : memref<160000xi32, #tpu.memory_space<hbm>> -> memref<80xi32, #tpu.memory_space<hbm>>
      %dma_wait3A_177 = arith.constant 0 : i32
      %dma_wait3A_178 = tpu.memref_slice %arg8[%dma_wait3A_172, %dma_wait3A_177] : memref<4x80xi32, #tpu.memory_space<vmem>> -> memref<1x80xi32, #tpu.memory_space<vmem>>
      %dma_wait3A_179 = tpu.memref_squeeze %dma_wait3A_178 : memref<1x80xi32, #tpu.memory_space<vmem>> -> memref<80xi32, #tpu.memory_space<vmem>>
      %dma_wait3A_180 = tpu.memref_slice %arg3[%add3A_156] : memref<160000xi32, #tpu.memory_space<hbm>> -> memref<80xi32, #tpu.memory_space<hbm>>
      tpu.wait_dma2 semaphore(%arg10 : memref<!tpu.dma_semaphore, #tpu.memory_space<semaphore_mem>>) src(%dma_wait3A_180 : memref<80xi32, #tpu.memory_space<hbm>>) dst(%dma_wait3A_179 : memref<80xi32, #tpu.memory_space<vmem>>)
      %dma_start3A_181 = arith.constant 1 : i32
      %dma_start3A_182 = arith.constant 1 : i32
      %dma_start3A_183 = arith.constant 0 : i32
      %dma_start3A_184 = arith.constant 0 : i32
      %dma_start3A_185 = tpu.memref_slice %arg7[%dma_start3A_181, %dma_start3A_183, %dma_start3A_184] : memref<4x80x128xf32, #tpu.memory_space<vmem>> -> memref<1x80x128xf32, #tpu.memory_space<vmem>>
      %dma_start3A_186 = tpu.memref_squeeze %dma_start3A_185 : memref<1x80x128xf32, #tpu.memory_space<vmem>> -> memref<80x128xf32, #tpu.memory_space<vmem>>
      %dma_start3A_187 = arith.constant 0 : i32
      %dma_start3A_188 = tpu.memref_slice %arg8[%dma_start3A_182, %dma_start3A_187] : memref<4x80xi32, #tpu.memory_space<vmem>> -> memref<1x80xi32, #tpu.memory_space<vmem>>
      %dma_start3A_189 = tpu.memref_squeeze %dma_start3A_188 : memref<1x80xi32, #tpu.memory_space<vmem>> -> memref<80xi32, #tpu.memory_space<vmem>>
      %dma_start3A_190 = arith.constant 0 : i32
      %dma_start3A_191 = arith.constant 0 : i32
      %dma_start3A_192 = tpu.memref_slice %arg6[%dma_start3A_190, %dma_start3A_191] : memref<10000x128xf32, #tpu.memory_space<vmem_shared>> -> memref<10000x128xf32, #tpu.memory_space<vmem_shared>>
      tpu.enqueue_indirect_dma source(%dma_start3A_186 : memref<80x128xf32, #tpu.memory_space<vmem>>) target(%dma_start3A_192 : memref<10000x128xf32, #tpu.memory_space<vmem_shared>>) offsets(%dma_start3A_189 : memref<80xi32, #tpu.memory_space<vmem>>) semaphore(%arg14 : memref<!tpu.dma_semaphore, #tpu.memory_space<semaphore_mem>>) {add = true}
      %sub3A_193 = arith.constant 2 : i32
      %sub3A_194 = arith.subi %add3A_151, %sub3A_193 : i32
      %ge3A_195 = arith.constant 0 : i32
      %ge3A_196 = arith.cmpi sge, %sub3A_194, %ge3A_195 : i32
      %convert_element_type3A_197 = arith.extui %ge3A_196 : i1 to i32
      %cond3A_198 = arith.constant 0 : i32
      %cond3A_199 = arith.cmpi ne, %convert_element_type3A_197, %cond3A_198 : i32
      scf.if %cond3A_199 {
        %dma_wait3A_321 = arith.constant 3 : i32
        %dma_wait3A_322 = arith.constant 3 : i32
        %dma_wait3A_323 = arith.constant 0 : i32
        %dma_wait3A_324 = arith.constant 0 : i32
        %dma_wait3A_325 = tpu.memref_slice %arg7[%dma_wait3A_321, %dma_wait3A_323, %dma_wait3A_324] : memref<4x80x128xf32, #tpu.memory_space<vmem>> -> memref<1x80x128xf32, #tpu.memory_space<vmem>>
        %dma_wait3A_326 = tpu.memref_squeeze %dma_wait3A_325 : memref<1x80x128xf32, #tpu.memory_space<vmem>> -> memref<80x128xf32, #tpu.memory_space<vmem>>
        %dma_wait3A_327 = arith.constant 0 : i32
        %dma_wait3A_328 = tpu.memref_slice %arg8[%dma_wait3A_322, %dma_wait3A_327] : memref<4x80xi32, #tpu.memory_space<vmem>> -> memref<1x80xi32, #tpu.memory_space<vmem>>
        %dma_wait3A_329 = tpu.memref_squeeze %dma_wait3A_328 : memref<1x80xi32, #tpu.memory_space<vmem>> -> memref<80xi32, #tpu.memory_space<vmem>>
        %dma_wait3A_330 = arith.constant 0 : i32
        %dma_wait3A_331 = arith.constant 0 : i32
        %dma_wait3A_332 = tpu.memref_slice %arg6[%dma_wait3A_330, %dma_wait3A_331] : memref<10000x128xf32, #tpu.memory_space<vmem_shared>> -> memref<10000x128xf32, #tpu.memory_space<vmem_shared>>
        tpu.wait_indirect_dma semaphore(%arg16 : memref<!tpu.dma_semaphore, #tpu.memory_space<semaphore_mem>>) src(%dma_wait3A_326 : memref<80x128xf32, #tpu.memory_space<vmem>>) dst(%dma_wait3A_332 : memref<10000x128xf32, #tpu.memory_space<vmem_shared>>)
      } else {
      }
      %add3A_200 = arith.constant 2 : i32
      %add3A_201 = arith.addi %add3A_151, %add3A_200 : i32
      %lt3A_202 = arith.constant 40 : i32
      %lt3A_203 = arith.cmpi slt, %add3A_201, %lt3A_202 : i32
      %convert_element_type3A_204 = arith.extui %lt3A_203 : i1 to i32
      %cond3A_205 = arith.constant 0 : i32
      %cond3A_206 = arith.cmpi ne, %convert_element_type3A_204, %cond3A_205 : i32
      scf.if %cond3A_206 {
        %add3A_321 = arith.constant 2 : i32
        %add3A_322 = arith.addi %add3A_151, %add3A_321 : i32
        %mul3A_323 = arith.constant 80 : i32
        %mul3A_324 = arith.muli %add3A_322, %mul3A_323 : i32
        %add3A_325 = arith.addi %mul3A_0, %mul3A_324 : i32
        %add3A_326 = arith.constant 108800 : i32
        %add3A_327 = arith.addi %add3A_326, %add3A_325 : i32
        %dma_start3A_328 = arith.constant 3 : i32
        %dma_start3A_329 = arith.constant 0 : i32
        %dma_start3A_330 = arith.constant 0 : i32
        %dma_start3A_331 = tpu.memref_slice %arg7[%dma_start3A_328, %dma_start3A_329, %dma_start3A_330] : memref<4x80x128xf32, #tpu.memory_space<vmem>> -> memref<1x80x128xf32, #tpu.memory_space<vmem>>
        %dma_start3A_332 = tpu.memref_squeeze %dma_start3A_331 : memref<1x80x128xf32, #tpu.memory_space<vmem>> -> memref<80x128xf32, #tpu.memory_space<vmem>>
        %dma_start3A_333 = arith.constant 0 : i32
        %dma_start3A_334 = tpu.memref_slice %arg2[%arg0, %add3A_325, %dma_start3A_333] : memref<2x51200x128xf32, #tpu.memory_space<hbm>> -> memref<1x80x128xf32, #tpu.memory_space<hbm>>
        %dma_start3A_335 = tpu.memref_squeeze %dma_start3A_334 : memref<1x80x128xf32, #tpu.memory_space<hbm>> -> memref<80x128xf32, #tpu.memory_space<hbm>>
        %dma_start3A_336 = arith.constant 0 : i32
        %dma_start3A_337 = arith.constant 0 : i32
        %dma_start3A_338 = tpu.memref_slice %arg7[%dma_start3A_328, %dma_start3A_336, %dma_start3A_337] : memref<4x80x128xf32, #tpu.memory_space<vmem>> -> memref<1x80x128xf32, #tpu.memory_space<vmem>>
        %dma_start3A_339 = tpu.memref_squeeze %dma_start3A_338 : memref<1x80x128xf32, #tpu.memory_space<vmem>> -> memref<80x128xf32, #tpu.memory_space<vmem>>
        %dma_start3A_340 = arith.constant 0 : i32
        %dma_start3A_341 = tpu.memref_slice %arg2[%arg0, %add3A_325, %dma_start3A_340] : memref<2x51200x128xf32, #tpu.memory_space<hbm>> -> memref<1x80x128xf32, #tpu.memory_space<hbm>>
        %dma_start3A_342 = tpu.memref_squeeze %dma_start3A_341 : memref<1x80x128xf32, #tpu.memory_space<hbm>> -> memref<80x128xf32, #tpu.memory_space<hbm>>
        tpu.enqueue_dma source(%dma_start3A_342 : memref<80x128xf32, #tpu.memory_space<hbm>>) target(%dma_start3A_339 : memref<80x128xf32, #tpu.memory_space<vmem>>) target_semaphore(%arg12 : memref<!tpu.dma_semaphore, #tpu.memory_space<semaphore_mem>>)
        %dma_start3A_343 = arith.constant 3 : i32
        %dma_start3A_344 = arith.constant 0 : i32
        %dma_start3A_345 = tpu.memref_slice %arg8[%dma_start3A_343, %dma_start3A_344] : memref<4x80xi32, #tpu.memory_space<vmem>> -> memref<1x80xi32, #tpu.memory_space<vmem>>
        %dma_start3A_346 = tpu.memref_squeeze %dma_start3A_345 : memref<1x80xi32, #tpu.memory_space<vmem>> -> memref<80xi32, #tpu.memory_space<vmem>>
        %dma_start3A_347 = tpu.memref_slice %arg3[%add3A_327] : memref<160000xi32, #tpu.memory_space<hbm>> -> memref<80xi32, #tpu.memory_space<hbm>>
        %dma_start3A_348 = arith.constant 0 : i32
        %dma_start3A_349 = tpu.memref_slice %arg8[%dma_start3A_343, %dma_start3A_348] : memref<4x80xi32, #tpu.memory_space<vmem>> -> memref<1x80xi32, #tpu.memory_space<vmem>>
        %dma_start3A_350 = tpu.memref_squeeze %dma_start3A_349 : memref<1x80xi32, #tpu.memory_space<vmem>> -> memref<80xi32, #tpu.memory_space<vmem>>
        %dma_start3A_351 = tpu.memref_slice %arg3[%add3A_327] : memref<160000xi32, #tpu.memory_space<hbm>> -> memref<80xi32, #tpu.memory_space<hbm>>
        tpu.enqueue_dma source(%dma_start3A_351 : memref<80xi32, #tpu.memory_space<hbm>>) target(%dma_start3A_350 : memref<80xi32, #tpu.memory_space<vmem>>) target_semaphore(%arg12 : memref<!tpu.dma_semaphore, #tpu.memory_space<semaphore_mem>>)
      } else {
      }
      %add3A_207 = arith.constant 2 : i32
      %add3A_208 = arith.addi %add3A_94, %add3A_207 : i32
      %mul3A_209 = arith.constant 80 : i32
      %mul3A_210 = arith.muli %add3A_208, %mul3A_209 : i32
      %add3A_211 = arith.addi %mul3A_0, %mul3A_210 : i32
      %add3A_212 = arith.constant 108800 : i32
      %add3A_213 = arith.addi %add3A_212, %add3A_211 : i32
      %dma_wait3A_214 = arith.constant 2 : i32
      %dma_wait3A_215 = arith.constant 0 : i32
      %dma_wait3A_216 = arith.constant 0 : i32
      %dma_wait3A_217 = tpu.memref_slice %arg7[%dma_wait3A_214, %dma_wait3A_215, %dma_wait3A_216] : memref<4x80x128xf32, #tpu.memory_space<vmem>> -> memref<1x80x128xf32, #tpu.memory_space<vmem>>
      %dma_wait3A_218 = tpu.memref_squeeze %dma_wait3A_217 : memref<1x80x128xf32, #tpu.memory_space<vmem>> -> memref<80x128xf32, #tpu.memory_space<vmem>>
      %dma_wait3A_219 = arith.constant 0 : i32
      %dma_wait3A_220 = tpu.memref_slice %arg2[%arg0, %add3A_211, %dma_wait3A_219] : memref<2x51200x128xf32, #tpu.memory_space<hbm>> -> memref<1x80x128xf32, #tpu.memory_space<hbm>>
      %dma_wait3A_221 = tpu.memref_squeeze %dma_wait3A_220 : memref<1x80x128xf32, #tpu.memory_space<hbm>> -> memref<80x128xf32, #tpu.memory_space<hbm>>
      %dma_wait3A_222 = arith.constant 0 : i32
      %dma_wait3A_223 = arith.constant 0 : i32
      %dma_wait3A_224 = tpu.memref_slice %arg7[%dma_wait3A_214, %dma_wait3A_222, %dma_wait3A_223] : memref<4x80x128xf32, #tpu.memory_space<vmem>> -> memref<1x80x128xf32, #tpu.memory_space<vmem>>
      %dma_wait3A_225 = tpu.memref_squeeze %dma_wait3A_224 : memref<1x80x128xf32, #tpu.memory_space<vmem>> -> memref<80x128xf32, #tpu.memory_space<vmem>>
      %dma_wait3A_226 = arith.constant 0 : i32
      %dma_wait3A_227 = tpu.memref_slice %arg2[%arg0, %add3A_211, %dma_wait3A_226] : memref<2x51200x128xf32, #tpu.memory_space<hbm>> -> memref<1x80x128xf32, #tpu.memory_space<hbm>>
      %dma_wait3A_228 = tpu.memref_squeeze %dma_wait3A_227 : memref<1x80x128xf32, #tpu.memory_space<hbm>> -> memref<80x128xf32, #tpu.memory_space<hbm>>
      tpu.wait_dma2 semaphore(%arg11 : memref<!tpu.dma_semaphore, #tpu.memory_space<semaphore_mem>>) src(%dma_wait3A_228 : memref<80x128xf32, #tpu.memory_space<hbm>>) dst(%dma_wait3A_225 : memref<80x128xf32, #tpu.memory_space<vmem>>)
      %dma_wait3A_229 = arith.constant 2 : i32
      %dma_wait3A_230 = arith.constant 0 : i32
      %dma_wait3A_231 = tpu.memref_slice %arg8[%dma_wait3A_229, %dma_wait3A_230] : memref<4x80xi32, #tpu.memory_space<vmem>> -> memref<1x80xi32, #tpu.memory_space<vmem>>
      %dma_wait3A_232 = tpu.memref_squeeze %dma_wait3A_231 : memref<1x80xi32, #tpu.memory_space<vmem>> -> memref<80xi32, #tpu.memory_space<vmem>>
      %dma_wait3A_233 = tpu.memref_slice %arg3[%add3A_213] : memref<160000xi32, #tpu.memory_space<hbm>> -> memref<80xi32, #tpu.memory_space<hbm>>
      %dma_wait3A_234 = arith.constant 0 : i32
      %dma_wait3A_235 = tpu.memref_slice %arg8[%dma_wait3A_229, %dma_wait3A_234] : memref<4x80xi32, #tpu.memory_space<vmem>> -> memref<1x80xi32, #tpu.memory_space<vmem>>
      %dma_wait3A_236 = tpu.memref_squeeze %dma_wait3A_235 : memref<1x80xi32, #tpu.memory_space<vmem>> -> memref<80xi32, #tpu.memory_space<vmem>>
      %dma_wait3A_237 = tpu.memref_slice %arg3[%add3A_213] : memref<160000xi32, #tpu.memory_space<hbm>> -> memref<80xi32, #tpu.memory_space<hbm>>
      tpu.wait_dma2 semaphore(%arg11 : memref<!tpu.dma_semaphore, #tpu.memory_space<semaphore_mem>>) src(%dma_wait3A_237 : memref<80xi32, #tpu.memory_space<hbm>>) dst(%dma_wait3A_236 : memref<80xi32, #tpu.memory_space<vmem>>)
      %dma_start3A_238 = arith.constant 2 : i32
      %dma_start3A_239 = arith.constant 2 : i32
      %dma_start3A_240 = arith.constant 0 : i32
      %dma_start3A_241 = arith.constant 0 : i32
      %dma_start3A_242 = tpu.memref_slice %arg7[%dma_start3A_238, %dma_start3A_240, %dma_start3A_241] : memref<4x80x128xf32, #tpu.memory_space<vmem>> -> memref<1x80x128xf32, #tpu.memory_space<vmem>>
      %dma_start3A_243 = tpu.memref_squeeze %dma_start3A_242 : memref<1x80x128xf32, #tpu.memory_space<vmem>> -> memref<80x128xf32, #tpu.memory_space<vmem>>
      %dma_start3A_244 = arith.constant 0 : i32
      %dma_start3A_245 = tpu.memref_slice %arg8[%dma_start3A_239, %dma_start3A_244] : memref<4x80xi32, #tpu.memory_space<vmem>> -> memref<1x80xi32, #tpu.memory_space<vmem>>
      %dma_start3A_246 = tpu.memref_squeeze %dma_start3A_245 : memref<1x80xi32, #tpu.memory_space<vmem>> -> memref<80xi32, #tpu.memory_space<vmem>>
      %dma_start3A_247 = arith.constant 0 : i32
      %dma_start3A_248 = arith.constant 0 : i32
      %dma_start3A_249 = tpu.memref_slice %arg6[%dma_start3A_247, %dma_start3A_248] : memref<10000x128xf32, #tpu.memory_space<vmem_shared>> -> memref<10000x128xf32, #tpu.memory_space<vmem_shared>>
      tpu.enqueue_indirect_dma source(%dma_start3A_243 : memref<80x128xf32, #tpu.memory_space<vmem>>) target(%dma_start3A_249 : memref<10000x128xf32, #tpu.memory_space<vmem_shared>>) offsets(%dma_start3A_246 : memref<80xi32, #tpu.memory_space<vmem>>) semaphore(%arg15 : memref<!tpu.dma_semaphore, #tpu.memory_space<semaphore_mem>>) {add = true}
      %sub3A_250 = arith.constant 2 : i32
      %sub3A_251 = arith.subi %add3A_208, %sub3A_250 : i32
      %ge3A_252 = arith.constant 0 : i32
      %ge3A_253 = arith.cmpi sge, %sub3A_251, %ge3A_252 : i32
      %convert_element_type3A_254 = arith.extui %ge3A_253 : i1 to i32
      %cond3A_255 = arith.constant 0 : i32
      %cond3A_256 = arith.cmpi ne, %convert_element_type3A_254, %cond3A_255 : i32
      scf.if %cond3A_256 {
        %dma_wait3A_321 = arith.constant 0 : i32
        %dma_wait3A_322 = arith.constant 0 : i32
        %dma_wait3A_323 = arith.constant 0 : i32
        %dma_wait3A_324 = arith.constant 0 : i32
        %dma_wait3A_325 = tpu.memref_slice %arg7[%dma_wait3A_321, %dma_wait3A_323, %dma_wait3A_324] : memref<4x80x128xf32, #tpu.memory_space<vmem>> -> memref<1x80x128xf32, #tpu.memory_space<vmem>>
        %dma_wait3A_326 = tpu.memref_squeeze %dma_wait3A_325 : memref<1x80x128xf32, #tpu.memory_space<vmem>> -> memref<80x128xf32, #tpu.memory_space<vmem>>
        %dma_wait3A_327 = arith.constant 0 : i32
        %dma_wait3A_328 = tpu.memref_slice %arg8[%dma_wait3A_322, %dma_wait3A_327] : memref<4x80xi32, #tpu.memory_space<vmem>> -> memref<1x80xi32, #tpu.memory_space<vmem>>
        %dma_wait3A_329 = tpu.memref_squeeze %dma_wait3A_328 : memref<1x80xi32, #tpu.memory_space<vmem>> -> memref<80xi32, #tpu.memory_space<vmem>>
        %dma_wait3A_330 = arith.constant 0 : i32
        %dma_wait3A_331 = arith.constant 0 : i32
        %dma_wait3A_332 = tpu.memref_slice %arg6[%dma_wait3A_330, %dma_wait3A_331] : memref<10000x128xf32, #tpu.memory_space<vmem_shared>> -> memref<10000x128xf32, #tpu.memory_space<vmem_shared>>
        tpu.wait_indirect_dma semaphore(%arg13 : memref<!tpu.dma_semaphore, #tpu.memory_space<semaphore_mem>>) src(%dma_wait3A_326 : memref<80x128xf32, #tpu.memory_space<vmem>>) dst(%dma_wait3A_332 : memref<10000x128xf32, #tpu.memory_space<vmem_shared>>)
      } else {
      }
      %add3A_257 = arith.constant 2 : i32
      %add3A_258 = arith.addi %add3A_208, %add3A_257 : i32
      %lt3A_259 = arith.constant 40 : i32
      %lt3A_260 = arith.cmpi slt, %add3A_258, %lt3A_259 : i32
      %convert_element_type3A_261 = arith.extui %lt3A_260 : i1 to i32
      %cond3A_262 = arith.constant 0 : i32
      %cond3A_263 = arith.cmpi ne, %convert_element_type3A_261, %cond3A_262 : i32
      scf.if %cond3A_263 {
        %add3A_321 = arith.constant 2 : i32
        %add3A_322 = arith.addi %add3A_208, %add3A_321 : i32
        %mul3A_323 = arith.constant 80 : i32
        %mul3A_324 = arith.muli %add3A_322, %mul3A_323 : i32
        %add3A_325 = arith.addi %mul3A_0, %mul3A_324 : i32
        %add3A_326 = arith.constant 108800 : i32
        %add3A_327 = arith.addi %add3A_326, %add3A_325 : i32
        %dma_start3A_328 = arith.constant 0 : i32
        %dma_start3A_329 = arith.constant 0 : i32
        %dma_start3A_330 = arith.constant 0 : i32
        %dma_start3A_331 = tpu.memref_slice %arg7[%dma_start3A_328, %dma_start3A_329, %dma_start3A_330] : memref<4x80x128xf32, #tpu.memory_space<vmem>> -> memref<1x80x128xf32, #tpu.memory_space<vmem>>
        %dma_start3A_332 = tpu.memref_squeeze %dma_start3A_331 : memref<1x80x128xf32, #tpu.memory_space<vmem>> -> memref<80x128xf32, #tpu.memory_space<vmem>>
        %dma_start3A_333 = arith.constant 0 : i32
        %dma_start3A_334 = tpu.memref_slice %arg2[%arg0, %add3A_325, %dma_start3A_333] : memref<2x51200x128xf32, #tpu.memory_space<hbm>> -> memref<1x80x128xf32, #tpu.memory_space<hbm>>
        %dma_start3A_335 = tpu.memref_squeeze %dma_start3A_334 : memref<1x80x128xf32, #tpu.memory_space<hbm>> -> memref<80x128xf32, #tpu.memory_space<hbm>>
        %dma_start3A_336 = arith.constant 0 : i32
        %dma_start3A_337 = arith.constant 0 : i32
        %dma_start3A_338 = tpu.memref_slice %arg7[%dma_start3A_328, %dma_start3A_336, %dma_start3A_337] : memref<4x80x128xf32, #tpu.memory_space<vmem>> -> memref<1x80x128xf32, #tpu.memory_space<vmem>>
        %dma_start3A_339 = tpu.memref_squeeze %dma_start3A_338 : memref<1x80x128xf32, #tpu.memory_space<vmem>> -> memref<80x128xf32, #tpu.memory_space<vmem>>
        %dma_start3A_340 = arith.constant 0 : i32
        %dma_start3A_341 = tpu.memref_slice %arg2[%arg0, %add3A_325, %dma_start3A_340] : memref<2x51200x128xf32, #tpu.memory_space<hbm>> -> memref<1x80x128xf32, #tpu.memory_space<hbm>>
        %dma_start3A_342 = tpu.memref_squeeze %dma_start3A_341 : memref<1x80x128xf32, #tpu.memory_space<hbm>> -> memref<80x128xf32, #tpu.memory_space<hbm>>
        tpu.enqueue_dma source(%dma_start3A_342 : memref<80x128xf32, #tpu.memory_space<hbm>>) target(%dma_start3A_339 : memref<80x128xf32, #tpu.memory_space<vmem>>) target_semaphore(%arg9 : memref<!tpu.dma_semaphore, #tpu.memory_space<semaphore_mem>>)
        %dma_start3A_343 = arith.constant 0 : i32
        %dma_start3A_344 = arith.constant 0 : i32
        %dma_start3A_345 = tpu.memref_slice %arg8[%dma_start3A_343, %dma_start3A_344] : memref<4x80xi32, #tpu.memory_space<vmem>> -> memref<1x80xi32, #tpu.memory_space<vmem>>
        %dma_start3A_346 = tpu.memref_squeeze %dma_start3A_345 : memref<1x80xi32, #tpu.memory_space<vmem>> -> memref<80xi32, #tpu.memory_space<vmem>>
        %dma_start3A_347 = tpu.memref_slice %arg3[%add3A_327] : memref<160000xi32, #tpu.memory_space<hbm>> -> memref<80xi32, #tpu.memory_space<hbm>>
        %dma_start3A_348 = arith.constant 0 : i32
        %dma_start3A_349 = tpu.memref_slice %arg8[%dma_start3A_343, %dma_start3A_348] : memref<4x80xi32, #tpu.memory_space<vmem>> -> memref<1x80xi32, #tpu.memory_space<vmem>>
        %dma_start3A_350 = tpu.memref_squeeze %dma_start3A_349 : memref<1x80xi32, #tpu.memory_space<vmem>> -> memref<80xi32, #tpu.memory_space<vmem>>
        %dma_start3A_351 = tpu.memref_slice %arg3[%add3A_327] : memref<160000xi32, #tpu.memory_space<hbm>> -> memref<80xi32, #tpu.memory_space<hbm>>
        tpu.enqueue_dma source(%dma_start3A_351 : memref<80xi32, #tpu.memory_space<hbm>>) target(%dma_start3A_350 : memref<80xi32, #tpu.memory_space<vmem>>) target_semaphore(%arg9 : memref<!tpu.dma_semaphore, #tpu.memory_space<semaphore_mem>>)
      } else {
      }
      %add3A_264 = arith.constant 3 : i32
      %add3A_265 = arith.addi %add3A_94, %add3A_264 : i32
      %mul3A_266 = arith.constant 80 : i32
      %mul3A_267 = arith.muli %add3A_265, %mul3A_266 : i32
      %add3A_268 = arith.addi %mul3A_0, %mul3A_267 : i32
      %add3A_269 = arith.constant 108800 : i32
      %add3A_270 = arith.addi %add3A_269, %add3A_268 : i32
      %dma_wait3A_271 = arith.constant 3 : i32
      %dma_wait3A_272 = arith.constant 0 : i32
      %dma_wait3A_273 = arith.constant 0 : i32
      %dma_wait3A_274 = tpu.memref_slice %arg7[%dma_wait3A_271, %dma_wait3A_272, %dma_wait3A_273] : memref<4x80x128xf32, #tpu.memory_space<vmem>> -> memref<1x80x128xf32, #tpu.memory_space<vmem>>
      %dma_wait3A_275 = tpu.memref_squeeze %dma_wait3A_274 : memref<1x80x128xf32, #tpu.memory_space<vmem>> -> memref<80x128xf32, #tpu.memory_space<vmem>>
      %dma_wait3A_276 = arith.constant 0 : i32
      %dma_wait3A_277 = tpu.memref_slice %arg2[%arg0, %add3A_268, %dma_wait3A_276] : memref<2x51200x128xf32, #tpu.memory_space<hbm>> -> memref<1x80x128xf32, #tpu.memory_space<hbm>>
      %dma_wait3A_278 = tpu.memref_squeeze %dma_wait3A_277 : memref<1x80x128xf32, #tpu.memory_space<hbm>> -> memref<80x128xf32, #tpu.memory_space<hbm>>
      %dma_wait3A_279 = arith.constant 0 : i32
      %dma_wait3A_280 = arith.constant 0 : i32
      %dma_wait3A_281 = tpu.memref_slice %arg7[%dma_wait3A_271, %dma_wait3A_279, %dma_wait3A_280] : memref<4x80x128xf32, #tpu.memory_space<vmem>> -> memref<1x80x128xf32, #tpu.memory_space<vmem>>
      %dma_wait3A_282 = tpu.memref_squeeze %dma_wait3A_281 : memref<1x80x128xf32, #tpu.memory_space<vmem>> -> memref<80x128xf32, #tpu.memory_space<vmem>>
      %dma_wait3A_283 = arith.constant 0 : i32
      %dma_wait3A_284 = tpu.memref_slice %arg2[%arg0, %add3A_268, %dma_wait3A_283] : memref<2x51200x128xf32, #tpu.memory_space<hbm>> -> memref<1x80x128xf32, #tpu.memory_space<hbm>>
      %dma_wait3A_285 = tpu.memref_squeeze %dma_wait3A_284 : memref<1x80x128xf32, #tpu.memory_space<hbm>> -> memref<80x128xf32, #tpu.memory_space<hbm>>
      tpu.wait_dma2 semaphore(%arg12 : memref<!tpu.dma_semaphore, #tpu.memory_space<semaphore_mem>>) src(%dma_wait3A_285 : memref<80x128xf32, #tpu.memory_space<hbm>>) dst(%dma_wait3A_282 : memref<80x128xf32, #tpu.memory_space<vmem>>)
      %dma_wait3A_286 = arith.constant 3 : i32
      %dma_wait3A_287 = arith.constant 0 : i32
      %dma_wait3A_288 = tpu.memref_slice %arg8[%dma_wait3A_286, %dma_wait3A_287] : memref<4x80xi32, #tpu.memory_space<vmem>> -> memref<1x80xi32, #tpu.memory_space<vmem>>
      %dma_wait3A_289 = tpu.memref_squeeze %dma_wait3A_288 : memref<1x80xi32, #tpu.memory_space<vmem>> -> memref<80xi32, #tpu.memory_space<vmem>>
      %dma_wait3A_290 = tpu.memref_slice %arg3[%add3A_270] : memref<160000xi32, #tpu.memory_space<hbm>> -> memref<80xi32, #tpu.memory_space<hbm>>
      %dma_wait3A_291 = arith.constant 0 : i32
      %dma_wait3A_292 = tpu.memref_slice %arg8[%dma_wait3A_286, %dma_wait3A_291] : memref<4x80xi32, #tpu.memory_space<vmem>> -> memref<1x80xi32, #tpu.memory_space<vmem>>
      %dma_wait3A_293 = tpu.memref_squeeze %dma_wait3A_292 : memref<1x80xi32, #tpu.memory_space<vmem>> -> memref<80xi32, #tpu.memory_space<vmem>>
      %dma_wait3A_294 = tpu.memref_slice %arg3[%add3A_270] : memref<160000xi32, #tpu.memory_space<hbm>> -> memref<80xi32, #tpu.memory_space<hbm>>
      tpu.wait_dma2 semaphore(%arg12 : memref<!tpu.dma_semaphore, #tpu.memory_space<semaphore_mem>>) src(%dma_wait3A_294 : memref<80xi32, #tpu.memory_space<hbm>>) dst(%dma_wait3A_293 : memref<80xi32, #tpu.memory_space<vmem>>)
      %dma_start3A_295 = arith.constant 3 : i32
      %dma_start3A_296 = arith.constant 3 : i32
      %dma_start3A_297 = arith.constant 0 : i32
      %dma_start3A_298 = arith.constant 0 : i32
      %dma_start3A_299 = tpu.memref_slice %arg7[%dma_start3A_295, %dma_start3A_297, %dma_start3A_298] : memref<4x80x128xf32, #tpu.memory_space<vmem>> -> memref<1x80x128xf32, #tpu.memory_space<vmem>>
      %dma_start3A_300 = tpu.memref_squeeze %dma_start3A_299 : memref<1x80x128xf32, #tpu.memory_space<vmem>> -> memref<80x128xf32, #tpu.memory_space<vmem>>
      %dma_start3A_301 = arith.constant 0 : i32
      %dma_start3A_302 = tpu.memref_slice %arg8[%dma_start3A_296, %dma_start3A_301] : memref<4x80xi32, #tpu.memory_space<vmem>> -> memref<1x80xi32, #tpu.memory_space<vmem>>
      %dma_start3A_303 = tpu.memref_squeeze %dma_start3A_302 : memref<1x80xi32, #tpu.memory_space<vmem>> -> memref<80xi32, #tpu.memory_space<vmem>>
      %dma_start3A_304 = arith.constant 0 : i32
      %dma_start3A_305 = arith.constant 0 : i32
      %dma_start3A_306 = tpu.memref_slice %arg6[%dma_start3A_304, %dma_start3A_305] : memref<10000x128xf32, #tpu.memory_space<vmem_shared>> -> memref<10000x128xf32, #tpu.memory_space<vmem_shared>>
      tpu.enqueue_indirect_dma source(%dma_start3A_300 : memref<80x128xf32, #tpu.memory_space<vmem>>) target(%dma_start3A_306 : memref<10000x128xf32, #tpu.memory_space<vmem_shared>>) offsets(%dma_start3A_303 : memref<80xi32, #tpu.memory_space<vmem>>) semaphore(%arg16 : memref<!tpu.dma_semaphore, #tpu.memory_space<semaphore_mem>>) {add = true}
      %sub3A_307 = arith.constant 2 : i32
      %sub3A_308 = arith.subi %add3A_265, %sub3A_307 : i32
      %ge3A_309 = arith.constant 0 : i32
      %ge3A_310 = arith.cmpi sge, %sub3A_308, %ge3A_309 : i32
      %convert_element_type3A_311 = arith.extui %ge3A_310 : i1 to i32
      %cond3A_312 = arith.constant 0 : i32
      %cond3A_313 = arith.cmpi ne, %convert_element_type3A_311, %cond3A_312 : i32
      scf.if %cond3A_313 {
        %dma_wait3A_321 = arith.constant 1 : i32
        %dma_wait3A_322 = arith.constant 1 : i32
        %dma_wait3A_323 = arith.constant 0 : i32
        %dma_wait3A_324 = arith.constant 0 : i32
        %dma_wait3A_325 = tpu.memref_slice %arg7[%dma_wait3A_321, %dma_wait3A_323, %dma_wait3A_324] : memref<4x80x128xf32, #tpu.memory_space<vmem>> -> memref<1x80x128xf32, #tpu.memory_space<vmem>>
        %dma_wait3A_326 = tpu.memref_squeeze %dma_wait3A_325 : memref<1x80x128xf32, #tpu.memory_space<vmem>> -> memref<80x128xf32, #tpu.memory_space<vmem>>
        %dma_wait3A_327 = arith.constant 0 : i32
        %dma_wait3A_328 = tpu.memref_slice %arg8[%dma_wait3A_322, %dma_wait3A_327] : memref<4x80xi32, #tpu.memory_space<vmem>> -> memref<1x80xi32, #tpu.memory_space<vmem>>
        %dma_wait3A_329 = tpu.memref_squeeze %dma_wait3A_328 : memref<1x80xi32, #tpu.memory_space<vmem>> -> memref<80xi32, #tpu.memory_space<vmem>>
        %dma_wait3A_330 = arith.constant 0 : i32
        %dma_wait3A_331 = arith.constant 0 : i32
        %dma_wait3A_332 = tpu.memref_slice %arg6[%dma_wait3A_330, %dma_wait3A_331] : memref<10000x128xf32, #tpu.memory_space<vmem_shared>> -> memref<10000x128xf32, #tpu.memory_space<vmem_shared>>
        tpu.wait_indirect_dma semaphore(%arg14 : memref<!tpu.dma_semaphore, #tpu.memory_space<semaphore_mem>>) src(%dma_wait3A_326 : memref<80x128xf32, #tpu.memory_space<vmem>>) dst(%dma_wait3A_332 : memref<10000x128xf32, #tpu.memory_space<vmem_shared>>)
      } else {
      }
      %add3A_314 = arith.constant 2 : i32
      %add3A_315 = arith.addi %add3A_265, %add3A_314 : i32
      %lt3A_316 = arith.constant 40 : i32
      %lt3A_317 = arith.cmpi slt, %add3A_315, %lt3A_316 : i32
      %convert_element_type3A_318 = arith.extui %lt3A_317 : i1 to i32
      %cond3A_319 = arith.constant 0 : i32
      %cond3A_320 = arith.cmpi ne, %convert_element_type3A_318, %cond3A_319 : i32
      scf.if %cond3A_320 {
        %add3A_321 = arith.constant 2 : i32
        %add3A_322 = arith.addi %add3A_265, %add3A_321 : i32
        %mul3A_323 = arith.constant 80 : i32
        %mul3A_324 = arith.muli %add3A_322, %mul3A_323 : i32
        %add3A_325 = arith.addi %mul3A_0, %mul3A_324 : i32
        %add3A_326 = arith.constant 108800 : i32
        %add3A_327 = arith.addi %add3A_326, %add3A_325 : i32
        %dma_start3A_328 = arith.constant 1 : i32
        %dma_start3A_329 = arith.constant 0 : i32
        %dma_start3A_330 = arith.constant 0 : i32
        %dma_start3A_331 = tpu.memref_slice %arg7[%dma_start3A_328, %dma_start3A_329, %dma_start3A_330] : memref<4x80x128xf32, #tpu.memory_space<vmem>> -> memref<1x80x128xf32, #tpu.memory_space<vmem>>
        %dma_start3A_332 = tpu.memref_squeeze %dma_start3A_331 : memref<1x80x128xf32, #tpu.memory_space<vmem>> -> memref<80x128xf32, #tpu.memory_space<vmem>>
        %dma_start3A_333 = arith.constant 0 : i32
        %dma_start3A_334 = tpu.memref_slice %arg2[%arg0, %add3A_325, %dma_start3A_333] : memref<2x51200x128xf32, #tpu.memory_space<hbm>> -> memref<1x80x128xf32, #tpu.memory_space<hbm>>
        %dma_start3A_335 = tpu.memref_squeeze %dma_start3A_334 : memref<1x80x128xf32, #tpu.memory_space<hbm>> -> memref<80x128xf32, #tpu.memory_space<hbm>>
        %dma_start3A_336 = arith.constant 0 : i32
        %dma_start3A_337 = arith.constant 0 : i32
        %dma_start3A_338 = tpu.memref_slice %arg7[%dma_start3A_328, %dma_start3A_336, %dma_start3A_337] : memref<4x80x128xf32, #tpu.memory_space<vmem>> -> memref<1x80x128xf32, #tpu.memory_space<vmem>>
        %dma_start3A_339 = tpu.memref_squeeze %dma_start3A_338 : memref<1x80x128xf32, #tpu.memory_space<vmem>> -> memref<80x128xf32, #tpu.memory_space<vmem>>
        %dma_start3A_340 = arith.constant 0 : i32
        %dma_start3A_341 = tpu.memref_slice %arg2[%arg0, %add3A_325, %dma_start3A_340] : memref<2x51200x128xf32, #tpu.memory_space<hbm>> -> memref<1x80x128xf32, #tpu.memory_space<hbm>>
        %dma_start3A_342 = tpu.memref_squeeze %dma_start3A_341 : memref<1x80x128xf32, #tpu.memory_space<hbm>> -> memref<80x128xf32, #tpu.memory_space<hbm>>
        tpu.enqueue_dma source(%dma_start3A_342 : memref<80x128xf32, #tpu.memory_space<hbm>>) target(%dma_start3A_339 : memref<80x128xf32, #tpu.memory_space<vmem>>) target_semaphore(%arg10 : memref<!tpu.dma_semaphore, #tpu.memory_space<semaphore_mem>>)
        %dma_start3A_343 = arith.constant 1 : i32
        %dma_start3A_344 = arith.constant 0 : i32
        %dma_start3A_345 = tpu.memref_slice %arg8[%dma_start3A_343, %dma_start3A_344] : memref<4x80xi32, #tpu.memory_space<vmem>> -> memref<1x80xi32, #tpu.memory_space<vmem>>
        %dma_start3A_346 = tpu.memref_squeeze %dma_start3A_345 : memref<1x80xi32, #tpu.memory_space<vmem>> -> memref<80xi32, #tpu.memory_space<vmem>>
        %dma_start3A_347 = tpu.memref_slice %arg3[%add3A_327] : memref<160000xi32, #tpu.memory_space<hbm>> -> memref<80xi32, #tpu.memory_space<hbm>>
        %dma_start3A_348 = arith.constant 0 : i32
        %dma_start3A_349 = tpu.memref_slice %arg8[%dma_start3A_343, %dma_start3A_348] : memref<4x80xi32, #tpu.memory_space<vmem>> -> memref<1x80xi32, #tpu.memory_space<vmem>>
        %dma_start3A_350 = tpu.memref_squeeze %dma_start3A_349 : memref<1x80xi32, #tpu.memory_space<vmem>> -> memref<80xi32, #tpu.memory_space<vmem>>
        %dma_start3A_351 = tpu.memref_slice %arg3[%add3A_327] : memref<160000xi32, #tpu.memory_space<hbm>> -> memref<80xi32, #tpu.memory_space<hbm>>
        tpu.enqueue_dma source(%dma_start3A_351 : memref<80xi32, #tpu.memory_space<hbm>>) target(%dma_start3A_350 : memref<80xi32, #tpu.memory_space<vmem>>) target_semaphore(%arg10 : memref<!tpu.dma_semaphore, #tpu.memory_space<semaphore_mem>>)
      } else {
      }
    }
    %scan3A_60 = arith.constant 10 : i32
    %dma_wait3A = arith.constant 2 : i32
    %dma_wait3A_61 = arith.constant 2 : i32
    %dma_wait3A_62 = arith.constant 0 : i32
    %dma_wait3A_63 = arith.constant 0 : i32
    %dma_wait3A_64 = tpu.memref_slice %arg7[%dma_wait3A, %dma_wait3A_62, %dma_wait3A_63] : memref<4x80x128xf32, #tpu.memory_space<vmem>> -> memref<1x80x128xf32, #tpu.memory_space<vmem>>
    %dma_wait3A_65 = tpu.memref_squeeze %dma_wait3A_64 : memref<1x80x128xf32, #tpu.memory_space<vmem>> -> memref<80x128xf32, #tpu.memory_space<vmem>>
    %dma_wait3A_66 = arith.constant 0 : i32
    %dma_wait3A_67 = tpu.memref_slice %arg8[%dma_wait3A_61, %dma_wait3A_66] : memref<4x80xi32, #tpu.memory_space<vmem>> -> memref<1x80xi32, #tpu.memory_space<vmem>>
    %dma_wait3A_68 = tpu.memref_squeeze %dma_wait3A_67 : memref<1x80xi32, #tpu.memory_space<vmem>> -> memref<80xi32, #tpu.memory_space<vmem>>
    %dma_wait3A_69 = arith.constant 0 : i32
    %dma_wait3A_70 = arith.constant 0 : i32
    %dma_wait3A_71 = tpu.memref_slice %arg6[%dma_wait3A_69, %dma_wait3A_70] : memref<10000x128xf32, #tpu.memory_space<vmem_shared>> -> memref<10000x128xf32, #tpu.memory_space<vmem_shared>>
    tpu.wait_indirect_dma semaphore(%arg15 : memref<!tpu.dma_semaphore, #tpu.memory_space<semaphore_mem>>) src(%dma_wait3A_65 : memref<80x128xf32, #tpu.memory_space<vmem>>) dst(%dma_wait3A_71 : memref<10000x128xf32, #tpu.memory_space<vmem_shared>>)
    %dma_wait3A_72 = arith.constant 3 : i32
    %dma_wait3A_73 = arith.constant 3 : i32
    %dma_wait3A_74 = arith.constant 0 : i32
    %dma_wait3A_75 = arith.constant 0 : i32
    %dma_wait3A_76 = tpu.memref_slice %arg7[%dma_wait3A_72, %dma_wait3A_74, %dma_wait3A_75] : memref<4x80x128xf32, #tpu.memory_space<vmem>> -> memref<1x80x128xf32, #tpu.memory_space<vmem>>
    %dma_wait3A_77 = tpu.memref_squeeze %dma_wait3A_76 : memref<1x80x128xf32, #tpu.memory_space<vmem>> -> memref<80x128xf32, #tpu.memory_space<vmem>>
    %dma_wait3A_78 = arith.constant 0 : i32
    %dma_wait3A_79 = tpu.memref_slice %arg8[%dma_wait3A_73, %dma_wait3A_78] : memref<4x80xi32, #tpu.memory_space<vmem>> -> memref<1x80xi32, #tpu.memory_space<vmem>>
    %dma_wait3A_80 = tpu.memref_squeeze %dma_wait3A_79 : memref<1x80xi32, #tpu.memory_space<vmem>> -> memref<80xi32, #tpu.memory_space<vmem>>
    %dma_wait3A_81 = arith.constant 0 : i32
    %dma_wait3A_82 = arith.constant 0 : i32
    %dma_wait3A_83 = tpu.memref_slice %arg6[%dma_wait3A_81, %dma_wait3A_82] : memref<10000x128xf32, #tpu.memory_space<vmem_shared>> -> memref<10000x128xf32, #tpu.memory_space<vmem_shared>>
    tpu.wait_indirect_dma semaphore(%arg16 : memref<!tpu.dma_semaphore, #tpu.memory_space<semaphore_mem>>) src(%dma_wait3A_77 : memref<80x128xf32, #tpu.memory_space<vmem>>) dst(%dma_wait3A_83 : memref<10000x128xf32, #tpu.memory_space<vmem_shared>>)
    %barrier3A_84 = arith.constant 0 : index
    tpu.barrier barrier_id(%barrier3A_84)
    %lt3A_85 = arith.constant 5 : i32
    %lt3A_86 = arith.cmpi slt, %arg1, %lt3A_85 : i32
    %convert_element_type3A_87 = arith.extui %lt3A_86 : i1 to i32
    %cond3A_88 = arith.constant 0 : i32
    %cond3A_89 = arith.cmpi ne, %convert_element_type3A_87, %cond3A_88 : i32
    scf.if %cond3A_89 {
      %mul3A_90 = arith.constant 2000 : i32
      %mul3A_91 = arith.muli %arg1, %mul3A_90 : i32
      %mul3A_92 = arith.constant 2000 : i32
      %mul3A_93 = arith.muli %arg1, %mul3A_92 : i32
      "tpu.region"() ({
        %run_scoped3A = tpu.sem_alloc : memref<!tpu.dma_semaphore, #tpu.memory_space<semaphore_mem>>
        %dma_start3A_94 = arith.constant 0 : i32
        %dma_start3A_95 = tpu.memref_slice %arg5[%arg0, %mul3A_93, %dma_start3A_94] : memref<2x10000x128xf32, #tpu.memory_space<hbm>> -> memref<1x2000x128xf32, #tpu.memory_space<hbm>>
        %dma_start3A_96 = tpu.memref_squeeze %dma_start3A_95 : memref<1x2000x128xf32, #tpu.memory_space<hbm>> -> memref<2000x128xf32, #tpu.memory_space<hbm>>
        %dma_start3A_97 = arith.constant 0 : i32
        %dma_start3A_98 = tpu.memref_slice %arg6[%mul3A_91, %dma_start3A_97] : memref<10000x128xf32, #tpu.memory_space<vmem_shared>> -> memref<2000x128xf32, #tpu.memory_space<vmem_shared>>
        tpu.enqueue_dma source(%dma_start3A_98 : memref<2000x128xf32, #tpu.memory_space<vmem_shared>>) target(%dma_start3A_96 : memref<2000x128xf32, #tpu.memory_space<hbm>>) target_semaphore(%run_scoped3A : memref<!tpu.dma_semaphore, #tpu.memory_space<semaphore_mem>>)
        %dma_wait3A_99 = arith.constant 0 : i32
        %dma_wait3A_100 = tpu.memref_slice %arg5[%arg0, %mul3A_93, %dma_wait3A_99] : memref<2x10000x128xf32, #tpu.memory_space<hbm>> -> memref<1x2000x128xf32, #tpu.memory_space<hbm>>
        %dma_wait3A_101 = tpu.memref_squeeze %dma_wait3A_100 : memref<1x2000x128xf32, #tpu.memory_space<hbm>> -> memref<2000x128xf32, #tpu.memory_space<hbm>>
        %dma_wait3A_102 = arith.constant 0 : i32
        %dma_wait3A_103 = tpu.memref_slice %arg6[%mul3A_91, %dma_wait3A_102] : memref<10000x128xf32, #tpu.memory_space<vmem_shared>> -> memref<2000x128xf32, #tpu.memory_space<vmem_shared>>
        tpu.wait_dma2 semaphore(%run_scoped3A : memref<!tpu.dma_semaphore, #tpu.memory_space<semaphore_mem>>) src(%dma_wait3A_103 : memref<2000x128xf32, #tpu.memory_space<vmem_shared>>) dst(%dma_wait3A_101 : memref<2000x128xf32, #tpu.memory_space<hbm>>)
        tpu.yield
      }) : () -> ()
    } else {
    }
    return
  }
}

module attributes {stable_mosaic.version = 14 : i64} {
  func.func @_phi_body(%arg0: i32, %arg1: memref<3200x256xf32, #tpu.memory_space<vmem>>, %arg2: memref<256x256xbf16, #tpu.memory_space<vmem>>, %arg3: memref<1x256xf32, #tpu.memory_space<vmem>>, %arg4: memref<256x256xbf16, #tpu.memory_space<vmem>>, %arg5: memref<1x256xf32, #tpu.memory_space<vmem>>, %arg6: memref<2x3200x128xf32, #tpu.memory_space<vmem>>) attributes {dimension_semantics = [#tpu.dimension_semantics<arbitrary>], iteration_bounds = array<i64: 18>, scalar_prefetch = 0 : i64, scratch_operands = 0 : i64, tpu.core_type = #tpu.core_type<tc>, window_params = [{transform_indices = @transform_0, window_bounds = array<i64: 3200, 256>}, {pipeline_mode = #tpu.pipeline_mode<synchronous>, transform_indices = @transform_1, window_bounds = array<i64: 256, 256>}, {pipeline_mode = #tpu.pipeline_mode<synchronous>, transform_indices = @transform_2, window_bounds = array<i64: 1, 256>}, {pipeline_mode = #tpu.pipeline_mode<synchronous>, transform_indices = @transform_3, window_bounds = array<i64: 256, 256>}, {pipeline_mode = #tpu.pipeline_mode<synchronous>, transform_indices = @transform_4, window_bounds = array<i64: 1, 256>}, {transform_indices = @transform_5, window_bounds = array<i64: 2, 3200, 128>}]} {
    %get3A = arith.constant 0 : index
    %get3A_0 = arith.constant 0 : index
    %get3A_1 = vector.load %arg1[%get3A, %get3A_0] : memref<3200x256xf32, #tpu.memory_space<vmem>>, vector<3200x256xf32>
    %convert_element_type3A = arith.truncf %get3A_1 : vector<3200x256xf32> to vector<3200x256xbf16>
    %get3A_2 = arith.constant 0 : index
    %get3A_3 = arith.constant 0 : index
    %get3A_4 = vector.load %arg2[%get3A_2, %get3A_3] : memref<256x256xbf16, #tpu.memory_space<vmem>>, vector<256x256xbf16>
    %dot_general3A = arith.constant dense<0.000000e+00> : vector<3200x256xf32>
    %dot_general3A_5 = tpu.matmul %convert_element_type3A, %get3A_4, %dot_general3A {dimension_numbers = #tpu.dot_dimension_numbers<[1], [0], [0], [1], [0, 0, 1, 1], [], []>, transpose_lhs_hint = false} : vector<3200x256xbf16>, vector<256x256xbf16>, vector<3200x256xf32> -> vector<3200x256xf32>
    %get3A_6 = arith.constant 0 : index
    %get3A_7 = arith.constant 0 : index
    %get3A_8 = vector.load %arg3[%get3A_6, %get3A_7] : memref<1x256xf32, #tpu.memory_space<vmem>>, vector<1x256xf32>
    %add3A = vector.broadcast %get3A_8 : vector<1x256xf32> to vector<3200x256xf32>
    %add3A_9 = arith.addf %dot_general3A_5, %add3A : vector<3200x256xf32>
    %max3A = arith.constant 0.000000e+00 : f32
    %max3A_10 = vector.broadcast %max3A : f32 to vector<3200x256xf32>
    %max3A_11 = arith.maximumf %add3A_9, %max3A_10 : vector<3200x256xf32>
    %convert_element_type3A_12 = arith.truncf %max3A_11 : vector<3200x256xf32> to vector<3200x256xbf16>
    %get3A_13 = arith.constant 0 : index
    %get3A_14 = arith.constant 0 : index
    %get3A_15 = vector.load %arg4[%get3A_13, %get3A_14] : memref<256x256xbf16, #tpu.memory_space<vmem>>, vector<256x256xbf16>
    %dot_general3A_16 = arith.constant dense<0.000000e+00> : vector<3200x256xf32>
    %dot_general3A_17 = tpu.matmul %convert_element_type3A_12, %get3A_15, %dot_general3A_16 {dimension_numbers = #tpu.dot_dimension_numbers<[1], [0], [0], [1], [0, 0, 1, 1], [], []>, transpose_lhs_hint = false} : vector<3200x256xbf16>, vector<256x256xbf16>, vector<3200x256xf32> -> vector<3200x256xf32>
    %get3A_18 = arith.constant 0 : index
    %get3A_19 = arith.constant 0 : index
    %get3A_20 = vector.load %arg5[%get3A_18, %get3A_19] : memref<1x256xf32, #tpu.memory_space<vmem>>, vector<1x256xf32>
    %add3A_21 = vector.broadcast %get3A_20 : vector<1x256xf32> to vector<3200x256xf32>
    %add3A_22 = arith.addf %dot_general3A_17, %add3A_21 : vector<3200x256xf32>
    %slice3A = vector.extract_strided_slice %add3A_22 {offsets = [0, 0], sizes = [3200, 128], strides = [1, 1]} : vector<3200x256xf32> to vector<3200x128xf32>
    %swap3A = arith.constant 0 : index
    %swap3A_23 = arith.constant 0 : index
    %swap3A_24 = arith.constant 0 : index
    %swap3A_25 = vector.load %arg6[%swap3A, %swap3A_23, %swap3A_24] : memref<2x3200x128xf32, #tpu.memory_space<vmem>>, vector<1x3200x128xf32>
    %swap3A_26 = vector.shape_cast %swap3A_25 : vector<1x3200x128xf32> to vector<3200x128xf32>
    %swap3A_27 = vector.shape_cast %slice3A : vector<3200x128xf32> to vector<1x3200x128xf32>
    tpu.vector_store %arg6[%swap3A, %swap3A_23, %swap3A_24], %swap3A_27 {strides = array<i32>} : memref<2x3200x128xf32, #tpu.memory_space<vmem>>, vector<1x3200x128xf32>,
    %slice3A_28 = vector.extract_strided_slice %add3A_22 {offsets = [0, 128], sizes = [3200, 128], strides = [1, 1]} : vector<3200x256xf32> to vector<3200x128xf32>
    %swap3A_29 = arith.constant 1 : index
    %swap3A_30 = arith.constant 0 : index
    %swap3A_31 = arith.constant 0 : index
    %swap3A_32 = vector.load %arg6[%swap3A_29, %swap3A_30, %swap3A_31] : memref<2x3200x128xf32, #tpu.memory_space<vmem>>, vector<1x3200x128xf32>
    %swap3A_33 = vector.shape_cast %swap3A_32 : vector<1x3200x128xf32> to vector<3200x128xf32>
    %swap3A_34 = vector.shape_cast %slice3A_28 : vector<3200x128xf32> to vector<1x3200x128xf32>
    tpu.vector_store %arg6[%swap3A_29, %swap3A_30, %swap3A_31], %swap3A_34 {strides = array<i32>} : memref<2x3200x128xf32, #tpu.memory_space<vmem>>, vector<1x3200x128xf32>,
    return
  }
  func.func @transform_0(%arg0: i32) -> (i32, i32) {
    %add3A = arith.constant 0 : i32
    %add3A_0 = arith.addi %add3A, %arg0 : i32
    %c0_i32 = arith.constant 0 : i32
    %c0_i32_1 = arith.constant 0 : i32
    return %add3A_0, %c0_i32 : i32, i32
  }
  func.func @transform_1(%arg0: i32) -> (i32, i32) {
    %c0_i32 = arith.constant 0 : i32
    %c0_i32_0 = arith.constant 0 : i32
    %c0_i32_1 = arith.constant 0 : i32
    return %c0_i32, %c0_i32_0 : i32, i32
  }
  func.func @transform_2(%arg0: i32) -> (i32, i32) {
    %c0_i32 = arith.constant 0 : i32
    %c0_i32_0 = arith.constant 0 : i32
    %c0_i32_1 = arith.constant 0 : i32
    return %c0_i32, %c0_i32_0 : i32, i32
  }
  func.func @transform_3(%arg0: i32) -> (i32, i32) {
    %c0_i32 = arith.constant 0 : i32
    %c0_i32_0 = arith.constant 0 : i32
    %c0_i32_1 = arith.constant 0 : i32
    return %c0_i32, %c0_i32_0 : i32, i32
  }
  func.func @transform_4(%arg0: i32) -> (i32, i32) {
    %c0_i32 = arith.constant 0 : i32
    %c0_i32_0 = arith.constant 0 : i32
    %c0_i32_1 = arith.constant 0 : i32
    return %c0_i32, %c0_i32_0 : i32, i32
  }
  func.func @transform_5(%arg0: i32) -> (i32, i32, i32) {
    %c0_i32 = arith.constant 0 : i32
    %c0_i32_0 = arith.constant 0 : i32
    %c0_i32_1 = arith.constant 0 : i32
    return %c0_i32, %arg0, %c0_i32_0 : i32, i32, i32
  }
}

module attributes {stable_mosaic.version = 14 : i64} {
  func.func @_phi_body(%arg0: i32, %arg1: memref<3200x256xf32, #tpu.memory_space<vmem>>, %arg2: memref<256x256xbf16, #tpu.memory_space<vmem>>, %arg3: memref<1x256xf32, #tpu.memory_space<vmem>>, %arg4: memref<256x256xbf16, #tpu.memory_space<vmem>>, %arg5: memref<1x256xf32, #tpu.memory_space<vmem>>, %arg6: memref<2x3200x128xf32, #tpu.memory_space<vmem>>) attributes {dimension_semantics = [#tpu.dimension_semantics<arbitrary>], iteration_bounds = array<i64: 16>, scalar_prefetch = 0 : i64, scratch_operands = 0 : i64, tpu.core_type = #tpu.core_type<tc>, window_params = [{transform_indices = @transform_0, window_bounds = array<i64: 3200, 256>}, {pipeline_mode = #tpu.pipeline_mode<synchronous>, transform_indices = @transform_1, window_bounds = array<i64: 256, 256>}, {pipeline_mode = #tpu.pipeline_mode<synchronous>, transform_indices = @transform_2, window_bounds = array<i64: 1, 256>}, {pipeline_mode = #tpu.pipeline_mode<synchronous>, transform_indices = @transform_3, window_bounds = array<i64: 256, 256>}, {pipeline_mode = #tpu.pipeline_mode<synchronous>, transform_indices = @transform_4, window_bounds = array<i64: 1, 256>}, {transform_indices = @transform_5, window_bounds = array<i64: 2, 3200, 128>}]} {
    %get3A = arith.constant 0 : index
    %get3A_0 = arith.constant 0 : index
    %get3A_1 = vector.load %arg1[%get3A, %get3A_0] : memref<3200x256xf32, #tpu.memory_space<vmem>>, vector<3200x256xf32>
    %convert_element_type3A = arith.truncf %get3A_1 : vector<3200x256xf32> to vector<3200x256xbf16>
    %get3A_2 = arith.constant 0 : index
    %get3A_3 = arith.constant 0 : index
    %get3A_4 = vector.load %arg2[%get3A_2, %get3A_3] : memref<256x256xbf16, #tpu.memory_space<vmem>>, vector<256x256xbf16>
    %dot_general3A = arith.constant dense<0.000000e+00> : vector<3200x256xf32>
    %dot_general3A_5 = tpu.matmul %convert_element_type3A, %get3A_4, %dot_general3A {dimension_numbers = #tpu.dot_dimension_numbers<[1], [0], [0], [1], [0, 0, 1, 1], [], []>, transpose_lhs_hint = false} : vector<3200x256xbf16>, vector<256x256xbf16>, vector<3200x256xf32> -> vector<3200x256xf32>
    %get3A_6 = arith.constant 0 : index
    %get3A_7 = arith.constant 0 : index
    %get3A_8 = vector.load %arg3[%get3A_6, %get3A_7] : memref<1x256xf32, #tpu.memory_space<vmem>>, vector<1x256xf32>
    %add3A = vector.broadcast %get3A_8 : vector<1x256xf32> to vector<3200x256xf32>
    %add3A_9 = arith.addf %dot_general3A_5, %add3A : vector<3200x256xf32>
    %max3A = arith.constant 0.000000e+00 : f32
    %max3A_10 = vector.broadcast %max3A : f32 to vector<3200x256xf32>
    %max3A_11 = arith.maximumf %add3A_9, %max3A_10 : vector<3200x256xf32>
    %convert_element_type3A_12 = arith.truncf %max3A_11 : vector<3200x256xf32> to vector<3200x256xbf16>
    %get3A_13 = arith.constant 0 : index
    %get3A_14 = arith.constant 0 : index
    %get3A_15 = vector.load %arg4[%get3A_13, %get3A_14] : memref<256x256xbf16, #tpu.memory_space<vmem>>, vector<256x256xbf16>
    %dot_general3A_16 = arith.constant dense<0.000000e+00> : vector<3200x256xf32>
    %dot_general3A_17 = tpu.matmul %convert_element_type3A_12, %get3A_15, %dot_general3A_16 {dimension_numbers = #tpu.dot_dimension_numbers<[1], [0], [0], [1], [0, 0, 1, 1], [], []>, transpose_lhs_hint = false} : vector<3200x256xbf16>, vector<256x256xbf16>, vector<3200x256xf32> -> vector<3200x256xf32>
    %get3A_18 = arith.constant 0 : index
    %get3A_19 = arith.constant 0 : index
    %get3A_20 = vector.load %arg5[%get3A_18, %get3A_19] : memref<1x256xf32, #tpu.memory_space<vmem>>, vector<1x256xf32>
    %add3A_21 = vector.broadcast %get3A_20 : vector<1x256xf32> to vector<3200x256xf32>
    %add3A_22 = arith.addf %dot_general3A_17, %add3A_21 : vector<3200x256xf32>
    %slice3A = vector.extract_strided_slice %add3A_22 {offsets = [0, 0], sizes = [3200, 128], strides = [1, 1]} : vector<3200x256xf32> to vector<3200x128xf32>
    %swap3A = arith.constant 0 : index
    %swap3A_23 = arith.constant 0 : index
    %swap3A_24 = arith.constant 0 : index
    %swap3A_25 = vector.load %arg6[%swap3A, %swap3A_23, %swap3A_24] : memref<2x3200x128xf32, #tpu.memory_space<vmem>>, vector<1x3200x128xf32>
    %swap3A_26 = vector.shape_cast %swap3A_25 : vector<1x3200x128xf32> to vector<3200x128xf32>
    %swap3A_27 = vector.shape_cast %slice3A : vector<3200x128xf32> to vector<1x3200x128xf32>
    tpu.vector_store %arg6[%swap3A, %swap3A_23, %swap3A_24], %swap3A_27 {strides = array<i32>} : memref<2x3200x128xf32, #tpu.memory_space<vmem>>, vector<1x3200x128xf32>,
    %slice3A_28 = vector.extract_strided_slice %add3A_22 {offsets = [0, 128], sizes = [3200, 128], strides = [1, 1]} : vector<3200x256xf32> to vector<3200x128xf32>
    %swap3A_29 = arith.constant 1 : index
    %swap3A_30 = arith.constant 0 : index
    %swap3A_31 = arith.constant 0 : index
    %swap3A_32 = vector.load %arg6[%swap3A_29, %swap3A_30, %swap3A_31] : memref<2x3200x128xf32, #tpu.memory_space<vmem>>, vector<1x3200x128xf32>
    %swap3A_33 = vector.shape_cast %swap3A_32 : vector<1x3200x128xf32> to vector<3200x128xf32>
    %swap3A_34 = vector.shape_cast %slice3A_28 : vector<3200x128xf32> to vector<1x3200x128xf32>
    tpu.vector_store %arg6[%swap3A_29, %swap3A_30, %swap3A_31], %swap3A_34 {strides = array<i32>} : memref<2x3200x128xf32, #tpu.memory_space<vmem>>, vector<1x3200x128xf32>,
    return
  }
  func.func @transform_0(%arg0: i32) -> (i32, i32) {
    %add3A = arith.constant 34 : i32
    %add3A_0 = arith.addi %add3A, %arg0 : i32
    %c0_i32 = arith.constant 0 : i32
    %c0_i32_1 = arith.constant 0 : i32
    return %add3A_0, %c0_i32 : i32, i32
  }
  func.func @transform_1(%arg0: i32) -> (i32, i32) {
    %c0_i32 = arith.constant 0 : i32
    %c0_i32_0 = arith.constant 0 : i32
    %c0_i32_1 = arith.constant 0 : i32
    return %c0_i32, %c0_i32_0 : i32, i32
  }
  func.func @transform_2(%arg0: i32) -> (i32, i32) {
    %c0_i32 = arith.constant 0 : i32
    %c0_i32_0 = arith.constant 0 : i32
    %c0_i32_1 = arith.constant 0 : i32
    return %c0_i32, %c0_i32_0 : i32, i32
  }
  func.func @transform_3(%arg0: i32) -> (i32, i32) {
    %c0_i32 = arith.constant 0 : i32
    %c0_i32_0 = arith.constant 0 : i32
    %c0_i32_1 = arith.constant 0 : i32
    return %c0_i32, %c0_i32_0 : i32, i32
  }
  func.func @transform_4(%arg0: i32) -> (i32, i32) {
    %c0_i32 = arith.constant 0 : i32
    %c0_i32_0 = arith.constant 0 : i32
    %c0_i32_1 = arith.constant 0 : i32
    return %c0_i32, %c0_i32_0 : i32, i32
  }
  func.func @transform_5(%arg0: i32) -> (i32, i32, i32) {
    %c0_i32 = arith.constant 0 : i32
    %c0_i32_0 = arith.constant 0 : i32
    %c0_i32_1 = arith.constant 0 : i32
    return %c0_i32, %arg0, %c0_i32_0 : i32, i32, i32
  }
}

module attributes {stable_mosaic.version = 14 : i64} {
  func.func @_phi_body(%arg0: i32, %arg1: memref<3200x256xf32, #tpu.memory_space<vmem>>, %arg2: memref<256x256xbf16, #tpu.memory_space<vmem>>, %arg3: memref<1x256xf32, #tpu.memory_space<vmem>>, %arg4: memref<256x256xbf16, #tpu.memory_space<vmem>>, %arg5: memref<1x256xf32, #tpu.memory_space<vmem>>, %arg6: memref<2x3200x128xf32, #tpu.memory_space<vmem>>) attributes {dimension_semantics = [#tpu.dimension_semantics<arbitrary>], iteration_bounds = array<i64: 16>, scalar_prefetch = 0 : i64, scratch_operands = 0 : i64, tpu.core_type = #tpu.core_type<tc>, window_params = [{transform_indices = @transform_0, window_bounds = array<i64: 3200, 256>}, {pipeline_mode = #tpu.pipeline_mode<synchronous>, transform_indices = @transform_1, window_bounds = array<i64: 256, 256>}, {pipeline_mode = #tpu.pipeline_mode<synchronous>, transform_indices = @transform_2, window_bounds = array<i64: 1, 256>}, {pipeline_mode = #tpu.pipeline_mode<synchronous>, transform_indices = @transform_3, window_bounds = array<i64: 256, 256>}, {pipeline_mode = #tpu.pipeline_mode<synchronous>, transform_indices = @transform_4, window_bounds = array<i64: 1, 256>}, {transform_indices = @transform_5, window_bounds = array<i64: 2, 3200, 128>}]} {
    %get3A = arith.constant 0 : index
    %get3A_0 = arith.constant 0 : index
    %get3A_1 = vector.load %arg1[%get3A, %get3A_0] : memref<3200x256xf32, #tpu.memory_space<vmem>>, vector<3200x256xf32>
    %convert_element_type3A = arith.truncf %get3A_1 : vector<3200x256xf32> to vector<3200x256xbf16>
    %get3A_2 = arith.constant 0 : index
    %get3A_3 = arith.constant 0 : index
    %get3A_4 = vector.load %arg2[%get3A_2, %get3A_3] : memref<256x256xbf16, #tpu.memory_space<vmem>>, vector<256x256xbf16>
    %dot_general3A = arith.constant dense<0.000000e+00> : vector<3200x256xf32>
    %dot_general3A_5 = tpu.matmul %convert_element_type3A, %get3A_4, %dot_general3A {dimension_numbers = #tpu.dot_dimension_numbers<[1], [0], [0], [1], [0, 0, 1, 1], [], []>, transpose_lhs_hint = false} : vector<3200x256xbf16>, vector<256x256xbf16>, vector<3200x256xf32> -> vector<3200x256xf32>
    %get3A_6 = arith.constant 0 : index
    %get3A_7 = arith.constant 0 : index
    %get3A_8 = vector.load %arg3[%get3A_6, %get3A_7] : memref<1x256xf32, #tpu.memory_space<vmem>>, vector<1x256xf32>
    %add3A = vector.broadcast %get3A_8 : vector<1x256xf32> to vector<3200x256xf32>
    %add3A_9 = arith.addf %dot_general3A_5, %add3A : vector<3200x256xf32>
    %max3A = arith.constant 0.000000e+00 : f32
    %max3A_10 = vector.broadcast %max3A : f32 to vector<3200x256xf32>
    %max3A_11 = arith.maximumf %add3A_9, %max3A_10 : vector<3200x256xf32>
    %convert_element_type3A_12 = arith.truncf %max3A_11 : vector<3200x256xf32> to vector<3200x256xbf16>
    %get3A_13 = arith.constant 0 : index
    %get3A_14 = arith.constant 0 : index
    %get3A_15 = vector.load %arg4[%get3A_13, %get3A_14] : memref<256x256xbf16, #tpu.memory_space<vmem>>, vector<256x256xbf16>
    %dot_general3A_16 = arith.constant dense<0.000000e+00> : vector<3200x256xf32>
    %dot_general3A_17 = tpu.matmul %convert_element_type3A_12, %get3A_15, %dot_general3A_16 {dimension_numbers = #tpu.dot_dimension_numbers<[1], [0], [0], [1], [0, 0, 1, 1], [], []>, transpose_lhs_hint = false} : vector<3200x256xbf16>, vector<256x256xbf16>, vector<3200x256xf32> -> vector<3200x256xf32>
    %get3A_18 = arith.constant 0 : index
    %get3A_19 = arith.constant 0 : index
    %get3A_20 = vector.load %arg5[%get3A_18, %get3A_19] : memref<1x256xf32, #tpu.memory_space<vmem>>, vector<1x256xf32>
    %add3A_21 = vector.broadcast %get3A_20 : vector<1x256xf32> to vector<3200x256xf32>
    %add3A_22 = arith.addf %dot_general3A_17, %add3A_21 : vector<3200x256xf32>
    %slice3A = vector.extract_strided_slice %add3A_22 {offsets = [0, 0], sizes = [3200, 128], strides = [1, 1]} : vector<3200x256xf32> to vector<3200x128xf32>
    %swap3A = arith.constant 0 : index
    %swap3A_23 = arith.constant 0 : index
    %swap3A_24 = arith.constant 0 : index
    %swap3A_25 = vector.load %arg6[%swap3A, %swap3A_23, %swap3A_24] : memref<2x3200x128xf32, #tpu.memory_space<vmem>>, vector<1x3200x128xf32>
    %swap3A_26 = vector.shape_cast %swap3A_25 : vector<1x3200x128xf32> to vector<3200x128xf32>
    %swap3A_27 = vector.shape_cast %slice3A : vector<3200x128xf32> to vector<1x3200x128xf32>
    tpu.vector_store %arg6[%swap3A, %swap3A_23, %swap3A_24], %swap3A_27 {strides = array<i32>} : memref<2x3200x128xf32, #tpu.memory_space<vmem>>, vector<1x3200x128xf32>,
    %slice3A_28 = vector.extract_strided_slice %add3A_22 {offsets = [0, 128], sizes = [3200, 128], strides = [1, 1]} : vector<3200x256xf32> to vector<3200x128xf32>
    %swap3A_29 = arith.constant 1 : index
    %swap3A_30 = arith.constant 0 : index
    %swap3A_31 = arith.constant 0 : index
    %swap3A_32 = vector.load %arg6[%swap3A_29, %swap3A_30, %swap3A_31] : memref<2x3200x128xf32, #tpu.memory_space<vmem>>, vector<1x3200x128xf32>
    %swap3A_33 = vector.shape_cast %swap3A_32 : vector<1x3200x128xf32> to vector<3200x128xf32>
    %swap3A_34 = vector.shape_cast %slice3A_28 : vector<3200x128xf32> to vector<1x3200x128xf32>
    tpu.vector_store %arg6[%swap3A_29, %swap3A_30, %swap3A_31], %swap3A_34 {strides = array<i32>} : memref<2x3200x128xf32, #tpu.memory_space<vmem>>, vector<1x3200x128xf32>,
    return
  }
  func.func @transform_0(%arg0: i32) -> (i32, i32) {
    %add3A = arith.constant 18 : i32
    %add3A_0 = arith.addi %add3A, %arg0 : i32
    %c0_i32 = arith.constant 0 : i32
    %c0_i32_1 = arith.constant 0 : i32
    return %add3A_0, %c0_i32 : i32, i32
  }
  func.func @transform_1(%arg0: i32) -> (i32, i32) {
    %c0_i32 = arith.constant 0 : i32
    %c0_i32_0 = arith.constant 0 : i32
    %c0_i32_1 = arith.constant 0 : i32
    return %c0_i32, %c0_i32_0 : i32, i32
  }
  func.func @transform_2(%arg0: i32) -> (i32, i32) {
    %c0_i32 = arith.constant 0 : i32
    %c0_i32_0 = arith.constant 0 : i32
    %c0_i32_1 = arith.constant 0 : i32
    return %c0_i32, %c0_i32_0 : i32, i32
  }
  func.func @transform_3(%arg0: i32) -> (i32, i32) {
    %c0_i32 = arith.constant 0 : i32
    %c0_i32_0 = arith.constant 0 : i32
    %c0_i32_1 = arith.constant 0 : i32
    return %c0_i32, %c0_i32_0 : i32, i32
  }
  func.func @transform_4(%arg0: i32) -> (i32, i32) {
    %c0_i32 = arith.constant 0 : i32
    %c0_i32_0 = arith.constant 0 : i32
    %c0_i32_1 = arith.constant 0 : i32
    return %c0_i32, %c0_i32_0 : i32, i32
  }
  func.func @transform_5(%arg0: i32) -> (i32, i32, i32) {
    %c0_i32 = arith.constant 0 : i32
    %c0_i32_0 = arith.constant 0 : i32
    %c0_i32_1 = arith.constant 0 : i32
    return %c0_i32, %arg0, %c0_i32_0 : i32, i32, i32
  }
}

module attributes {stable_mosaic.version = 14 : i64} {
  func.func @_rho_body(%arg0: i32, %arg1: memref<2x1000x128xf32, #tpu.memory_space<vmem>>, %arg2: memref<2x1000x128xf32, #tpu.memory_space<vmem>>, %arg3: memref<2x1000x128xf32, #tpu.memory_space<vmem>>, %arg4: memref<256x256xf32, #tpu.memory_space<vmem>>, %arg5: memref<1x256xf32, #tpu.memory_space<vmem>>, %arg6: memref<256x128xf32, #tpu.memory_space<vmem>>, %arg7: memref<1x128xf32, #tpu.memory_space<vmem>>, %arg8: memref<1000x128xf32, #tpu.memory_space<vmem>>) attributes {dimension_semantics = [#tpu.dimension_semantics<arbitrary>], iteration_bounds = array<i64: 10>, scalar_prefetch = 0 : i64, scratch_operands = 0 : i64, tpu.core_type = #tpu.core_type<tc>, window_params = [{transform_indices = @transform_0, window_bounds = array<i64: 2, 1000, 128>}, {transform_indices = @transform_1, window_bounds = array<i64: 2, 1000, 128>}, {transform_indices = @transform_2, window_bounds = array<i64: 2, 1000, 128>}, {pipeline_mode = #tpu.pipeline_mode<synchronous>, transform_indices = @transform_3, window_bounds = array<i64: 256, 256>}, {pipeline_mode = #tpu.pipeline_mode<synchronous>, transform_indices = @transform_4, window_bounds = array<i64: 1, 256>}, {pipeline_mode = #tpu.pipeline_mode<synchronous>, transform_indices = @transform_5, window_bounds = array<i64: 256, 128>}, {pipeline_mode = #tpu.pipeline_mode<synchronous>, transform_indices = @transform_6, window_bounds = array<i64: 1, 128>}, {transform_indices = @transform_7, window_bounds = array<i64: 1000, 128>}]} {
    %get3A = arith.constant 0 : index
    %get3A_0 = arith.constant 0 : index
    %get3A_1 = arith.constant 0 : index
    %get3A_2 = vector.load %arg1[%get3A, %get3A_0, %get3A_1] : memref<2x1000x128xf32, #tpu.memory_space<vmem>>, vector<1x1000x128xf32>
    %get3A_3 = vector.shape_cast %get3A_2 : vector<1x1000x128xf32> to vector<1000x128xf32>
    %get3A_4 = arith.constant 1 : index
    %get3A_5 = arith.constant 0 : index
    %get3A_6 = arith.constant 0 : index
    %get3A_7 = vector.load %arg1[%get3A_4, %get3A_5, %get3A_6] : memref<2x1000x128xf32, #tpu.memory_space<vmem>>, vector<1x1000x128xf32>
    %get3A_8 = vector.shape_cast %get3A_7 : vector<1x1000x128xf32> to vector<1000x128xf32>
    %get3A_9 = arith.constant 0 : index
    %get3A_10 = arith.constant 0 : index
    %get3A_11 = arith.constant 0 : index
    %get3A_12 = vector.load %arg2[%get3A_9, %get3A_10, %get3A_11] : memref<2x1000x128xf32, #tpu.memory_space<vmem>>, vector<1x1000x128xf32>
    %get3A_13 = vector.shape_cast %get3A_12 : vector<1x1000x128xf32> to vector<1000x128xf32>
    %add3A = arith.addf %get3A_3, %get3A_13 : vector<1000x128xf32>
    %get3A_14 = arith.constant 1 : index
    %get3A_15 = arith.constant 0 : index
    %get3A_16 = arith.constant 0 : index
    %get3A_17 = vector.load %arg2[%get3A_14, %get3A_15, %get3A_16] : memref<2x1000x128xf32, #tpu.memory_space<vmem>>, vector<1x1000x128xf32>
    %get3A_18 = vector.shape_cast %get3A_17 : vector<1x1000x128xf32> to vector<1000x128xf32>
    %add3A_19 = arith.addf %get3A_8, %get3A_18 : vector<1000x128xf32>
    %get3A_20 = arith.constant 0 : index
    %get3A_21 = arith.constant 0 : index
    %get3A_22 = arith.constant 0 : index
    %get3A_23 = vector.load %arg3[%get3A_20, %get3A_21, %get3A_22] : memref<2x1000x128xf32, #tpu.memory_space<vmem>>, vector<1x1000x128xf32>
    %get3A_24 = vector.shape_cast %get3A_23 : vector<1x1000x128xf32> to vector<1000x128xf32>
    %add3A_25 = arith.addf %add3A, %get3A_24 : vector<1000x128xf32>
    %get3A_26 = arith.constant 1 : index
    %get3A_27 = arith.constant 0 : index
    %get3A_28 = arith.constant 0 : index
    %get3A_29 = vector.load %arg3[%get3A_26, %get3A_27, %get3A_28] : memref<2x1000x128xf32, #tpu.memory_space<vmem>>, vector<1x1000x128xf32>
    %get3A_30 = vector.shape_cast %get3A_29 : vector<1x1000x128xf32> to vector<1000x128xf32>
    %add3A_31 = arith.addf %add3A_19, %get3A_30 : vector<1000x128xf32>
    %get3A_32 = arith.constant 0 : index
    %get3A_33 = arith.constant 0 : index
    %get3A_34 = vector.load %arg4[%get3A_32, %get3A_33] : memref<256x256xf32, #tpu.memory_space<vmem>>, vector<128x256xf32>
    %dot_general3A = arith.constant dense<0.000000e+00> : vector<1000x256xf32>
    %dot_general3A_35 = tpu.matmul %add3A_25, %get3A_34, %dot_general3A {dimension_numbers = #tpu.dot_dimension_numbers<[1], [0], [0], [1], [0, 0, 1, 1], [], []>, transpose_lhs_hint = false} : vector<1000x128xf32>, vector<128x256xf32>, vector<1000x256xf32> -> vector<1000x256xf32>
    %get3A_36 = arith.constant 128 : index
    %get3A_37 = arith.constant 0 : index
    %get3A_38 = vector.load %arg4[%get3A_36, %get3A_37] : memref<256x256xf32, #tpu.memory_space<vmem>>, vector<128x256xf32>
    %dot_general3A_39 = arith.constant dense<0.000000e+00> : vector<1000x256xf32>
    %dot_general3A_40 = tpu.matmul %add3A_31, %get3A_38, %dot_general3A_39 {dimension_numbers = #tpu.dot_dimension_numbers<[1], [0], [0], [1], [0, 0, 1, 1], [], []>, transpose_lhs_hint = false} : vector<1000x128xf32>, vector<128x256xf32>, vector<1000x256xf32> -> vector<1000x256xf32>
    %add3A_41 = arith.addf %dot_general3A_35, %dot_general3A_40 : vector<1000x256xf32>
    %get3A_42 = arith.constant 0 : index
    %get3A_43 = arith.constant 0 : index
    %get3A_44 = vector.load %arg5[%get3A_42, %get3A_43] : memref<1x256xf32, #tpu.memory_space<vmem>>, vector<1x256xf32>
    %add3A_45 = vector.broadcast %get3A_44 : vector<1x256xf32> to vector<1000x256xf32>
    %add3A_46 = arith.addf %add3A_41, %add3A_45 : vector<1000x256xf32>
    %max3A = arith.constant 0.000000e+00 : f32
    %max3A_47 = vector.broadcast %max3A : f32 to vector<1000x256xf32>
    %max3A_48 = arith.maximumf %add3A_46, %max3A_47 : vector<1000x256xf32>
    %get3A_49 = arith.constant 0 : index
    %get3A_50 = arith.constant 0 : index
    %get3A_51 = vector.load %arg6[%get3A_49, %get3A_50] : memref<256x128xf32, #tpu.memory_space<vmem>>, vector<256x128xf32>
    %dot_general3A_52 = arith.constant dense<0.000000e+00> : vector<1000x128xf32>
    %dot_general3A_53 = tpu.matmul %max3A_48, %get3A_51, %dot_general3A_52 {dimension_numbers = #tpu.dot_dimension_numbers<[1], [0], [0], [1], [0, 0, 1, 1], [], []>, transpose_lhs_hint = false} : vector<1000x256xf32>, vector<256x128xf32>, vector<1000x128xf32> -> vector<1000x128xf32>
    %get3A_54 = arith.constant 0 : index
    %get3A_55 = arith.constant 0 : index
    %get3A_56 = vector.load %arg7[%get3A_54, %get3A_55] : memref<1x128xf32, #tpu.memory_space<vmem>>, vector<1x128xf32>
    %add3A_57 = vector.broadcast %get3A_56 : vector<1x128xf32> to vector<1000x128xf32>
    %add3A_58 = arith.addf %dot_general3A_53, %add3A_57 : vector<1000x128xf32>
    %swap3A = arith.constant 0 : index
    %swap3A_59 = arith.constant 0 : index
    %swap3A_60 = vector.load %arg8[%swap3A, %swap3A_59] : memref<1000x128xf32, #tpu.memory_space<vmem>>, vector<1000x128xf32>
    tpu.vector_store %arg8[%swap3A, %swap3A_59], %add3A_58 {strides = array<i32>} : memref<1000x128xf32, #tpu.memory_space<vmem>>, vector<1000x128xf32>,
    return
  }
  func.func @transform_0(%arg0: i32) -> (i32, i32, i32) {
    %c0_i32 = arith.constant 0 : i32
    %c0_i32_0 = arith.constant 0 : i32
    %c0_i32_1 = arith.constant 0 : i32
    return %c0_i32, %arg0, %c0_i32_0 : i32, i32, i32
  }
  func.func @transform_1(%arg0: i32) -> (i32, i32, i32) {
    %c0_i32 = arith.constant 0 : i32
    %c0_i32_0 = arith.constant 0 : i32
    %c0_i32_1 = arith.constant 0 : i32
    return %c0_i32, %arg0, %c0_i32_0 : i32, i32, i32
  }
  func.func @transform_2(%arg0: i32) -> (i32, i32, i32) {
    %c0_i32 = arith.constant 0 : i32
    %c0_i32_0 = arith.constant 0 : i32
    %c0_i32_1 = arith.constant 0 : i32
    return %c0_i32, %arg0, %c0_i32_0 : i32, i32, i32
  }
  func.func @transform_3(%arg0: i32) -> (i32, i32) {
    %c0_i32 = arith.constant 0 : i32
    %c0_i32_0 = arith.constant 0 : i32
    %c0_i32_1 = arith.constant 0 : i32
    return %c0_i32, %c0_i32_0 : i32, i32
  }
  func.func @transform_4(%arg0: i32) -> (i32, i32) {
    %c0_i32 = arith.constant 0 : i32
    %c0_i32_0 = arith.constant 0 : i32
    %c0_i32_1 = arith.constant 0 : i32
    return %c0_i32, %c0_i32_0 : i32, i32
  }
  func.func @transform_5(%arg0: i32) -> (i32, i32) {
    %c0_i32 = arith.constant 0 : i32
    %c0_i32_0 = arith.constant 0 : i32
    %c0_i32_1 = arith.constant 0 : i32
    return %c0_i32, %c0_i32_0 : i32, i32
  }
  func.func @transform_6(%arg0: i32) -> (i32, i32) {
    %c0_i32 = arith.constant 0 : i32
    %c0_i32_0 = arith.constant 0 : i32
    %c0_i32_1 = arith.constant 0 : i32
    return %c0_i32, %c0_i32_0 : i32, i32
  }
  func.func @transform_7(%arg0: i32) -> (i32, i32) {
    %c0_i32 = arith.constant 0 : i32
    %c0_i32_0 = arith.constant 0 : i32
    return %arg0, %c0_i32 : i32, i32
  }
}

</mosaic_0001>

<sc_bundles>
// kernel: kernel.12.cloned.1.call-start
scs
__scs_entry_jumppad:
0x0: {  	(pc) =	sbr.rel $0x88, $3  }
0x1: {  	(tag) =	ssettag $0x0;
	lr =	simm.s32 $0x1  }
0x2: {  	[smem:$0x3F97] =	sst lr;
	_ =	strace $0xD0000000  }
0x3: {  	_ = 	snop  }
0x4: {  	_ = 	snop  }
0x5: {  	_ = 	snop  }
0x6: {  	_ = 	snop  }
0x7: {  	_ = 	snop  }
__scs_overlays_trampoline_lowered:
0x8: {  	[smem:$0x3FA6] =	sst s0  }
0x9: {  	[smem:$0x3FA7] =	sst s1  }
0xa: {  	[smem:$0x3FA8] =	sst s2  }
0xb: {  	[smem:$0x3FA9] =	sst s3  }
0xc: {  	[smem:$0x3FAA] =	sst s4  }
0xd: {  	[smem:$0x3FAB] =	sst s5  }
0xe: {  	[smem:$0x3FAC] =	sst s6  }
0xf: {  	[smem:$0x3FAD] =	sst s7  }
0x10: {  	[smem:$0x3FAE] =	sst s8  }
0x11: {  	[smem:$0x3FAF] =	sst s9;
	s0 =	simm.s32 @!p0 $0x0  }
0x12: {  	s1 =	sld [smem:$0x3F95];
	s0 =	simm.s32 @p0 $0x1  }
0x13: {  	[smem:$0x3FB0] =	sst s0;
	s0 =	simm.s32 @!p1 $0x0  }
0x14: {  	s2 =	sld [smem:$0x3F94];
	s0 =	simm.s32 @p1 $0x1  }
0x15: {  	[smem:$0x3FB1] =	sst s0;
	s0 =	simm.s32 @!p2 $0x0  }
0x16: {  	s3 =	sld [smem:$0x3FDB];
	s0 =	simm.s32 @p2 $0x1  }
0x17: {  	s4 =	simm.s32 $0x1BF5;
	[smem:$0x3FB3] =	sst s0  }
0x18: {  	s0 =	sld [smem:$0x3F96];
	_ =	swait.ge [sflag:s4], $0x0  }
0x19: {  	s7 =	sld [smem:$0x3F97]  }
0x1a: {  	s8 =	sadd.s32 $0xFFFFE003, lr  }
0x1b: {  	s9 =	sadd.s32 $0xFFFFFEF7, lr;
	s5 =	simm.s32 $0xFFFFFFFF;
	p2 =	slt.u32 s8, $0xFFFFF086  }
0x1c: {  	p1 =	slt.u32 s9, $0xF7A;
	s5 =	simm.s32 @!p2 $0x0  }
0x1d: {  	s5 =	simm.s32 @p1 $0x1;
	p0 =	seq.s32 s7, s2  }
0x1e: {  	s7 =	smul.u32 @!p0 $0xF7A, s2;
	p2 =	seq.s32 @!p0 s5, $0x0  }
0x1f: {  	s9 =	smul.u32 $0xF7A, s1;
	s8 =	simm.s32 @!p0 $0x1BF5;
	p2 =	por !p2, p0  }
0x20: {  	[sflag:s8] =	ssyncset.s32 @!p0 $0xFFFFF086;
	s6 =	sadd.s32 @!p0 s3, s7;
	s7 =	simm.s32 @!p0 $0x108  }
0x21: {  	s3 =	sadd.s32 s3, s9;
	s6 =	sadd.s32 @!p0 $0x88, s6;
	s7 =	simm.s32 @p2 $0x1082  }
0x22: {  	[simem:s7], [sflag:s8] =	dma.local @!p0 [hbm:s6], $0xF7A  }
0x23: {  	s9 =	sor.u32 $0xD0000000, s2;
	s6 =	simm.s32 $0x108;
	_ =	swait.ge @!p0 [sflag:s8], $0x0  }
0x24: {  	s3 =	sadd.s32 $0x88, s3;
	s6 =	simm.s32 @!p1 $0x1082;
	[sflag:s4] =	ssyncset.s32 $0xFFFFF086  }
0x25: {  	[simem:s6], [sflag:s4] =	dma.local [hbm:s3], $0xF7A  }
0x26: {  	[smem:$0x3F97] =	sst s1;
	(tag) =	ssettag s2;
	_ =	strace s9  }
0x27: {  	s1 =	sld [smem:$0x3FA7]  }
0x28: {  	s2 =	sld [smem:$0x3FA8]  }
0x29: {  	s4 =	sld [smem:$0x3FAA]  }
0x2a: {  	p0 =	seq.s32 s5, $0x0;
	s5 =	sld [smem:$0x3FAB]  }
0x2b: {  	s6 =	sld [smem:$0x3FAC]  }
0x2c: {  	s7 =	sld [smem:$0x3FAD]  }
0x2d: {  	s3 =	simm.s32 $0x108;
	s8 =	sld [smem:$0x3FAE]  }
0x2e: {  	s3 =	simm.s32 @!p0 $0x1082;
	s9 =	sld [smem:$0x3FAF]  }
0x2f: {  	lr =	sadd.s32 s0, s3;
	s0 =	sld [smem:$0x3FA6]  }
0x30: {  	s3 =	sld [smem:$0x3FA9]  }
0x31: {  	[smem:$0x3FB2] =	sst s10  }
0x32: {  	s10 =	sld [smem:$0x3FB0];
	_ =	sdelay $0x3  }
0x33: {  	p0 =	seq.s32 s10, $0x1;
	s10 =	sld [smem:$0x3FB2];
	_ =	sdelay $0x3  }
0x34: {  	[smem:$0x3FB2] =	sst s10  }
0x35: {  	s10 =	sld [smem:$0x3FB1];
	_ =	sdelay $0x3  }
0x36: {  	p1 =	seq.s32 s10, $0x1;
	s10 =	sld [smem:$0x3FB2];
	_ =	sdelay $0x3  }
0x37: {  	[smem:$0x3FB2] =	sst s10  }
0x38: {  	s10 =	sld [smem:$0x3FB3]  }
0x39: {  	_ = 	snop;
	(pc) =	sbr.ind lr, $3  }
0x3a: {  	_ = 	snop  }
0x3b: {  	_ = 	snop  }
0x3c: {  	p2 =	seq.s32 s10, $0x1;
	s10 =	sld [smem:$0x3FB2]  }
0x3d: {  	_ =	shalt  }
0x3e: {  	_ =	shalt  }
0x3f: {  	_ =	shalt  }
0x40: {  	_ =	shalt  }
0x41: {  	_ =	shalt  }
0x42: {  	_ =	shalt  }
0x43: {  	_ =	shalt  }
0x44: {  	_ =	shalt  }
0x45: {  	_ =	shalt  }
0x46: {  	_ =	shalt  }
0x47: {  	_ =	shalt  }
0x48: {  	_ =	shalt  }
0x49: {  	_ =	shalt  }
0x4a: {  	_ =	shalt  }
0x4b: {  	_ =	shalt  }
0x4c: {  	_ =	shalt  }
0x4d: {  	_ =	shalt  }
0x4e: {  	_ =	shalt  }
0x4f: {  	_ =	shalt  }
0x50: {  	_ =	shalt  }
0x51: {  	_ =	shalt  }
0x52: {  	_ =	shalt  }
0x53: {  	_ =	shalt  }
0x54: {  	_ =	shalt  }
0x55: {  	_ =	shalt  }
0x56: {  	_ =	shalt  }
0x57: {  	_ =	shalt  }
0x58: {  	_ =	shalt  }
0x59: {  	_ =	shalt  }
0x5a: {  	_ =	shalt  }
0x5b: {  	_ =	shalt  }
0x5c: {  	_ =	shalt  }
0x5d: {  	_ =	shalt  }
0x5e: {  	_ =	shalt  }
0x5f: {  	_ =	shalt  }
0x60: {  	_ =	shalt  }
0x61: {  	_ =	shalt  }
0x62: {  	_ =	shalt  }
0x63: {  	_ =	shalt  }
0x64: {  	_ =	shalt  }
0x65: {  	_ =	shalt  }
0x66: {  	_ =	shalt  }
0x67: {  	_ =	shalt  }
0x68: {  	_ =	shalt  }
0x69: {  	_ =	shalt  }
0x6a: {  	_ =	shalt  }
0x6b: {  	_ =	shalt  }
0x6c: {  	_ =	shalt  }
0x6d: {  	_ =	shalt  }
0x6e: {  	_ =	shalt  }
0x6f: {  	_ =	shalt  }
0x70: {  	_ =	shalt  }
0x71: {  	_ =	shalt  }
0x72: {  	_ =	shalt  }
0x73: {  	_ =	shalt  }
0x74: {  	_ =	shalt  }
0x75: {  	_ =	shalt  }
0x76: {  	_ =	shalt  }
0x77: {  	_ =	shalt  }
0x78: {  	_ =	shalt  }
0x79: {  	_ =	shalt  }
0x7a: {  	_ =	shalt  }
0x7b: {  	_ =	shalt  }
0x7c: {  	_ =	shalt  }
0x7d: {  	_ =	shalt  }
0x7e: {  	_ =	shalt  }
0x7f: {  	_ =	shalt  }
0x80: {  	_ =	shalt  }
0x81: {  	_ =	shalt  }
0x82: {  	_ =	shalt  }
0x83: {  	_ =	shalt  }
0x84: {  	_ =	shalt  }
0x85: {  	_ =	shalt  }
0x86: {  	_ =	shalt  }
0x87: {  	_ =	shalt  }
.Lfunc_end0:
.L_simem_size_0:
called_computation.1_lowered:
.L_overlay_start_0:
0x88: {  	s2 =	sld [smem:$0x3FD9]  }
0x89: {  	s3 =	sld [smem:$0x3FFE];
	_ =	sdelay $0x1  }
0x8a: {  	s1 =	srdreg.scid  }
0x8b: {  	s0 =	sand.u32 $0x1, s1  }
0x8c: {  	s17 =	sshll.u32 s0, $0xA;
	s2 =	sadd.s32 s3, s2  }
0x8d: {  	s2 =	sadd.s32 s2, s17  }
0x8e: {  	[smem:$0x3FBE] =	sst s2  }
0x8f: {  	_ = 	snop  }
0x90: {  	s18 =	sld [smem:$0x3FC0]  }
0x91: {  	s4 =	sld [smem:$0x3FD0];
	(tm) =	ssettm $0x1  }
0x92: {  	s19 =	sld [smem:$0x3FFB];
	_ =	sdelay $0x3  }
0x93: {  	_ =	strace s19  }
0x94: {  	s2 =	sld [smem:$0x3FFC];
	_ =	sdelay $0x3  }
0x95: {  	_ =	strace s2  }
0x96: {  	s2 =	sld [smem:$0x3FFD];
	_ =	sdelay $0x3  }
0x97: {  	_ =	strace s2  }
0x98: {  	_ =	strace $0x8FFFFFFF  }
0x99: {  	s20 =	sld [smem:$0x3FDB];
	_ =	sdelay $0x1  }
0x9a: {  	s5 =	simm.s32 $_scs_section_size  }
0x9b: {  	s6 =	simm.s32 $_size__tile_overlayer_lowered;
	s7 =	simm.s32 $_tile_overlayer_lowered  }
0x9c: {  	s8 =	simm.s32 $0x1BFF;
	s21 =	sshll.u32 s7, $0x1;
	s5 =	sadd.s32 s5, s20  }
0x9d: {  	s22 =	simm.s32 $0x0;
	s6 =	sshll.u32 s6, $0x1;
	s7 =	sadd.s32 s21, s5  }
0x9e: {  	[timem:s22], [sflag:s8] =	dma.local [hbm:s7], s6  }
0x9f: {  	_ =	swait.ge [sflag:s8], s6  }
0xa0: {  	s6 =	ssub.s32 $0x0, s6;
	[sflag:s8] =	ssyncset.done $0x0  }
0xa1: {  	[sflag:s8] =	ssyncadd.s32 s6;
	_ =	sdelay $0x1  }
0xa2: {  	s23 =	simm.s32 $0x1B8B  }
0xa3: {  	_ =	swait.ge [sflag:s23], $0x1  }
0xa4: {  	[sflag:s23] =	ssyncset.done $0x0  }
0xa5: {  	[sflag:s23] =	ssyncadd.s32 $0xFFFFFFFF  }
0xa6: {  	s6 =	sld [smem:$0x0]  }
0xa7: {  	s7 =	sand.u32 $0xFFFFFFFE, s1  }
0xa8: {  	p0 =	sne.s32 s1, s7  }
0xa9: {  	s7 =	sshll.u32 @p0 s7, $0xE  }
0xaa: {  	s7 =	sadd.s32 @p0 $0x11B8D, s7;
	s8 =	sshll.u32 @p0 s6, $0x11  }
0xab: {  	s7 =	sor.u32 @p0 s8, s7  }
0xac: {  	[sflag:s7] =	ssyncadd.remote.s32 @p0 $0x1;
	_ =	sdelay $0x1  }
0xad: {  	s7 =	simm.s32 @p0 $0x1B8D  }
0xae: {  	_ =	swait.eq @p0 [sflag:s7], $0x1  }
0xaf: {  	[sflag:s7] =	ssyncadd.s32 @p0 $0xFFFFFFFF  }
0xb0: {  	s8 =	sshll.u32 @!p0 s1, $0xE  }
0xb1: {  	s8 =	sor.u32 @!p0 $0x4000, s8;
	s7 =	simm.s32 @!p0 $0x1B8D  }
0xb2: {  	s6 =	sshll.u32 @!p0 s6, $0x11;
	s8 =	sadd.s32 @!p0 $0x11B8D, s8;
	_ =	swait.eq @!p0 [sflag:s7], $0x1  }
0xb3: {  	s6 =	sor.u32 @!p0 s6, s8;
	[sflag:s7] =	ssyncadd.s32 @!p0 $0xFFFFFFFF  }
0xb4: {  	s25 =	simm.s32 $0x1B8E;
	s24 =	sld [smem:$0x3FFE];
	[sflag:s6] =	ssyncadd.remote.s32 @!p0 $0x1  }
0xb5: {  	s26 =	simm.s32 $execute0_lowered;
	[smem:$0x3FD2] =	sst s25  }
0xb6: {  	s7 =	sshll.u32 s26, $0x1;
	_ =	strace $0x80000049;
	[dreg:$0x1] =	wrdreg $0xFFFFFFFF  }
0xb7: {  	s28 =	simm.s32 $_size_execute0_lowered;
	s5 =	sadd.s32 s5, s7;
	[dreg:$0x0] =	wrdreg $0x0  }
0xb8: {  	s7 =	sshll.u32 s28, $0x1;
	[dreg:$0x2] =	wrdreg s5  }
0xb9: {  	[dreg:$0x3] =	wrdreg s7  }
0xba: {  	[dreg:$0x4] =	wrdreg $0xC0  }
0xbb: {  	_ =	task [dreg:s22], $0x5FFFF  }
0xbc: {  	[dreg:$0x1] =	wrdreg $0xFFFFFFFF  }
0xbd: {  	[dreg:$0x0] =	wrdreg $0x60  }
0xbe: {  	[dreg:$0x2] =	wrdreg s24  }
0xbf: {  	[dreg:$0x3] =	wrdreg s18  }
0xc0: {  	[dreg:$0x4] =	wrdreg s4  }
0xc1: {  	[dreg:$0x5] =	wrdreg $0x0  }
0xc2: {  	[dreg:$0x6] =	wrdreg $0xA  }
0xc3: {  	_ =	task.clear_ibuf [dreg:s22], $0x7FFFF;
	_ =	strace $0x90000049  }
0xc4: {  	s29 =	simm.s32 $0xA;
	_ =	strace $0x8000004B  }
0xc5: {  	_ =	swait.ge [sflag:s29], $0x1  }
0xc6: {  	[sflag:s29] =	ssyncadd.s32 $0xFFFFFFFF  }
0xc7: {  	_ =	strace $0x9000004B  }
0xc8: {  	_ =	sfence  }
0xc9: {  	s30 =	sld [smem:$0x0];
	_ =	sdelay $0x2  }
0xca: {  	s31 =	sshll.u32 s1, $0xD;
	s1 =	sshrl.u32 s1, $0x2  }
0xcb: {  	s4 =	sand.u32 $0x4000, s31;
	s1 =	sadd.s32 s1, s30  }
0xcc: {  	s0 =	sor.u32 s4, s0;
	s1 =	sshll.u32 s1, $0x11  }
0xcd: {  	s0 =	sor.u32 s1, s0  }
0xce: {  	s0 =	sadd.s32 $0x8F2B, s0  }
0xcf: {  	[sflag:s0] =	ssyncadd.remote.s32 $0x1  }
0xd0: {  	_ =	sfence.sel $0xFFFF  }
0xd1: {  	[dreg:$0x0] =	wrdreg $0xFFFFFFFF;
	(pc) =	sbr.abs _section_cstart, $3  }
0xd2: {  	[dreg:$0x1] =	wrdreg $0xFFFFFFFF  }
0xd3: {  	_ =	task.clear_ibuf [dreg:s22], $0x2FFFF;
	_ =	strace $0x9FFFFFFF  }
0xd4: {  	(tm) =	ssettm $0x7FFFFFFF  }
0xd5: {  	_ =	shalt  }
tec
execute0_lowered:
.L_overlay_start_1:
0x0: {  	(tag) =	ssettag $0x1  }
0x1: {  	s0 =	rddreg [dreg:$0x0];
	s11 =	stileid.u32  }
0x2: {  	s1 =	rddreg [dreg:$0x1];
	s6 =	smul.u32 $0x3E800, s11  }
0x3: {  	s2 =	srdreg.scid;
	s7 =	smul.u32 $0xFA000, s11  }
0x4: {  	s3 =	rddreg [dreg:$0x3];
	s4 =	simm.s32 $0x0;
	s12 =	smul.u32 $0x64000, s11  }
0x5: {  	s28 =	simm.s32 $0x2;
	s29 =	simm.s32 $0x1B080;
	s10 =	smul.u32 $0xC80, s11  }
0x6: {  	s30 =	simm.s32 $0x1DA00;
	s2 =	sand.u32 $0x1, s2;
	s20 =	smul.u32 $0x190, s11  }
0x7: {  	s31 =	simm.s32 $0x3;
	[smem:$0x7FF] =	sst s4;
	s5 =	smul.u32 $0x138800, s2  }
0x8: {  	p0 =	sgt.u32 s11, $0x4;
	s8 =	smul.u32 $0x640000, s2;
	s2 =	ssub.s32 $0x2, s2  }
0x9: {  	_ =	strace $0x8000004A;
	s9 =	sshrl.u32 s2, $0x1;
	s7 =	sshrl.u32 s7, $0x2  }
0xa: {  	s13 =	sshrl.u32 s10, $0x3;
	s6 =	sadd.s32 s6, s5;
	s5 =	sadd.s32 $0x211E00, s0  }
0xb: {  	s2 =	ssub.s32 s2, s9;
	s7 =	sadd.s32 s7, s3;
	s15 =	sadd.s32 s1, s13  }
0xc: {  	s13 =	sadd.s32 s20, s1;
	s1 =	sshll.u32 @!p0 s11, $0x6;
	s20 =	simm.s32 $0x1D880  }
0xd: {  	s6 =	sshrl.u32 s6, $0x3;
	s17 =	sadd.s32 $0x1C20, s15;
	s21 =	smax.u32 s2, $0x1  }
0xe: {  	s2 =	simm.s32 $0x6;
	s0 =	sadd.s32 s6, s0;
	[dreg:$0x6] =	wrdreg s17  }
0xf: {  	s6 =	sadd.s32 s12, s8;
	[dreg:$0xa] =	wrdreg s21;
	s17 =	sor.u32 @!p0 $0x1C09, s1  }
0x10: {  	s21 =	simm.s32 $0x16080;
	s1 =	simm.s32 $0x4;
	s8 =	sshrl.u32 s6, $0x3  }
0x11: {  	s14 =	sor.u32 $0x2800, s6;
	s18 =	sadd.s32 $0xC800, s6;
	s0 =	sadd.s32 $0x3A1E00, s0  }
0x12: {  	s23 =	sadd.s32 $0xA000, s6;
	s24 =	sadd.s32 $0x7800, s6;
	s25 =	sadd.s32 $0x5000, s6  }
0x13: {  	s6 =	simm.s32 $0x7;
	s8 =	sadd.s32 s5, s8;
	[dreg:$0x9] =	wrdreg s0  }
0x14: {  	s16 =	sshrl.u32 s14, $0x3;
	s19 =	sshrl.u32 s18, $0x3;
	[dreg:$0xc] =	wrdreg s23  }
0x15: {  	s0 =	sshrl.u32 s24, $0x3;
	s26 =	sshrl.u32 s25, $0x3;
	s18 =	sshrl.u32 @!p0 s7, $0x3  }
0x16: {  	s23 =	simm.s32 $0x1;
	[dreg:$0x5] =	wrdreg s8;
	s9 =	sadd.s32 s5, s16  }
0x17: {  	s24 =	simm.s32 $0x50;
	s8 =	sadd.s32 $0x1C2A, s15;
	[dreg:$0x7] =	wrdreg s9  }
.Ltmp0:
0x18: {  	s22 =	sadd.s32 s19, s5;
	[dreg:$0x8] =	wrdreg s8;
	(pc) =	sbr.rel .LBB2_1-.Ltmp0, $4  }
0x19: {  	s25 =	simm.s32 $0x18880;
	s0 =	sadd.s32 s0, s5;
	[dreg:$0xb] =	wrdreg s22  }
0x1a: {  	s7 =	simm.s32 $0x8;
	s19 =	simm.s32 $0x13880;
	[dreg:$0xd] =	wrdreg s0  }
0x1b: {  	s0 =	sadd.s32 s26, s5;
	s22 =	simm.s32 $0x1D900;
	s26 =	simm.s32 $0x1D980  }
0x1c: {  	s8 =	simm.s32 $0x0;
	[dreg:$0xe] =	wrdreg s0;
	s0 =	simm.s32 $0x5  }
.LBB2_4:
0x1d: {  	_ =	swait.ge [sflag:s1], $0x2800  }
0x1e: {  	[sflag:s1] =	ssyncset.done $0x0  }
0x1f: {  	[sflag:s1] =	ssyncadd.s32 $0xFFFFD800  }
0x20: {  	_ =	swait.ge [sflag:s1], $0x50  }
0x21: {  	[sflag:s1] =	ssyncset.done $0x0  }
0x22: {  	[sflag:s1] =	ssyncadd.s32 $0xFFFFFFB0  }
0x23: {  	[spmem:s3] =	stream.indirect.scatter.add.f32 [tilespmem:s29], [sflag:$0x8], $0x80, s30, s24, $0xb8;
	[tilespmem:$0x1DA80] =	vst v63  }
0x24: {  	_ =	swait.ge [sflag:s2], $0x2800  }
0x25: {  	[sflag:s2] =	ssyncset.done $0x0  }
0x26: {  	[sflag:s2] =	ssyncadd.s32 $0xFFFFD800  }
0x27: {  	_ =	swait.ge [sflag:s6], $0x2800  }
0x28: {  	[sflag:s6] =	ssyncset.done $0x0  }
0x29: {  	[sflag:s6] =	ssyncadd.s32 $0xFFFFD800  }
0x2a: {  	_ =	swait.ge [sflag:s7], $0x2800  }
0x2b: {  	[sflag:s7] =	ssyncset.done $0x0  }
0x2c: {  	[sflag:s7] =	ssyncadd.s32 $0xFFFFD800  }
0x2d: {  	[bflag:$0x0] =	sbarrier.arrive $0xFFFF  }
0x2e: {  	s9 =	rddreg [dreg:$0x9]  }
0x2f: {  	[hbm:s9], [sflag:s17] =	dma.local @!p0 [spmem:s18], $0x7D00  }
0x30: {  	s9 =	simm.s32 @!p0 $0x9  }
0x31: {  	_ =	swait.ge @!p0 [sflag:s9], $0x7D00  }
0x32: {  	s8 =	sadd.s32 $0x1, s8;
	s10 =	rddreg [dreg:$0xa]  }
0x33: {  	p1 =	sne.s32 s8, s10  }
.Ltmp1:
0x34: {  	_ = 	snop;
	(pc) =	sbr.rel @!p1 .LBB2_5-.Ltmp1, $3  }
0x35: {  	_ =	sdelay $0x1  }
0x36: {  	[sflag:s9] =	ssyncset.done @!p0 $0x0  }
0x37: {  	[sflag:s9] =	ssyncadd.s32 @!p0 $0xFFFF8300  }
.LBB2_1:
0x38: {  	s9 =	rddreg [dreg:$0x2];
	s10 =	simm.s32 @!p0 $0x9  }
0x39: {  	[spmem:s18], [sflag:s17] =	dma.local @!p0 [hbm:s9], $0x7D00  }
0x3a: {  	_ =	swait.ge @!p0 [sflag:s10], $0x7D00  }
0x3b: {  	[sflag:s10] =	ssyncset.done @!p0 $0x0  }
0x3c: {  	[sflag:s10] =	ssyncadd.s32 @!p0 $0xFFFF8300  }
0x3d: {  	[bflag:$0x0] =	sbarrier.arrive $0xFFFF  }
0x3e: {  	s12 =	rddreg [dreg:$0x5]  }
0x3f: {  	s14 =	rddreg [dreg:$0x6]  }
0x40: {  	s15 =	rddreg [dreg:$0x7]  }
0x41: {  	s16 =	rddreg [dreg:$0x8]  }
0x42: {  	[tilespmem:s19], [sflag:$0x1] =	stream.linear.gather [hbm4b:s12+s4], $0x2800, $0x38;
	[tilespmem:$0x1DA80] =	vst v63  }
0x43: {  	s12 =	rddreg [dreg:$0xb]  }
0x44: {  	[tilespmem:s20], [sflag:$0x1] =	stream.linear.gather [hbm4b:s14+s4], $0x50, $0x38;
	[tilespmem:$0x1DA80] =	vst v63  }
0x45: {  	s14 =	rddreg [dreg:$0xc]  }
0x46: {  	[tilespmem:s21], [sflag:$0x2] =	stream.linear.gather [hbm4b:s15+s4], $0x2800, $0x38;
	[tilespmem:$0x1DA80] =	vst v63  }
0x47: {  	s15 =	rddreg [dreg:$0xd]  }
0x48: {  	[tilespmem:s22], [sflag:$0x2] =	stream.linear.gather [hbm4b:s16+s4], $0x50, $0x38;
	[tilespmem:$0x1DA80] =	vst v63  }
0x49: {  	s11 =	simm.s32 $0x0;
	s16 =	rddreg [dreg:$0xe]  }
.LBB2_2:
0x4a: {  	_ =	swait.ge [sflag:s23], $0x2800  }
0x4b: {  	[sflag:s23] =	ssyncset.done $0x0  }
0x4c: {  	[sflag:s23] =	ssyncadd.s32 $0xFFFFD800  }
0x4d: {  	_ =	swait.ge [sflag:s23], $0x50  }
0x4e: {  	p1 =	seq.s32 s11, $0x0;
	[sflag:s23] =	ssyncset.done $0x0  }
0x4f: {  	s10 =	simm.s32 @!p1 $0x7;
	[sflag:s23] =	ssyncadd.s32 $0xFFFFFFB0  }
0x50: {  	[spmem:s3] =	stream.indirect.scatter.add.f32 [tilespmem:s19], [sflag:$0x5], $0x80, s20, s24, $0xb8;
	[tilespmem:$0x1DA80] =	vst v63  }
0x51: {  	_ =	swait.ge @!p1 [sflag:s10], $0x2800  }
0x52: {  	[sflag:s10] =	ssyncset.done @!p1 $0x0  }
0x53: {  	[sflag:s10] =	ssyncadd.s32 @!p1 $0xFFFFD800;
	s10 =	sadd.s32 s11, s13  }
0x54: {  	[tilespmem:s25], [sflag:$0x3] =	stream.linear.gather [hbm4b:s16+s4], $0x2800, $0x38;
	[tilespmem:$0x1DA80] =	vst v63  }
0x55: {  	s9 =	sadd.s32 $0x1C34, s10  }
0x56: {  	[tilespmem:s26], [sflag:$0x3] =	stream.linear.gather [hbm4b:s9+s4], $0x50, $0x38;
	[tilespmem:$0x1DA80] =	vst v63  }
0x57: {  	_ =	swait.ge [sflag:s28], $0x2800  }
0x58: {  	[sflag:s28] =	ssyncset.done $0x0  }
0x59: {  	[sflag:s28] =	ssyncadd.s32 $0xFFFFD800  }
0x5a: {  	_ =	swait.ge [sflag:s28], $0x50  }
0x5b: {  	[sflag:s28] =	ssyncset.done $0x0  }
0x5c: {  	s9 =	simm.s32 @!p1 $0x8;
	[sflag:s28] =	ssyncadd.s32 $0xFFFFFFB0  }
0x5d: {  	[spmem:s3] =	stream.indirect.scatter.add.f32 [tilespmem:s21], [sflag:$0x6], $0x80, s22, s24, $0xb8;
	[tilespmem:$0x1DA80] =	vst v63  }
0x5e: {  	_ =	swait.ge @!p1 [sflag:s9], $0x2800  }
0x5f: {  	[sflag:s9] =	ssyncset.done @!p1 $0x0  }
0x60: {  	[sflag:s9] =	ssyncadd.s32 @!p1 $0xFFFFD800  }
0x61: {  	[tilespmem:s29], [sflag:$0x4] =	stream.linear.gather [hbm4b:s15+s4], $0x2800, $0x38;
	[tilespmem:$0x1DA80] =	vst v63  }
0x62: {  	s9 =	sadd.s32 $0x1C3E, s10  }
0x63: {  	[tilespmem:s30], [sflag:$0x4] =	stream.linear.gather [hbm4b:s9+s4], $0x50, $0x38;
	[tilespmem:$0x1DA80] =	vst v63  }
0x64: {  	_ =	swait.ge [sflag:s31], $0x2800  }
0x65: {  	[sflag:s31] =	ssyncset.done $0x0  }
0x66: {  	[sflag:s31] =	ssyncadd.s32 $0xFFFFD800  }
0x67: {  	_ =	swait.ge [sflag:s31], $0x50  }
0x68: {  	p1 =	seq.s32 s11, $0x168;
	[sflag:s31] =	ssyncset.done $0x0  }
.Ltmp2:
0x69: {  	[sflag:s31] =	ssyncadd.s32 $0xFFFFFFB0;
	(pc) =	sbr.rel @p1 .LBB2_4-.Ltmp2, $4  }
0x6a: {  	[spmem:s3] =	stream.indirect.scatter.add.f32 [tilespmem:s25], [sflag:$0x7], $0x80, s26, s24, $0xb8;
	[tilespmem:$0x1DA80] =	vst v63  }
0x6b: {  	_ =	swait.ge [sflag:s0], $0x2800  }
0x6c: {  	[sflag:s0] =	ssyncset.done $0x0  }
0x6d: {  	[sflag:s0] =	ssyncadd.s32 $0xFFFFD800  }
0x6e: {  	s9 =	sshrl.u32 s14, $0x3  }
0x6f: {  	s9 =	sadd.s32 s5, s9  }
0x70: {  	[tilespmem:s19], [sflag:$0x1] =	stream.linear.gather [hbm4b:s9+s4], $0x2800, $0x38;
	[tilespmem:$0x1DA80] =	vst v63  }
0x71: {  	s9 =	sadd.s32 $0x1C48, s10  }
0x72: {  	[tilespmem:s20], [sflag:$0x1] =	stream.linear.gather [hbm4b:s9+s4], $0x50, $0x38;
	[tilespmem:$0x1DA80] =	vst v63  }
0x73: {  	_ =	swait.ge [sflag:s1], $0x2800  }
0x74: {  	[sflag:s1] =	ssyncset.done $0x0  }
0x75: {  	[sflag:s1] =	ssyncadd.s32 $0xFFFFD800  }
0x76: {  	_ =	swait.ge [sflag:s1], $0x50  }
0x77: {  	[sflag:s1] =	ssyncset.done $0x0  }
0x78: {  	[sflag:s1] =	ssyncadd.s32 $0xFFFFFFB0  }
0x79: {  	[spmem:s3] =	stream.indirect.scatter.add.f32 [tilespmem:s29], [sflag:$0x8], $0x80, s30, s24, $0xb8;
	[tilespmem:$0x1DA80] =	vst v63  }
0x7a: {  	_ =	swait.ge [sflag:s2], $0x2800  }
.Ltmp3:
0x7b: {  	s11 =	sadd.s32 $0x28, s11;
	[sflag:s2] =	ssyncset.done $0x0;
	(pc) =	sbr.rel .LBB2_2-.Ltmp3, $4  }
0x7c: {  	s14 =	sadd.s32 $0xA000, s14;
	s15 =	sadd.s32 $0x1400, s15;
	[sflag:s2] =	ssyncadd.s32 $0xFFFFD800  }
0x7d: {  	[tilespmem:s21], [sflag:$0x2] =	stream.linear.gather [hbm4b:s12+s4], $0x2800, $0x38;
	[tilespmem:$0x1DA80] =	vst v63  }
0x7e: {  	s16 =	sadd.s32 $0x1400, s16;
	s10 =	sadd.s32 $0x1C52, s10;
	s12 =	sadd.s32 $0x1400, s12  }
0x7f: {  	[tilespmem:s22], [sflag:$0x2] =	stream.linear.gather [hbm4b:s10+s4], $0x50, $0x38;
	[tilespmem:$0x1DA80] =	vst v63  }
.LBB2_5:
0x80: {  	_ =	sfence.sel $0x180000  }
0x81: {  	[bflag:$0x0] =	sbarrier.arrive $0xFFFF  }
0x82: {  	_ =	strace $0x9000004A  }
0x83: {  	s0 =	stileid.u32;
	[bflag:$0x2] =	sbarrier.arrive $0xFFFF  }
0x84: {  	p0 =	sne.s32 s0, $0x0;
	s0 =	rddreg [dreg:$0x4]  }
0x85: {  	s0 =	sadd.s32 @!p0 $0x100000, s0  }
0x86: {  	[sflag:s0] =	ssyncadd.tile.s32 @!p0 $0x1;
	_ =	shalt  }
.Lfunc_end2:
_tile_overlayer_lowered:
.L_overlay_start_2:
0x87: {  	(tag) =	ssettag $0x2  }
0x88: {  	s0 =	rddreg [dreg:$0x0];
	s2 =	stileid.u32  }
0x89: {  	s1 =	rddreg [dreg:$0x1];
	p0 =	sne.s32 s2, $0x0  }
0x8a: {  	s3 =	rddreg [dreg:$0x2];
	[bflag:$0x3] =	sbarrier.arrive $0xFFFF;
	s2 =	simm.s32 @!p0 $0x1C09  }
0x8b: {  	[timem:s3], [sflag:s2] =	dma.local @!p0 [hbm:s0], s1  }
0x8c: {  	s0 =	simm.s32 @!p0 $0x9  }
0x8d: {  	_ =	swait.ge @!p0 [sflag:s0], s1  }
0x8e: {  	s1 =	ssub.s32 @!p0 $0x0, s1;
	[sflag:s0] =	ssyncset.done @!p0 $0x0  }
0x8f: {  	[sflag:s0] =	ssyncadd.s32 @!p0 s1  }
0x90: {  	[bflag:$0x3] =	sbarrier.arrive $0xFFFF  }
0x91: {  	_ =	shalt  }

// kernel: kernel.15.cloned.1.call-start
scs
__scs_entry_jumppad:
0x0: {  	(pc) =	sbr.rel $0x88, $3  }
0x1: {  	(tag) =	ssettag $0x0;
	lr =	simm.s32 $0x1  }
0x2: {  	[smem:$0x3F97] =	sst lr;
	_ =	strace $0xD0000000  }
0x3: {  	_ = 	snop  }
0x4: {  	_ = 	snop  }
0x5: {  	_ = 	snop  }
0x6: {  	_ = 	snop  }
0x7: {  	_ = 	snop  }
__scs_overlays_trampoline_lowered:
0x8: {  	[smem:$0x3FA6] =	sst s0  }
0x9: {  	[smem:$0x3FA7] =	sst s1  }
0xa: {  	[smem:$0x3FA8] =	sst s2  }
0xb: {  	[smem:$0x3FA9] =	sst s3  }
0xc: {  	[smem:$0x3FAA] =	sst s4  }
0xd: {  	[smem:$0x3FAB] =	sst s5  }
0xe: {  	[smem:$0x3FAC] =	sst s6  }
0xf: {  	[smem:$0x3FAD] =	sst s7  }
0x10: {  	[smem:$0x3FAE] =	sst s8  }
0x11: {  	[smem:$0x3FAF] =	sst s9;
	s0 =	simm.s32 @!p0 $0x0  }
0x12: {  	s1 =	sld [smem:$0x3F95];
	s0 =	simm.s32 @p0 $0x1  }
0x13: {  	[smem:$0x3FB0] =	sst s0;
	s0 =	simm.s32 @!p1 $0x0  }
0x14: {  	s2 =	sld [smem:$0x3F94];
	s0 =	simm.s32 @p1 $0x1  }
0x15: {  	[smem:$0x3FB1] =	sst s0;
	s0 =	simm.s32 @!p2 $0x0  }
0x16: {  	s3 =	sld [smem:$0x3FDB];
	s0 =	simm.s32 @p2 $0x1  }
0x17: {  	s4 =	simm.s32 $0x1BF5;
	[smem:$0x3FB3] =	sst s0  }
0x18: {  	s0 =	sld [smem:$0x3F96];
	_ =	swait.ge [sflag:s4], $0x0  }
0x19: {  	s7 =	sld [smem:$0x3F97]  }
0x1a: {  	s8 =	sadd.s32 $0xFFFFE003, lr  }
0x1b: {  	s9 =	sadd.s32 $0xFFFFFEF7, lr;
	s5 =	simm.s32 $0xFFFFFFFF;
	p2 =	slt.u32 s8, $0xFFFFF086  }
0x1c: {  	p1 =	slt.u32 s9, $0xF7A;
	s5 =	simm.s32 @!p2 $0x0  }
0x1d: {  	s5 =	simm.s32 @p1 $0x1;
	p0 =	seq.s32 s7, s2  }
0x1e: {  	s7 =	smul.u32 @!p0 $0xF7A, s2;
	p2 =	seq.s32 @!p0 s5, $0x0  }
0x1f: {  	s9 =	smul.u32 $0xF7A, s1;
	s8 =	simm.s32 @!p0 $0x1BF5;
	p2 =	por !p2, p0  }
0x20: {  	[sflag:s8] =	ssyncset.s32 @!p0 $0xFFFFF086;
	s6 =	sadd.s32 @!p0 s3, s7;
	s7 =	simm.s32 @!p0 $0x108  }
0x21: {  	s3 =	sadd.s32 s3, s9;
	s6 =	sadd.s32 @!p0 $0x88, s6;
	s7 =	simm.s32 @p2 $0x1082  }
0x22: {  	[simem:s7], [sflag:s8] =	dma.local @!p0 [hbm:s6], $0xF7A  }
0x23: {  	s9 =	sor.u32 $0xD0000000, s2;
	s6 =	simm.s32 $0x108;
	_ =	swait.ge @!p0 [sflag:s8], $0x0  }
0x24: {  	s3 =	sadd.s32 $0x88, s3;
	s6 =	simm.s32 @!p1 $0x1082;
	[sflag:s4] =	ssyncset.s32 $0xFFFFF086  }
0x25: {  	[simem:s6], [sflag:s4] =	dma.local [hbm:s3], $0xF7A  }
0x26: {  	[smem:$0x3F97] =	sst s1;
	(tag) =	ssettag s2;
	_ =	strace s9  }
0x27: {  	s1 =	sld [smem:$0x3FA7]  }
0x28: {  	s2 =	sld [smem:$0x3FA8]  }
0x29: {  	s4 =	sld [smem:$0x3FAA]  }
0x2a: {  	p0 =	seq.s32 s5, $0x0;
	s5 =	sld [smem:$0x3FAB]  }
0x2b: {  	s6 =	sld [smem:$0x3FAC]  }
0x2c: {  	s7 =	sld [smem:$0x3FAD]  }
0x2d: {  	s3 =	simm.s32 $0x108;
	s8 =	sld [smem:$0x3FAE]  }
0x2e: {  	s3 =	simm.s32 @!p0 $0x1082;
	s9 =	sld [smem:$0x3FAF]  }
0x2f: {  	lr =	sadd.s32 s0, s3;
	s0 =	sld [smem:$0x3FA6]  }
0x30: {  	s3 =	sld [smem:$0x3FA9]  }
0x31: {  	[smem:$0x3FB2] =	sst s10  }
0x32: {  	s10 =	sld [smem:$0x3FB0];
	_ =	sdelay $0x3  }
0x33: {  	p0 =	seq.s32 s10, $0x1;
	s10 =	sld [smem:$0x3FB2];
	_ =	sdelay $0x3  }
0x34: {  	[smem:$0x3FB2] =	sst s10  }
0x35: {  	s10 =	sld [smem:$0x3FB1];
	_ =	sdelay $0x3  }
0x36: {  	p1 =	seq.s32 s10, $0x1;
	s10 =	sld [smem:$0x3FB2];
	_ =	sdelay $0x3  }
0x37: {  	[smem:$0x3FB2] =	sst s10  }
0x38: {  	s10 =	sld [smem:$0x3FB3]  }
0x39: {  	_ = 	snop;
	(pc) =	sbr.ind lr, $3  }
0x3a: {  	_ = 	snop  }
0x3b: {  	_ = 	snop  }
0x3c: {  	p2 =	seq.s32 s10, $0x1;
	s10 =	sld [smem:$0x3FB2]  }
0x3d: {  	_ =	shalt  }
0x3e: {  	_ =	shalt  }
0x3f: {  	_ =	shalt  }
0x40: {  	_ =	shalt  }
0x41: {  	_ =	shalt  }
0x42: {  	_ =	shalt  }
0x43: {  	_ =	shalt  }
0x44: {  	_ =	shalt  }
0x45: {  	_ =	shalt  }
0x46: {  	_ =	shalt  }
0x47: {  	_ =	shalt  }
0x48: {  	_ =	shalt  }
0x49: {  	_ =	shalt  }
0x4a: {  	_ =	shalt  }
0x4b: {  	_ =	shalt  }
0x4c: {  	_ =	shalt  }
0x4d: {  	_ =	shalt  }
0x4e: {  	_ =	shalt  }
0x4f: {  	_ =	shalt  }
0x50: {  	_ =	shalt  }
0x51: {  	_ =	shalt  }
0x52: {  	_ =	shalt  }
0x53: {  	_ =	shalt  }
0x54: {  	_ =	shalt  }
0x55: {  	_ =	shalt  }
0x56: {  	_ =	shalt  }
0x57: {  	_ =	shalt  }
0x58: {  	_ =	shalt  }
0x59: {  	_ =	shalt  }
0x5a: {  	_ =	shalt  }
0x5b: {  	_ =	shalt  }
0x5c: {  	_ =	shalt  }
0x5d: {  	_ =	shalt  }
0x5e: {  	_ =	shalt  }
0x5f: {  	_ =	shalt  }
0x60: {  	_ =	shalt  }
0x61: {  	_ =	shalt  }
0x62: {  	_ =	shalt  }
0x63: {  	_ =	shalt  }
0x64: {  	_ =	shalt  }
0x65: {  	_ =	shalt  }
0x66: {  	_ =	shalt  }
0x67: {  	_ =	shalt  }
0x68: {  	_ =	shalt  }
0x69: {  	_ =	shalt  }
0x6a: {  	_ =	shalt  }
0x6b: {  	_ =	shalt  }
0x6c: {  	_ =	shalt  }
0x6d: {  	_ =	shalt  }
0x6e: {  	_ =	shalt  }
0x6f: {  	_ =	shalt  }
0x70: {  	_ =	shalt  }
0x71: {  	_ =	shalt  }
0x72: {  	_ =	shalt  }
0x73: {  	_ =	shalt  }
0x74: {  	_ =	shalt  }
0x75: {  	_ =	shalt  }
0x76: {  	_ =	shalt  }
0x77: {  	_ =	shalt  }
0x78: {  	_ =	shalt  }
0x79: {  	_ =	shalt  }
0x7a: {  	_ =	shalt  }
0x7b: {  	_ =	shalt  }
0x7c: {  	_ =	shalt  }
0x7d: {  	_ =	shalt  }
0x7e: {  	_ =	shalt  }
0x7f: {  	_ =	shalt  }
0x80: {  	_ =	shalt  }
0x81: {  	_ =	shalt  }
0x82: {  	_ =	shalt  }
0x83: {  	_ =	shalt  }
0x84: {  	_ =	shalt  }
0x85: {  	_ =	shalt  }
0x86: {  	_ =	shalt  }
0x87: {  	_ =	shalt  }
.Lfunc_end0:
.L_simem_size_0:
called_computation.2_lowered:
.L_overlay_start_0:
0x88: {  	s2 =	sld [smem:$0x3FD9]  }
0x89: {  	s3 =	sld [smem:$0x3FFE];
	_ =	sdelay $0x1  }
0x8a: {  	s1 =	srdreg.scid  }
0x8b: {  	s0 =	sand.u32 $0x1, s1  }
0x8c: {  	s17 =	sshll.u32 s0, $0xA;
	s2 =	sadd.s32 s3, s2  }
0x8d: {  	s2 =	sadd.s32 s2, s17  }
0x8e: {  	[smem:$0x3FBE] =	sst s2  }
0x8f: {  	_ = 	snop  }
0x90: {  	s18 =	sld [smem:$0x3FC0]  }
0x91: {  	s4 =	sld [smem:$0x3FD0];
	(tm) =	ssettm $0x1  }
0x92: {  	s19 =	sld [smem:$0x3FFB];
	_ =	sdelay $0x3  }
0x93: {  	_ =	strace s19  }
0x94: {  	s2 =	sld [smem:$0x3FFC];
	_ =	sdelay $0x3  }
0x95: {  	_ =	strace s2  }
0x96: {  	s2 =	sld [smem:$0x3FFD];
	_ =	sdelay $0x3  }
0x97: {  	_ =	strace s2  }
0x98: {  	_ =	strace $0x8FFFFFFF  }
0x99: {  	s20 =	sld [smem:$0x3FDB];
	_ =	sdelay $0x1  }
0x9a: {  	s5 =	simm.s32 $_scs_section_size  }
0x9b: {  	s6 =	simm.s32 $_size__tile_overlayer_lowered;
	s7 =	simm.s32 $_tile_overlayer_lowered  }
0x9c: {  	s8 =	simm.s32 $0x1BFF;
	s21 =	sshll.u32 s7, $0x1;
	s5 =	sadd.s32 s5, s20  }
0x9d: {  	s22 =	simm.s32 $0x0;
	s6 =	sshll.u32 s6, $0x1;
	s7 =	sadd.s32 s21, s5  }
0x9e: {  	[timem:s22], [sflag:s8] =	dma.local [hbm:s7], s6  }
0x9f: {  	_ =	swait.ge [sflag:s8], s6  }
0xa0: {  	s6 =	ssub.s32 $0x0, s6;
	[sflag:s8] =	ssyncset.done $0x0  }
0xa1: {  	[sflag:s8] =	ssyncadd.s32 s6;
	_ =	sdelay $0x1  }
0xa2: {  	s23 =	simm.s32 $0x1B8B  }
0xa3: {  	_ =	swait.ge [sflag:s23], $0x1  }
0xa4: {  	[sflag:s23] =	ssyncset.done $0x0  }
0xa5: {  	[sflag:s23] =	ssyncadd.s32 $0xFFFFFFFF  }
0xa6: {  	s6 =	sld [smem:$0x0]  }
0xa7: {  	s7 =	sand.u32 $0xFFFFFFFE, s1  }
0xa8: {  	p0 =	sne.s32 s1, s7  }
0xa9: {  	s7 =	sshll.u32 @p0 s7, $0xE  }
0xaa: {  	s7 =	sadd.s32 @p0 $0x11B8D, s7;
	s8 =	sshll.u32 @p0 s6, $0x11  }
0xab: {  	s7 =	sor.u32 @p0 s8, s7  }
0xac: {  	[sflag:s7] =	ssyncadd.remote.s32 @p0 $0x1;
	_ =	sdelay $0x1  }
0xad: {  	s7 =	simm.s32 @p0 $0x1B8D  }
0xae: {  	_ =	swait.eq @p0 [sflag:s7], $0x1  }
0xaf: {  	[sflag:s7] =	ssyncadd.s32 @p0 $0xFFFFFFFF  }
0xb0: {  	s8 =	sshll.u32 @!p0 s1, $0xE  }
0xb1: {  	s8 =	sor.u32 @!p0 $0x4000, s8;
	s7 =	simm.s32 @!p0 $0x1B8D  }
0xb2: {  	s6 =	sshll.u32 @!p0 s6, $0x11;
	s8 =	sadd.s32 @!p0 $0x11B8D, s8;
	_ =	swait.eq @!p0 [sflag:s7], $0x1  }
0xb3: {  	s6 =	sor.u32 @!p0 s6, s8;
	[sflag:s7] =	ssyncadd.s32 @!p0 $0xFFFFFFFF  }
0xb4: {  	s25 =	simm.s32 $0x1B8E;
	s24 =	sld [smem:$0x3FFE];
	[sflag:s6] =	ssyncadd.remote.s32 @!p0 $0x1  }
0xb5: {  	s26 =	simm.s32 $execute0_lowered;
	[smem:$0x3FD2] =	sst s25  }
0xb6: {  	s7 =	sshll.u32 s26, $0x1;
	_ =	strace $0x8000004C;
	[dreg:$0x1] =	wrdreg $0xFFFFFFFF  }
0xb7: {  	s28 =	simm.s32 $_size_execute0_lowered;
	s5 =	sadd.s32 s5, s7;
	[dreg:$0x0] =	wrdreg $0x0  }
0xb8: {  	s7 =	sshll.u32 s28, $0x1;
	[dreg:$0x2] =	wrdreg s5  }
0xb9: {  	[dreg:$0x3] =	wrdreg s7  }
0xba: {  	[dreg:$0x4] =	wrdreg $0xC0  }
0xbb: {  	_ =	task [dreg:s22], $0x5FFFF  }
0xbc: {  	[dreg:$0x1] =	wrdreg $0xFFFFFFFF  }
0xbd: {  	[dreg:$0x0] =	wrdreg $0x60  }
0xbe: {  	[dreg:$0x2] =	wrdreg s24  }
0xbf: {  	[dreg:$0x3] =	wrdreg s18  }
0xc0: {  	[dreg:$0x4] =	wrdreg s4  }
0xc1: {  	[dreg:$0x5] =	wrdreg $0x0  }
0xc2: {  	[dreg:$0x6] =	wrdreg $0xB  }
0xc3: {  	_ =	task.clear_ibuf [dreg:s22], $0x7FFFF;
	_ =	strace $0x9000004C  }
0xc4: {  	s29 =	simm.s32 $0xB;
	_ =	strace $0x8000004E  }
0xc5: {  	_ =	swait.ge [sflag:s29], $0x1  }
0xc6: {  	[sflag:s29] =	ssyncadd.s32 $0xFFFFFFFF  }
0xc7: {  	_ =	strace $0x9000004E  }
0xc8: {  	_ =	sfence  }
0xc9: {  	s30 =	sld [smem:$0x0];
	_ =	sdelay $0x2  }
0xca: {  	s31 =	sshll.u32 s1, $0xD;
	s1 =	sshrl.u32 s1, $0x2  }
0xcb: {  	s4 =	sand.u32 $0x4000, s31;
	s1 =	sadd.s32 s1, s30  }
0xcc: {  	s0 =	sor.u32 s4, s0;
	s1 =	sshll.u32 s1, $0x11  }
0xcd: {  	s0 =	sor.u32 s1, s0  }
0xce: {  	s0 =	sadd.s32 $0x8F2B, s0  }
0xcf: {  	[sflag:s0] =	ssyncadd.remote.s32 $0x1  }
0xd0: {  	_ =	sfence.sel $0xFFFF  }
0xd1: {  	[dreg:$0x0] =	wrdreg $0xFFFFFFFF;
	(pc) =	sbr.abs _section_cstart, $3  }
0xd2: {  	[dreg:$0x1] =	wrdreg $0xFFFFFFFF  }
0xd3: {  	_ =	task.clear_ibuf [dreg:s22], $0x2FFFF;
	_ =	strace $0x9FFFFFFF  }
0xd4: {  	(tm) =	ssettm $0x7FFFFFFF  }
0xd5: {  	_ =	shalt  }
tec
execute0_lowered:
.L_overlay_start_1:
0x0: {  	(tag) =	ssettag $0x1  }
0x1: {  	s0 =	rddreg [dreg:$0x0];
	s11 =	stileid.u32  }
0x2: {  	s1 =	rddreg [dreg:$0x1];
	s6 =	smul.u32 $0x3E800, s11  }
0x3: {  	s2 =	srdreg.scid;
	s7 =	smul.u32 $0xFA000, s11  }
0x4: {  	s3 =	rddreg [dreg:$0x3];
	s4 =	simm.s32 $0x0;
	s12 =	smul.u32 $0x64000, s11  }
0x5: {  	s28 =	simm.s32 $0x2;
	s29 =	simm.s32 $0x1B080;
	s10 =	smul.u32 $0xC80, s11  }
0x6: {  	s30 =	simm.s32 $0x1DA00;
	s2 =	sand.u32 $0x1, s2;
	s20 =	smul.u32 $0x190, s11  }
0x7: {  	s31 =	simm.s32 $0x3;
	[smem:$0x7FF] =	sst s4;
	s5 =	smul.u32 $0x138800, s2  }
0x8: {  	p0 =	sgt.u32 s11, $0x4;
	s8 =	smul.u32 $0x640000, s2;
	s2 =	ssub.s32 $0x2, s2  }
0x9: {  	_ =	strace $0x8000004D;
	s9 =	sshrl.u32 s2, $0x1;
	s7 =	sshrl.u32 s7, $0x2  }
0xa: {  	s13 =	sshrl.u32 s10, $0x3;
	s6 =	sadd.s32 s6, s5;
	s5 =	sadd.s32 $0x3F0000, s0  }
0xb: {  	s2 =	ssub.s32 s2, s9;
	s7 =	sadd.s32 s7, s3;
	s15 =	sadd.s32 s1, s13  }
0xc: {  	s13 =	sadd.s32 s20, s1;
	s1 =	sshll.u32 @!p0 s11, $0x6;
	s20 =	simm.s32 $0x1D880  }
0xd: {  	s6 =	sshrl.u32 s6, $0x3;
	s17 =	sadd.s32 $0x3520, s15;
	s21 =	smax.u32 s2, $0x1  }
0xe: {  	s2 =	simm.s32 $0x6;
	s0 =	sadd.s32 s6, s0;
	[dreg:$0x6] =	wrdreg s17  }
0xf: {  	s6 =	sadd.s32 s12, s8;
	[dreg:$0xa] =	wrdreg s21;
	s17 =	sor.u32 @!p0 $0x1C09, s1  }
0x10: {  	s21 =	simm.s32 $0x16080;
	s1 =	simm.s32 $0x4;
	s8 =	sshrl.u32 s6, $0x3  }
0x11: {  	s14 =	sor.u32 $0x2800, s6;
	s18 =	sadd.s32 $0xC800, s6;
	s0 =	sadd.s32 $0x580000, s0  }
0x12: {  	s23 =	sadd.s32 $0xA000, s6;
	s24 =	sadd.s32 $0x7800, s6;
	s25 =	sadd.s32 $0x5000, s6  }
0x13: {  	s6 =	simm.s32 $0x7;
	s8 =	sadd.s32 s5, s8;
	[dreg:$0x9] =	wrdreg s0  }
0x14: {  	s16 =	sshrl.u32 s14, $0x3;
	s19 =	sshrl.u32 s18, $0x3;
	[dreg:$0xc] =	wrdreg s23  }
0x15: {  	s0 =	sshrl.u32 s24, $0x3;
	s26 =	sshrl.u32 s25, $0x3;
	s18 =	sshrl.u32 @!p0 s7, $0x3  }
0x16: {  	s23 =	simm.s32 $0x1;
	[dreg:$0x5] =	wrdreg s8;
	s9 =	sadd.s32 s5, s16  }
0x17: {  	s24 =	simm.s32 $0x50;
	s8 =	sadd.s32 $0x352A, s15;
	[dreg:$0x7] =	wrdreg s9  }
.Ltmp0:
0x18: {  	s22 =	sadd.s32 s19, s5;
	[dreg:$0x8] =	wrdreg s8;
	(pc) =	sbr.rel .LBB2_1-.Ltmp0, $4  }
0x19: {  	s25 =	simm.s32 $0x18880;
	s0 =	sadd.s32 s0, s5;
	[dreg:$0xb] =	wrdreg s22  }
0x1a: {  	s7 =	simm.s32 $0x8;
	s19 =	simm.s32 $0x13880;
	[dreg:$0xd] =	wrdreg s0  }
0x1b: {  	s0 =	sadd.s32 s26, s5;
	s22 =	simm.s32 $0x1D900;
	s26 =	simm.s32 $0x1D980  }
0x1c: {  	s8 =	simm.s32 $0x0;
	[dreg:$0xe] =	wrdreg s0;
	s0 =	simm.s32 $0x5  }
.LBB2_4:
0x1d: {  	_ =	swait.ge [sflag:s1], $0x2800  }
0x1e: {  	[sflag:s1] =	ssyncset.done $0x0  }
0x1f: {  	[sflag:s1] =	ssyncadd.s32 $0xFFFFD800  }
0x20: {  	_ =	swait.ge [sflag:s1], $0x50  }
0x21: {  	[sflag:s1] =	ssyncset.done $0x0  }
0x22: {  	[sflag:s1] =	ssyncadd.s32 $0xFFFFFFB0  }
0x23: {  	[spmem:s3] =	stream.indirect.scatter.add.f32 [tilespmem:s29], [sflag:$0x8], $0x80, s30, s24, $0xb8;
	[tilespmem:$0x1DA80] =	vst v63  }
0x24: {  	_ =	swait.ge [sflag:s2], $0x2800  }
0x25: {  	[sflag:s2] =	ssyncset.done $0x0  }
0x26: {  	[sflag:s2] =	ssyncadd.s32 $0xFFFFD800  }
0x27: {  	_ =	swait.ge [sflag:s6], $0x2800  }
0x28: {  	[sflag:s6] =	ssyncset.done $0x0  }
0x29: {  	[sflag:s6] =	ssyncadd.s32 $0xFFFFD800  }
0x2a: {  	_ =	swait.ge [sflag:s7], $0x2800  }
0x2b: {  	[sflag:s7] =	ssyncset.done $0x0  }
0x2c: {  	[sflag:s7] =	ssyncadd.s32 $0xFFFFD800  }
0x2d: {  	[bflag:$0x0] =	sbarrier.arrive $0xFFFF  }
0x2e: {  	s9 =	rddreg [dreg:$0x9]  }
0x2f: {  	[hbm:s9], [sflag:s17] =	dma.local @!p0 [spmem:s18], $0x7D00  }
0x30: {  	s9 =	simm.s32 @!p0 $0x9  }
0x31: {  	_ =	swait.ge @!p0 [sflag:s9], $0x7D00  }
0x32: {  	s8 =	sadd.s32 $0x1, s8;
	s10 =	rddreg [dreg:$0xa]  }
0x33: {  	p1 =	sne.s32 s8, s10  }
.Ltmp1:
0x34: {  	_ = 	snop;
	(pc) =	sbr.rel @!p1 .LBB2_5-.Ltmp1, $3  }
0x35: {  	_ =	sdelay $0x1  }
0x36: {  	[sflag:s9] =	ssyncset.done @!p0 $0x0  }
0x37: {  	[sflag:s9] =	ssyncadd.s32 @!p0 $0xFFFF8300  }
.LBB2_1:
0x38: {  	s9 =	rddreg [dreg:$0x2];
	s10 =	simm.s32 @!p0 $0x9  }
0x39: {  	[spmem:s18], [sflag:s17] =	dma.local @!p0 [hbm:s9], $0x7D00  }
0x3a: {  	_ =	swait.ge @!p0 [sflag:s10], $0x7D00  }
0x3b: {  	[sflag:s10] =	ssyncset.done @!p0 $0x0  }
0x3c: {  	[sflag:s10] =	ssyncadd.s32 @!p0 $0xFFFF8300  }
0x3d: {  	[bflag:$0x0] =	sbarrier.arrive $0xFFFF  }
0x3e: {  	s12 =	rddreg [dreg:$0x5]  }
0x3f: {  	s14 =	rddreg [dreg:$0x6]  }
0x40: {  	s15 =	rddreg [dreg:$0x7]  }
0x41: {  	s16 =	rddreg [dreg:$0x8]  }
0x42: {  	[tilespmem:s19], [sflag:$0x1] =	stream.linear.gather [hbm4b:s12+s4], $0x2800, $0x38;
	[tilespmem:$0x1DA80] =	vst v63  }
0x43: {  	s12 =	rddreg [dreg:$0xb]  }
0x44: {  	[tilespmem:s20], [sflag:$0x1] =	stream.linear.gather [hbm4b:s14+s4], $0x50, $0x38;
	[tilespmem:$0x1DA80] =	vst v63  }
0x45: {  	s14 =	rddreg [dreg:$0xc]  }
0x46: {  	[tilespmem:s21], [sflag:$0x2] =	stream.linear.gather [hbm4b:s15+s4], $0x2800, $0x38;
	[tilespmem:$0x1DA80] =	vst v63  }
0x47: {  	s15 =	rddreg [dreg:$0xd]  }
0x48: {  	[tilespmem:s22], [sflag:$0x2] =	stream.linear.gather [hbm4b:s16+s4], $0x50, $0x38;
	[tilespmem:$0x1DA80] =	vst v63  }
0x49: {  	s11 =	simm.s32 $0x0;
	s16 =	rddreg [dreg:$0xe]  }
.LBB2_2:
0x4a: {  	_ =	swait.ge [sflag:s23], $0x2800  }
0x4b: {  	[sflag:s23] =	ssyncset.done $0x0  }
0x4c: {  	[sflag:s23] =	ssyncadd.s32 $0xFFFFD800  }
0x4d: {  	_ =	swait.ge [sflag:s23], $0x50  }
0x4e: {  	p1 =	seq.s32 s11, $0x0;
	[sflag:s23] =	ssyncset.done $0x0  }
0x4f: {  	s10 =	simm.s32 @!p1 $0x7;
	[sflag:s23] =	ssyncadd.s32 $0xFFFFFFB0  }
0x50: {  	[spmem:s3] =	stream.indirect.scatter.add.f32 [tilespmem:s19], [sflag:$0x5], $0x80, s20, s24, $0xb8;
	[tilespmem:$0x1DA80] =	vst v63  }
0x51: {  	_ =	swait.ge @!p1 [sflag:s10], $0x2800  }
0x52: {  	[sflag:s10] =	ssyncset.done @!p1 $0x0  }
0x53: {  	[sflag:s10] =	ssyncadd.s32 @!p1 $0xFFFFD800;
	s10 =	sadd.s32 s11, s13  }
0x54: {  	[tilespmem:s25], [sflag:$0x3] =	stream.linear.gather [hbm4b:s16+s4], $0x2800, $0x38;
	[tilespmem:$0x1DA80] =	vst v63  }
0x55: {  	s9 =	sadd.s32 $0x3534, s10  }
0x56: {  	[tilespmem:s26], [sflag:$0x3] =	stream.linear.gather [hbm4b:s9+s4], $0x50, $0x38;
	[tilespmem:$0x1DA80] =	vst v63  }
0x57: {  	_ =	swait.ge [sflag:s28], $0x2800  }
0x58: {  	[sflag:s28] =	ssyncset.done $0x0  }
0x59: {  	[sflag:s28] =	ssyncadd.s32 $0xFFFFD800  }
0x5a: {  	_ =	swait.ge [sflag:s28], $0x50  }
0x5b: {  	[sflag:s28] =	ssyncset.done $0x0  }
0x5c: {  	s9 =	simm.s32 @!p1 $0x8;
	[sflag:s28] =	ssyncadd.s32 $0xFFFFFFB0  }
0x5d: {  	[spmem:s3] =	stream.indirect.scatter.add.f32 [tilespmem:s21], [sflag:$0x6], $0x80, s22, s24, $0xb8;
	[tilespmem:$0x1DA80] =	vst v63  }
0x5e: {  	_ =	swait.ge @!p1 [sflag:s9], $0x2800  }
0x5f: {  	[sflag:s9] =	ssyncset.done @!p1 $0x0  }
0x60: {  	[sflag:s9] =	ssyncadd.s32 @!p1 $0xFFFFD800  }
0x61: {  	[tilespmem:s29], [sflag:$0x4] =	stream.linear.gather [hbm4b:s15+s4], $0x2800, $0x38;
	[tilespmem:$0x1DA80] =	vst v63  }
0x62: {  	s9 =	sadd.s32 $0x353E, s10  }
0x63: {  	[tilespmem:s30], [sflag:$0x4] =	stream.linear.gather [hbm4b:s9+s4], $0x50, $0x38;
	[tilespmem:$0x1DA80] =	vst v63  }
0x64: {  	_ =	swait.ge [sflag:s31], $0x2800  }
0x65: {  	[sflag:s31] =	ssyncset.done $0x0  }
0x66: {  	[sflag:s31] =	ssyncadd.s32 $0xFFFFD800  }
0x67: {  	_ =	swait.ge [sflag:s31], $0x50  }
0x68: {  	p1 =	seq.s32 s11, $0x168;
	[sflag:s31] =	ssyncset.done $0x0  }
.Ltmp2:
0x69: {  	[sflag:s31] =	ssyncadd.s32 $0xFFFFFFB0;
	(pc) =	sbr.rel @p1 .LBB2_4-.Ltmp2, $4  }
0x6a: {  	[spmem:s3] =	stream.indirect.scatter.add.f32 [tilespmem:s25], [sflag:$0x7], $0x80, s26, s24, $0xb8;
	[tilespmem:$0x1DA80] =	vst v63  }
0x6b: {  	_ =	swait.ge [sflag:s0], $0x2800  }
0x6c: {  	[sflag:s0] =	ssyncset.done $0x0  }
0x6d: {  	[sflag:s0] =	ssyncadd.s32 $0xFFFFD800  }
0x6e: {  	s9 =	sshrl.u32 s14, $0x3  }
0x6f: {  	s9 =	sadd.s32 s5, s9  }
0x70: {  	[tilespmem:s19], [sflag:$0x1] =	stream.linear.gather [hbm4b:s9+s4], $0x2800, $0x38;
	[tilespmem:$0x1DA80] =	vst v63  }
0x71: {  	s9 =	sadd.s32 $0x3548, s10  }
0x72: {  	[tilespmem:s20], [sflag:$0x1] =	stream.linear.gather [hbm4b:s9+s4], $0x50, $0x38;
	[tilespmem:$0x1DA80] =	vst v63  }
0x73: {  	_ =	swait.ge [sflag:s1], $0x2800  }
0x74: {  	[sflag:s1] =	ssyncset.done $0x0  }
0x75: {  	[sflag:s1] =	ssyncadd.s32 $0xFFFFD800  }
0x76: {  	_ =	swait.ge [sflag:s1], $0x50  }
0x77: {  	[sflag:s1] =	ssyncset.done $0x0  }
0x78: {  	[sflag:s1] =	ssyncadd.s32 $0xFFFFFFB0  }
0x79: {  	[spmem:s3] =	stream.indirect.scatter.add.f32 [tilespmem:s29], [sflag:$0x8], $0x80, s30, s24, $0xb8;
	[tilespmem:$0x1DA80] =	vst v63  }
0x7a: {  	_ =	swait.ge [sflag:s2], $0x2800  }
.Ltmp3:
0x7b: {  	s11 =	sadd.s32 $0x28, s11;
	[sflag:s2] =	ssyncset.done $0x0;
	(pc) =	sbr.rel .LBB2_2-.Ltmp3, $4  }
0x7c: {  	s14 =	sadd.s32 $0xA000, s14;
	s15 =	sadd.s32 $0x1400, s15;
	[sflag:s2] =	ssyncadd.s32 $0xFFFFD800  }
0x7d: {  	[tilespmem:s21], [sflag:$0x2] =	stream.linear.gather [hbm4b:s12+s4], $0x2800, $0x38;
	[tilespmem:$0x1DA80] =	vst v63  }
0x7e: {  	s16 =	sadd.s32 $0x1400, s16;
	s10 =	sadd.s32 $0x3552, s10;
	s12 =	sadd.s32 $0x1400, s12  }
0x7f: {  	[tilespmem:s22], [sflag:$0x2] =	stream.linear.gather [hbm4b:s10+s4], $0x50, $0x38;
	[tilespmem:$0x1DA80] =	vst v63  }
.LBB2_5:
0x80: {  	_ =	sfence.sel $0x180000  }
0x81: {  	[bflag:$0x0] =	sbarrier.arrive $0xFFFF  }
0x82: {  	_ =	strace $0x9000004D  }
0x83: {  	s0 =	stileid.u32;
	[bflag:$0x2] =	sbarrier.arrive $0xFFFF  }
0x84: {  	p0 =	sne.s32 s0, $0x0;
	s0 =	rddreg [dreg:$0x4]  }
0x85: {  	s0 =	sadd.s32 @!p0 $0x100000, s0  }
0x86: {  	[sflag:s0] =	ssyncadd.tile.s32 @!p0 $0x1;
	_ =	shalt  }
.Lfunc_end2:
_tile_overlayer_lowered:
.L_overlay_start_2:
0x87: {  	(tag) =	ssettag $0x2  }
0x88: {  	s0 =	rddreg [dreg:$0x0];
	s2 =	stileid.u32  }
0x89: {  	s1 =	rddreg [dreg:$0x1];
	p0 =	sne.s32 s2, $0x0  }
0x8a: {  	s3 =	rddreg [dreg:$0x2];
	[bflag:$0x3] =	sbarrier.arrive $0xFFFF;
	s2 =	simm.s32 @!p0 $0x1C09  }
0x8b: {  	[timem:s3], [sflag:s2] =	dma.local @!p0 [hbm:s0], s1  }
0x8c: {  	s0 =	simm.s32 @!p0 $0x9  }
0x8d: {  	_ =	swait.ge @!p0 [sflag:s0], s1  }
0x8e: {  	s1 =	ssub.s32 @!p0 $0x0, s1;
	[sflag:s0] =	ssyncset.done @!p0 $0x0  }
0x8f: {  	[sflag:s0] =	ssyncadd.s32 @!p0 s1  }
0x90: {  	[bflag:$0x3] =	sbarrier.arrive $0xFFFF  }
0x91: {  	_ =	shalt  }

// kernel: kernel.9.cloned.1.call-start
scs
__scs_entry_jumppad:
0x0: {  	(pc) =	sbr.rel $0x88, $3  }
0x1: {  	(tag) =	ssettag $0x0;
	lr =	simm.s32 $0x1  }
0x2: {  	[smem:$0x3F97] =	sst lr;
	_ =	strace $0xD0000000  }
0x3: {  	_ = 	snop  }
0x4: {  	_ = 	snop  }
0x5: {  	_ = 	snop  }
0x6: {  	_ = 	snop  }
0x7: {  	_ = 	snop  }
__scs_overlays_trampoline_lowered:
0x8: {  	[smem:$0x3FA6] =	sst s0  }
0x9: {  	[smem:$0x3FA7] =	sst s1  }
0xa: {  	[smem:$0x3FA8] =	sst s2  }
0xb: {  	[smem:$0x3FA9] =	sst s3  }
0xc: {  	[smem:$0x3FAA] =	sst s4  }
0xd: {  	[smem:$0x3FAB] =	sst s5  }
0xe: {  	[smem:$0x3FAC] =	sst s6  }
0xf: {  	[smem:$0x3FAD] =	sst s7  }
0x10: {  	[smem:$0x3FAE] =	sst s8  }
0x11: {  	[smem:$0x3FAF] =	sst s9;
	s0 =	simm.s32 @!p0 $0x0  }
0x12: {  	s1 =	sld [smem:$0x3F95];
	s0 =	simm.s32 @p0 $0x1  }
0x13: {  	[smem:$0x3FB0] =	sst s0;
	s0 =	simm.s32 @!p1 $0x0  }
0x14: {  	s2 =	sld [smem:$0x3F94];
	s0 =	simm.s32 @p1 $0x1  }
0x15: {  	[smem:$0x3FB1] =	sst s0;
	s0 =	simm.s32 @!p2 $0x0  }
0x16: {  	s3 =	sld [smem:$0x3FDB];
	s0 =	simm.s32 @p2 $0x1  }
0x17: {  	s4 =	simm.s32 $0x1BF5;
	[smem:$0x3FB3] =	sst s0  }
0x18: {  	s0 =	sld [smem:$0x3F96];
	_ =	swait.ge [sflag:s4], $0x0  }
0x19: {  	s7 =	sld [smem:$0x3F97]  }
0x1a: {  	s8 =	sadd.s32 $0xFFFFE003, lr  }
0x1b: {  	s9 =	sadd.s32 $0xFFFFFEF7, lr;
	s5 =	simm.s32 $0xFFFFFFFF;
	p2 =	slt.u32 s8, $0xFFFFF086  }
0x1c: {  	p1 =	slt.u32 s9, $0xF7A;
	s5 =	simm.s32 @!p2 $0x0  }
0x1d: {  	s5 =	simm.s32 @p1 $0x1;
	p0 =	seq.s32 s7, s2  }
0x1e: {  	s7 =	smul.u32 @!p0 $0xF7A, s2;
	p2 =	seq.s32 @!p0 s5, $0x0  }
0x1f: {  	s9 =	smul.u32 $0xF7A, s1;
	s8 =	simm.s32 @!p0 $0x1BF5;
	p2 =	por !p2, p0  }
0x20: {  	[sflag:s8] =	ssyncset.s32 @!p0 $0xFFFFF086;
	s6 =	sadd.s32 @!p0 s3, s7;
	s7 =	simm.s32 @!p0 $0x108  }
0x21: {  	s3 =	sadd.s32 s3, s9;
	s6 =	sadd.s32 @!p0 $0x88, s6;
	s7 =	simm.s32 @p2 $0x1082  }
0x22: {  	[simem:s7], [sflag:s8] =	dma.local @!p0 [hbm:s6], $0xF7A  }
0x23: {  	s9 =	sor.u32 $0xD0000000, s2;
	s6 =	simm.s32 $0x108;
	_ =	swait.ge @!p0 [sflag:s8], $0x0  }
0x24: {  	s3 =	sadd.s32 $0x88, s3;
	s6 =	simm.s32 @!p1 $0x1082;
	[sflag:s4] =	ssyncset.s32 $0xFFFFF086  }
0x25: {  	[simem:s6], [sflag:s4] =	dma.local [hbm:s3], $0xF7A  }
0x26: {  	[smem:$0x3F97] =	sst s1;
	(tag) =	ssettag s2;
	_ =	strace s9  }
0x27: {  	s1 =	sld [smem:$0x3FA7]  }
0x28: {  	s2 =	sld [smem:$0x3FA8]  }
0x29: {  	s4 =	sld [smem:$0x3FAA]  }
0x2a: {  	p0 =	seq.s32 s5, $0x0;
	s5 =	sld [smem:$0x3FAB]  }
0x2b: {  	s6 =	sld [smem:$0x3FAC]  }
0x2c: {  	s7 =	sld [smem:$0x3FAD]  }
0x2d: {  	s3 =	simm.s32 $0x108;
	s8 =	sld [smem:$0x3FAE]  }
0x2e: {  	s3 =	simm.s32 @!p0 $0x1082;
	s9 =	sld [smem:$0x3FAF]  }
0x2f: {  	lr =	sadd.s32 s0, s3;
	s0 =	sld [smem:$0x3FA6]  }
0x30: {  	s3 =	sld [smem:$0x3FA9]  }
0x31: {  	[smem:$0x3FB2] =	sst s10  }
0x32: {  	s10 =	sld [smem:$0x3FB0];
	_ =	sdelay $0x3  }
0x33: {  	p0 =	seq.s32 s10, $0x1;
	s10 =	sld [smem:$0x3FB2];
	_ =	sdelay $0x3  }
0x34: {  	[smem:$0x3FB2] =	sst s10  }
0x35: {  	s10 =	sld [smem:$0x3FB1];
	_ =	sdelay $0x3  }
0x36: {  	p1 =	seq.s32 s10, $0x1;
	s10 =	sld [smem:$0x3FB2];
	_ =	sdelay $0x3  }
0x37: {  	[smem:$0x3FB2] =	sst s10  }
0x38: {  	s10 =	sld [smem:$0x3FB3]  }
0x39: {  	_ = 	snop;
	(pc) =	sbr.ind lr, $3  }
0x3a: {  	_ = 	snop  }
0x3b: {  	_ = 	snop  }
0x3c: {  	p2 =	seq.s32 s10, $0x1;
	s10 =	sld [smem:$0x3FB2]  }
0x3d: {  	_ =	shalt  }
0x3e: {  	_ =	shalt  }
0x3f: {  	_ =	shalt  }
0x40: {  	_ =	shalt  }
0x41: {  	_ =	shalt  }
0x42: {  	_ =	shalt  }
0x43: {  	_ =	shalt  }
0x44: {  	_ =	shalt  }
0x45: {  	_ =	shalt  }
0x46: {  	_ =	shalt  }
0x47: {  	_ =	shalt  }
0x48: {  	_ =	shalt  }
0x49: {  	_ =	shalt  }
0x4a: {  	_ =	shalt  }
0x4b: {  	_ =	shalt  }
0x4c: {  	_ =	shalt  }
0x4d: {  	_ =	shalt  }
0x4e: {  	_ =	shalt  }
0x4f: {  	_ =	shalt  }
0x50: {  	_ =	shalt  }
0x51: {  	_ =	shalt  }
0x52: {  	_ =	shalt  }
0x53: {  	_ =	shalt  }
0x54: {  	_ =	shalt  }
0x55: {  	_ =	shalt  }
0x56: {  	_ =	shalt  }
0x57: {  	_ =	shalt  }
0x58: {  	_ =	shalt  }
0x59: {  	_ =	shalt  }
0x5a: {  	_ =	shalt  }
0x5b: {  	_ =	shalt  }
0x5c: {  	_ =	shalt  }
0x5d: {  	_ =	shalt  }
0x5e: {  	_ =	shalt  }
0x5f: {  	_ =	shalt  }
0x60: {  	_ =	shalt  }
0x61: {  	_ =	shalt  }
0x62: {  	_ =	shalt  }
0x63: {  	_ =	shalt  }
0x64: {  	_ =	shalt  }
0x65: {  	_ =	shalt  }
0x66: {  	_ =	shalt  }
0x67: {  	_ =	shalt  }
0x68: {  	_ =	shalt  }
0x69: {  	_ =	shalt  }
0x6a: {  	_ =	shalt  }
0x6b: {  	_ =	shalt  }
0x6c: {  	_ =	shalt  }
0x6d: {  	_ =	shalt  }
0x6e: {  	_ =	shalt  }
0x6f: {  	_ =	shalt  }
0x70: {  	_ =	shalt  }
0x71: {  	_ =	shalt  }
0x72: {  	_ =	shalt  }
0x73: {  	_ =	shalt  }
0x74: {  	_ =	shalt  }
0x75: {  	_ =	shalt  }
0x76: {  	_ =	shalt  }
0x77: {  	_ =	shalt  }
0x78: {  	_ =	shalt  }
0x79: {  	_ =	shalt  }
0x7a: {  	_ =	shalt  }
0x7b: {  	_ =	shalt  }
0x7c: {  	_ =	shalt  }
0x7d: {  	_ =	shalt  }
0x7e: {  	_ =	shalt  }
0x7f: {  	_ =	shalt  }
0x80: {  	_ =	shalt  }
0x81: {  	_ =	shalt  }
0x82: {  	_ =	shalt  }
0x83: {  	_ =	shalt  }
0x84: {  	_ =	shalt  }
0x85: {  	_ =	shalt  }
0x86: {  	_ =	shalt  }
0x87: {  	_ =	shalt  }
.Lfunc_end0:
.L_simem_size_0:
called_computation_lowered:
.L_overlay_start_0:
0x88: {  	s2 =	sld [smem:$0x3FD9]  }
0x89: {  	s3 =	sld [smem:$0x3FFE];
	_ =	sdelay $0x1  }
0x8a: {  	s1 =	srdreg.scid  }
0x8b: {  	s0 =	sand.u32 $0x1, s1  }
0x8c: {  	s17 =	sshll.u32 s0, $0xA;
	s2 =	sadd.s32 s3, s2  }
0x8d: {  	s2 =	sadd.s32 s2, s17  }
0x8e: {  	[smem:$0x3FBE] =	sst s2  }
0x8f: {  	_ = 	snop  }
0x90: {  	s2 =	sld [smem:$0x3FC0]  }
0x91: {  	s18 =	sld [smem:$0x3FD0];
	(tm) =	ssettm $0x1  }
0x92: {  	s4 =	sld [smem:$0x3FFB];
	_ =	sdelay $0x3  }
0x93: {  	_ =	strace s4  }
0x94: {  	s4 =	sld [smem:$0x3FFC];
	_ =	sdelay $0x3  }
0x95: {  	_ =	strace s4  }
0x96: {  	s4 =	sld [smem:$0x3FFD];
	_ =	sdelay $0x3  }
0x97: {  	_ =	strace s4  }
0x98: {  	_ =	strace $0x8FFFFFFF  }
0x99: {  	s19 =	sld [smem:$0x3FDB];
	_ =	sdelay $0x1  }
0x9a: {  	s5 =	simm.s32 $_scs_section_size  }
0x9b: {  	s6 =	simm.s32 $_size__tile_overlayer_lowered;
	s7 =	simm.s32 $_tile_overlayer_lowered  }
0x9c: {  	s22 =	simm.s32 $0x1BFF;
	s21 =	sshll.u32 s7, $0x1;
	s4 =	sadd.s32 s5, s19  }
0x9d: {  	s8 =	simm.s32 $0x0;
	s20 =	sshll.u32 s6, $0x1;
	s6 =	sadd.s32 s21, s4  }
0x9e: {  	[timem:s8], [sflag:s22] =	dma.local [hbm:s6], s20  }
0x9f: {  	_ =	swait.ge [sflag:s22], s20  }
0xa0: {  	s5 =	ssub.s32 $0x0, s20;
	[sflag:s22] =	ssyncset.done $0x0  }
0xa1: {  	[sflag:s22] =	ssyncadd.s32 s5;
	_ =	sdelay $0x1  }
0xa2: {  	s23 =	simm.s32 $0x1B8B  }
0xa3: {  	_ =	swait.ge [sflag:s23], $0x1  }
0xa4: {  	[sflag:s23] =	ssyncset.done $0x0  }
0xa5: {  	s25 =	simm.s32 $0x1B8E;
	s24 =	sld [smem:$0x3FFE];
	[sflag:s23] =	ssyncadd.s32 $0xFFFFFFFF  }
0xa6: {  	s26 =	simm.s32 $execute0_lowered;
	[smem:$0x3FD2] =	sst s25  }
0xa7: {  	s6 =	sshll.u32 s26, $0x1;
	_ =	strace $0x80000046;
	[dreg:$0x1] =	wrdreg $0xFFFFFFFF  }
0xa8: {  	s28 =	simm.s32 $_size_execute0_lowered;
	s4 =	sadd.s32 s4, s6;
	[dreg:$0x0] =	wrdreg $0x0  }
0xa9: {  	s6 =	sshll.u32 s28, $0x1;
	[dreg:$0x2] =	wrdreg s4  }
0xaa: {  	[dreg:$0x3] =	wrdreg s6  }
0xab: {  	[dreg:$0x4] =	wrdreg $0xC0  }
0xac: {  	_ =	task [dreg:s8], $0x5FFFF  }
0xad: {  	[dreg:$0x1] =	wrdreg $0xFFFFFFFF  }
0xae: {  	[dreg:$0x0] =	wrdreg $0x60  }
0xaf: {  	[dreg:$0x2] =	wrdreg s24  }
0xb0: {  	[dreg:$0x3] =	wrdreg s2  }
0xb1: {  	[dreg:$0x4] =	wrdreg s18  }
0xb2: {  	[dreg:$0x5] =	wrdreg $0x0  }
0xb3: {  	[dreg:$0x6] =	wrdreg $0x9  }
0xb4: {  	_ =	task.clear_ibuf [dreg:s8], $0x7FFFF;
	_ =	strace $0x90000046  }
0xb5: {  	s29 =	simm.s32 $0x9;
	_ =	strace $0x80000048  }
0xb6: {  	_ =	swait.ge [sflag:s29], $0x1  }
0xb7: {  	[sflag:s29] =	ssyncadd.s32 $0xFFFFFFFF  }
0xb8: {  	_ =	strace $0x90000048  }
0xb9: {  	_ =	sfence  }
0xba: {  	s30 =	sld [smem:$0x0];
	_ =	sdelay $0x2  }
0xbb: {  	s31 =	sshll.u32 s1, $0xD;
	s1 =	sshrl.u32 s1, $0x2  }
0xbc: {  	s3 =	sand.u32 $0x4000, s31;
	s1 =	sadd.s32 s1, s30  }
0xbd: {  	s0 =	sor.u32 s3, s0;
	s1 =	sshll.u32 s1, $0x11  }
0xbe: {  	s0 =	sor.u32 s1, s0  }
0xbf: {  	s0 =	sadd.s32 $0x8F2B, s0  }
0xc0: {  	[sflag:s0] =	ssyncadd.remote.s32 $0x1  }
0xc1: {  	_ =	sfence.sel $0xFFFF  }
0xc2: {  	[dreg:$0x0] =	wrdreg $0xFFFFFFFF;
	(pc) =	sbr.abs _section_cstart, $3  }
0xc3: {  	[dreg:$0x1] =	wrdreg $0xFFFFFFFF  }
0xc4: {  	_ =	task.clear_ibuf [dreg:s8], $0x2FFFF;
	_ =	strace $0x9FFFFFFF  }
0xc5: {  	(tm) =	ssettm $0x7FFFFFFF  }
tec
execute0_lowered:
.L_overlay_start_1:
0x0: {  	(tag) =	ssettag $0x1  }
0x1: {  	s1 =	rddreg [dreg:$0x0]  }
0x2: {  	s0 =	rddreg [dreg:$0x1];
	s2 =	srdreg.scid  }
0x3: {  	s4 =	rddreg [dreg:$0x3];
	s12 =	stileid.u32  }
0x4: {  	s5 =	simm.s32 $0x0;
	s28 =	simm.s32 $0x2;
	s8 =	smul.u32 $0x3E800, s12  }
0x5: {  	s29 =	simm.s32 $0x1B080;
	s30 =	simm.s32 $0x1DA00;
	s6 =	smul.u32 $0xE10, s12  }
0x6: {  	s31 =	simm.s32 $0x3;
	s2 =	sand.u32 $0x1, s2;
	s9 =	smul.u32 $0xFA000, s12  }
0x7: {  	[smem:$0x7FF] =	sst s5;
	s7 =	sadd.s32 $0x1C00, s1;
	s11 =	smul.u32 $0x70800, s12  }
0x8: {  	p0 =	sgt.u32 s12, $0x4;
	s3 =	smul.u32 $0x138800, s2;
	s10 =	ssub.s32 $0x2, s2  }
0x9: {  	_ =	strace $0x80000047;
	s20 =	sshrl.u32 s10, $0x1;
	s22 =	sadd.s32 $0x50, s6  }
0xa: {  	s9 =	sshrl.u32 s9, $0x2;
	s25 =	sshrl.u32 s6, $0x3;
	s13 =	sadd.s32 $0x140, s6  }
0xb: {  	s14 =	sadd.s32 $0x190, s6;
	s3 =	sadd.s32 s8, s3;
	s8 =	smul.u32 $0x708000, s2  }
0xc: {  	s21 =	ssub.s32 s10, s20;
	s24 =	sshll.u32 s22, $0x7;
	s9 =	sadd.s32 s9, s4  }
0xd: {  	s20 =	simm.s32 $0x1D880;
	s19 =	sshrl.u32 s3, $0x3;
	s3 =	sshrl.u32 s22, $0x3  }
0xe: {  	s2 =	smax.u32 s21, $0x1;
	s18 =	sshrl.u32 @!p0 s9, $0x3;
	s21 =	simm.s32 $0x16080  }
0xf: {  	s22 =	simm.s32 $0x1D900;
	s1 =	sadd.s32 s19, s1;
	s23 =	sadd.s32 s11, s8  }
0x10: {  	s11 =	sadd.s32 s8, s24;
	s3 =	sadd.s32 s0, s3;
	[dreg:$0xa] =	wrdreg s2  }
0x11: {  	s19 =	simm.s32 $0x13880;
	s24 =	simm.s32 $0x50;
	s2 =	simm.s32 $0x4  }
0x12: {  	s10 =	sshrl.u32 s23, $0x3;
	s11 =	sshrl.u32 s11, $0x3;
	[dreg:$0x8] =	wrdreg s3  }
0x13: {  	s1 =	sadd.s32 $0x1C3C00, s1;
	s23 =	simm.s32 $0x1;
	s3 =	simm.s32 $0x6  }
.Ltmp0:
0x14: {  	s10 =	sadd.s32 s7, s10;
	[dreg:$0x9] =	wrdreg s1;
	(pc) =	sbr.rel .LBB2_1-.Ltmp0, $4  }
0x15: {  	s26 =	sadd.s32 s7, s11;
	s1 =	sshll.u32 @!p0 s12, $0x6;
	[dreg:$0x5] =	wrdreg s10  }
0x16: {  	s11 =	simm.s32 $0x0;
	s10 =	sadd.s32 s0, s25;
	[dreg:$0x7] =	wrdreg s26  }
0x17: {  	s17 =	sor.u32 @!p0 $0x1C09, s1;
	s25 =	simm.s32 $0x18880;
	s26 =	simm.s32 $0x1D980  }
0x18: {  	s1 =	simm.s32 $0x5;
	[dreg:$0x6] =	wrdreg s10;
	s10 =	simm.s32 $0x8  }
.LBB2_4:
0x19: {  	_ =	swait.ge [sflag:s23], $0x2800  }
0x1a: {  	[sflag:s23] =	ssyncset.done $0x0  }
0x1b: {  	[sflag:s23] =	ssyncadd.s32 $0xFFFFD800  }
0x1c: {  	_ =	swait.ge [sflag:s23], $0x50  }
0x1d: {  	[sflag:s23] =	ssyncset.done $0x0  }
0x1e: {  	s9 =	simm.s32 $0x7;
	[sflag:s23] =	ssyncadd.s32 $0xFFFFFFB0  }
0x1f: {  	[spmem:s4] =	stream.indirect.scatter.add.f32 [tilespmem:s19], [sflag:$0x5], $0x80, s20, s24, $0xb8;
	[tilespmem:$0x1DA80] =	vst v63  }
0x20: {  	_ =	swait.ge [sflag:s9], $0x2800  }
0x21: {  	[sflag:s9] =	ssyncset.done $0x0  }
0x22: {  	[sflag:s9] =	ssyncadd.s32 $0xFFFFD800  }
0x23: {  	_ =	swait.ge [sflag:s10], $0x2800  }
0x24: {  	[sflag:s10] =	ssyncset.done $0x0  }
0x25: {  	[sflag:s10] =	ssyncadd.s32 $0xFFFFD800  }
0x26: {  	_ =	swait.ge [sflag:s1], $0x2800  }
0x27: {  	[sflag:s1] =	ssyncset.done $0x0  }
0x28: {  	[sflag:s1] =	ssyncadd.s32 $0xFFFFD800  }
0x29: {  	[bflag:$0x0] =	sbarrier.arrive $0xFFFF  }
0x2a: {  	s9 =	rddreg [dreg:$0x9]  }
0x2b: {  	[hbm:s9], [sflag:s17] =	dma.local @!p0 [spmem:s18], $0x7D00  }
0x2c: {  	s9 =	simm.s32 @!p0 $0x9  }
0x2d: {  	_ =	swait.ge @!p0 [sflag:s9], $0x7D00  }
0x2e: {  	s11 =	sadd.s32 $0x1, s11;
	s12 =	rddreg [dreg:$0xa]  }
0x2f: {  	p1 =	sne.s32 s11, s12  }
.Ltmp1:
0x30: {  	_ = 	snop;
	(pc) =	sbr.rel @!p1 .LBB2_5-.Ltmp1, $3  }
0x31: {  	_ =	sdelay $0x1  }
0x32: {  	[sflag:s9] =	ssyncset.done @!p0 $0x0  }
0x33: {  	[sflag:s9] =	ssyncadd.s32 @!p0 $0xFFFF8300  }
.LBB2_1:
0x34: {  	s9 =	rddreg [dreg:$0x2];
	s12 =	simm.s32 @!p0 $0x9  }
0x35: {  	[spmem:s18], [sflag:s17] =	dma.local @!p0 [hbm:s9], $0x7D00  }
0x36: {  	_ =	swait.ge @!p0 [sflag:s12], $0x7D00  }
0x37: {  	[sflag:s12] =	ssyncset.done @!p0 $0x0  }
0x38: {  	[sflag:s12] =	ssyncadd.s32 @!p0 $0xFFFF8300  }
0x39: {  	[bflag:$0x0] =	sbarrier.arrive $0xFFFF  }
0x3a: {  	s16 =	rddreg [dreg:$0x5]  }
0x3b: {  	[tilespmem:s19], [sflag:$0x1] =	stream.linear.gather [hbm4b:s16+s5], $0x2800, $0x38;
	[tilespmem:$0x1DA80] =	vst v63  }
0x3c: {  	s12 =	rddreg [dreg:$0x6]  }
0x3d: {  	[tilespmem:s20], [sflag:$0x1] =	stream.linear.gather [hbm4b:s12+s5], $0x50, $0x38;
	[tilespmem:$0x1DA80] =	vst v63  }
0x3e: {  	s15 =	rddreg [dreg:$0x7]  }
0x3f: {  	[tilespmem:s21], [sflag:$0x2] =	stream.linear.gather [hbm4b:s15+s5], $0x2800, $0x38;
	[tilespmem:$0x1DA80] =	vst v63  }
0x40: {  	s16 =	rddreg [dreg:$0x8];
	s15 =	simm.s32 $0x0  }
0x41: {  	[tilespmem:s22], [sflag:$0x2] =	stream.linear.gather [hbm4b:s16+s5], $0x50, $0x38;
	[tilespmem:$0x1DA80] =	vst v63  }
.LBB2_2:
0x42: {  	_ =	swait.ge [sflag:s23], $0x2800  }
0x43: {  	p1 =	seq.s32 s15, $0x0;
	[sflag:s23] =	ssyncset.done $0x0  }
0x44: {  	s12 =	sadd.s32 @!p1 $0xA0, s15;
	[sflag:s23] =	ssyncadd.s32 $0xFFFFD800  }
0x45: {  	s12 =	simm.s32 @p1 $0xA0;
	_ =	swait.ge [sflag:s23], $0x50  }
0x46: {  	s12 =	sadd.s32 s6, s12;
	[sflag:s23] =	ssyncset.done $0x0  }
0x47: {  	s16 =	simm.s32 @!p1 $0x7;
	s9 =	sshll.u32 s12, $0x7;
	[sflag:s23] =	ssyncadd.s32 $0xFFFFFFB0  }
0x48: {  	[spmem:s4] =	stream.indirect.scatter.add.f32 [tilespmem:s19], [sflag:$0x5], $0x80, s20, s24, $0xb8;
	[tilespmem:$0x1DA80] =	vst v63  }
0x49: {  	s9 =	sadd.s32 s8, s9;
	_ =	swait.ge @!p1 [sflag:s16], $0x2800  }
0x4a: {  	s9 =	sshrl.u32 s9, $0x3;
	[sflag:s16] =	ssyncset.done @!p1 $0x0  }
0x4b: {  	s12 =	sshrl.u32 s12, $0x3;
	s9 =	sadd.s32 s7, s9;
	[sflag:s16] =	ssyncadd.s32 @!p1 $0xFFFFD800  }
0x4c: {  	[tilespmem:s25], [sflag:$0x3] =	stream.linear.gather [hbm4b:s9+s5], $0x2800, $0x38;
	[tilespmem:$0x1DA80] =	vst v63  }
0x4d: {  	s9 =	sadd.s32 s0, s12  }
0x4e: {  	[tilespmem:s26], [sflag:$0x3] =	stream.linear.gather [hbm4b:s9+s5], $0x50, $0x38;
	[tilespmem:$0x1DA80] =	vst v63  }
0x4f: {  	_ =	swait.ge [sflag:s28], $0x2800  }
0x50: {  	[sflag:s28] =	ssyncset.done $0x0  }
0x51: {  	s9 =	sadd.s32 @!p1 $0xF0, s15;
	[sflag:s28] =	ssyncadd.s32 $0xFFFFD800  }
0x52: {  	s9 =	simm.s32 @p1 $0xF0;
	_ =	swait.ge [sflag:s28], $0x50  }
0x53: {  	s9 =	sadd.s32 s6, s9;
	[sflag:s28] =	ssyncset.done $0x0  }
0x54: {  	s12 =	simm.s32 @!p1 $0x8;
	s16 =	sshll.u32 s9, $0x7;
	[sflag:s28] =	ssyncadd.s32 $0xFFFFFFB0  }
0x55: {  	[spmem:s4] =	stream.indirect.scatter.add.f32 [tilespmem:s21], [sflag:$0x6], $0x80, s22, s24, $0xb8;
	[tilespmem:$0x1DA80] =	vst v63  }
0x56: {  	s16 =	sadd.s32 s8, s16;
	_ =	swait.ge @!p1 [sflag:s12], $0x2800  }
0x57: {  	s16 =	sshrl.u32 s16, $0x3;
	[sflag:s12] =	ssyncset.done @!p1 $0x0  }
0x58: {  	s9 =	sshrl.u32 s9, $0x3;
	s16 =	sadd.s32 s7, s16;
	[sflag:s12] =	ssyncadd.s32 @!p1 $0xFFFFD800  }
0x59: {  	[tilespmem:s29], [sflag:$0x4] =	stream.linear.gather [hbm4b:s16+s5], $0x2800, $0x38;
	[tilespmem:$0x1DA80] =	vst v63  }
0x5a: {  	s9 =	sadd.s32 s0, s9  }
0x5b: {  	[tilespmem:s30], [sflag:$0x4] =	stream.linear.gather [hbm4b:s9+s5], $0x50, $0x38;
	[tilespmem:$0x1DA80] =	vst v63  }
0x5c: {  	_ =	swait.ge [sflag:s31], $0x2800  }
0x5d: {  	[sflag:s31] =	ssyncset.done $0x0  }
0x5e: {  	s12 =	smov.u32 s15;
	[sflag:s31] =	ssyncadd.s32 $0xFFFFD800  }
0x5f: {  	s12 =	simm.s32 @p1 $0x0;
	_ =	swait.ge [sflag:s31], $0x50  }
0x60: {  	s9 =	sadd.s32 s12, s13;
	[sflag:s31] =	ssyncset.done $0x0  }
0x61: {  	s16 =	sshll.u32 s9, $0x7;
	[sflag:s31] =	ssyncadd.s32 $0xFFFFFFB0  }
0x62: {  	[spmem:s4] =	stream.indirect.scatter.add.f32 [tilespmem:s25], [sflag:$0x7], $0x80, s26, s24, $0xb8;
	[tilespmem:$0x1DA80] =	vst v63  }
0x63: {  	s16 =	sadd.s32 s8, s16;
	_ =	swait.ge [sflag:s1], $0x2800  }
0x64: {  	s16 =	sshrl.u32 s16, $0x3;
	[sflag:s1] =	ssyncset.done $0x0  }
0x65: {  	s9 =	sshrl.u32 s9, $0x3;
	s16 =	sadd.s32 s7, s16;
	[sflag:s1] =	ssyncadd.s32 $0xFFFFD800  }
0x66: {  	[tilespmem:s19], [sflag:$0x1] =	stream.linear.gather [hbm4b:s16+s5], $0x2800, $0x38;
	[tilespmem:$0x1DA80] =	vst v63  }
0x67: {  	s9 =	sadd.s32 s0, s9  }
0x68: {  	[tilespmem:s20], [sflag:$0x1] =	stream.linear.gather [hbm4b:s9+s5], $0x50, $0x38;
	[tilespmem:$0x1DA80] =	vst v63  }
0x69: {  	_ =	swait.ge [sflag:s2], $0x2800  }
0x6a: {  	[sflag:s2] =	ssyncset.done $0x0  }
0x6b: {  	[sflag:s2] =	ssyncadd.s32 $0xFFFFD800  }
0x6c: {  	_ =	swait.ge [sflag:s2], $0x50  }
0x6d: {  	p1 =	seq.s32 s15, $0xC80;
	[sflag:s2] =	ssyncset.done $0x0  }
.Ltmp2:
0x6e: {  	[sflag:s2] =	ssyncadd.s32 $0xFFFFFFB0;
	(pc) =	sbr.rel @p1 .LBB2_4-.Ltmp2, $4  }
0x6f: {  	[spmem:s4] =	stream.indirect.scatter.add.f32 [tilespmem:s29], [sflag:$0x8], $0x80, s30, s24, $0xb8;
	[tilespmem:$0x1DA80] =	vst v63  }
0x70: {  	_ =	swait.ge [sflag:s3], $0x2800  }
0x71: {  	[sflag:s3] =	ssyncset.done $0x0  }
0x72: {  	[sflag:s3] =	ssyncadd.s32 $0xFFFFD800  }
0x73: {  	s9 =	sadd.s32 s12, s14  }
0x74: {  	s12 =	sshll.u32 s9, $0x7  }
0x75: {  	s12 =	sadd.s32 s8, s12  }
.Ltmp3:
0x76: {  	s12 =	sshrl.u32 s12, $0x3;
	(pc) =	sbr.rel .LBB2_2-.Ltmp3, $4  }
0x77: {  	s9 =	sshrl.u32 s9, $0x3;
	s12 =	sadd.s32 s7, s12  }
0x78: {  	[tilespmem:s21], [sflag:$0x2] =	stream.linear.gather [hbm4b:s12+s5], $0x2800, $0x38;
	[tilespmem:$0x1DA80] =	vst v63  }
0x79: {  	s15 =	sadd.s32 $0x140, s15;
	s9 =	sadd.s32 s0, s9  }
0x7a: {  	[tilespmem:s22], [sflag:$0x2] =	stream.linear.gather [hbm4b:s9+s5], $0x50, $0x38;
	[tilespmem:$0x1DA80] =	vst v63  }
.LBB2_5:
0x7b: {  	_ =	sfence.sel $0x180000  }
0x7c: {  	[bflag:$0x0] =	sbarrier.arrive $0xFFFF  }
0x7d: {  	_ =	strace $0x90000047  }
0x7e: {  	s0 =	stileid.u32;
	[bflag:$0x2] =	sbarrier.arrive $0xFFFF  }
0x7f: {  	p0 =	sne.s32 s0, $0x0;
	s0 =	rddreg [dreg:$0x4]  }
0x80: {  	s0 =	sadd.s32 @!p0 $0x100000, s0  }
0x81: {  	[sflag:s0] =	ssyncadd.tile.s32 @!p0 $0x1;
	_ =	shalt  }
.Lfunc_end2:
_tile_overlayer_lowered:
.L_overlay_start_2:
0x82: {  	(tag) =	ssettag $0x2  }
0x83: {  	s0 =	rddreg [dreg:$0x0];
	s2 =	stileid.u32  }
0x84: {  	s1 =	rddreg [dreg:$0x1];
	p0 =	sne.s32 s2, $0x0  }
0x85: {  	s3 =	rddreg [dreg:$0x2];
	[bflag:$0x3] =	sbarrier.arrive $0xFFFF;
	s2 =	simm.s32 @!p0 $0x1C09  }
0x86: {  	[timem:s3], [sflag:s2] =	dma.local @!p0 [hbm:s0], s1  }
0x87: {  	s0 =	simm.s32 @!p0 $0x9  }
0x88: {  	_ =	swait.ge @!p0 [sflag:s0], s1  }
0x89: {  	s1 =	ssub.s32 @!p0 $0x0, s1;
	[sflag:s0] =	ssyncset.done @!p0 $0x0  }
0x8a: {  	[sflag:s0] =	ssyncadd.s32 @!p0 s1  }
0x8b: {  	[bflag:$0x3] =	sbarrier.arrive $0xFFFF  }
0x8c: {  	_ =	shalt  }

</sc_bundles>
